<compile_context>
chip_gen: v7x
topology: tpu7x:2x2x1
jax: 0.10.2.dev20260603
libtpu: 0.0.44.dev20260713+nightly
codegen_flags: <defaults>
</compile_context>

<pallas_src>
import functools

import jax
import jax.numpy as jnp
from jax import lax
from jax.experimental import pallas as pl
from jax.experimental.pallas import tpu as pltpu
from jax.experimental.pallas import tpu_sc as plsc

N = 10000
E = 320000
D = 128
NP = 10240
NC = 2
NS = 16
NW = NC * NS
B = 64
CH = 160
EPW = CH * B
EP = NW * EPW
CHR = 16
NBUF = 4
RPT = NP // NS
BLK = 1024

_mesh = plsc.VectorSubcoreMesh(core_axis_name="c", subcore_axis_name="s")


@functools.partial(
    pl.kernel,
    mesh=_mesh,
    out_type=jax.ShapeDtypeStruct((NC, NP), jnp.float32),
    scratch_types=[
        pltpu.VMEM_SHARED((NP,), jnp.float32),
        pltpu.VMEM((CH, B), jnp.int32),
        pltpu.VMEM((B,), jnp.float32),
        pltpu.VMEM((RPT,), jnp.float32),
    ],
)
def _sc_degree(dst_hbm, out_hbm, dacc, dstv, onesv, zv):
    c = lax.axis_index("c")
    s = lax.axis_index("s")
    w = c * NS + s
    pltpu.sync_copy(dst_hbm.at[w], dstv)
    zeros16 = jnp.zeros((16,), jnp.float32)
    ones16 = jnp.ones((16,), jnp.float32)

    @pl.loop(0, B // 16)
    def _(i):
        onesv[pl.ds(i * 16, 16)] = ones16

    @pl.loop(0, RPT // 16)
    def _(i):
        zv[pl.ds(i * 16, 16)] = zeros16

    pltpu.sync_copy(zv, dacc.at[pl.ds(s * RPT, RPT)])
    plsc.subcore_barrier()

    @pl.loop(0, CH)
    def _(i):
        pltpu.sync_copy(onesv, dacc.at[dstv.at[i]], add=True)

    plsc.subcore_barrier()
    pltpu.sync_copy(dacc.at[pl.ds(s * RPT, RPT)], out_hbm.at[c, pl.ds(s * RPT, RPT)])


@functools.partial(
    pl.kernel,
    mesh=_mesh,
    out_type=jax.ShapeDtypeStruct((NC, NP, D), jnp.float32),
    scratch_types=[
        pltpu.VMEM_SHARED((NP, D), jnp.float32),
        pltpu.VMEM((CHR, B), jnp.int32),
        pltpu.VMEM((CHR, B), jnp.int32),
        [pltpu.VMEM((B, D), jnp.float32)] * NBUF,
        [pltpu.SemaphoreType.DMA] * NBUF,
        [pltpu.SemaphoreType.DMA] * NBUF,
    ],
)
def _sc_prop(g_hbm, src_hbm, dst_hbm, out_hbm,
             acc, srcv, dstv, bufs, gsems, ssems):
    c = lax.axis_index("c")
    s = lax.axis_index("s")
    w = c * NS + s

    zeros16 = jnp.zeros((16,), jnp.float32)

    @pl.loop(0, B)
    def _(i):
        for j in range(D // 16):
            bufs[0][i, pl.ds(j * 16, 16)] = zeros16

    @pl.loop(0, RPT // B)
    def _(k):
        pltpu.sync_copy(bufs[0], acc.at[pl.ds(s * RPT + k * B, B)])

    plsc.subcore_barrier()

    @pl.loop(0, CH // CHR)
    def _(r):
        pltpu.sync_copy(src_hbm.at[w, pl.ds(r * CHR, CHR)], srcv)
        pltpu.sync_copy(dst_hbm.at[w, pl.ds(r * CHR, CHR)], dstv)
        for k in range(NBUF - 1):
            pltpu.async_copy(g_hbm.at[srcv.at[k]], bufs[k], gsems[k])

        @pl.loop(0, CHR, step=NBUF)
        def _(i):
            for b in range(NBUF):
                j = i + b
                pltpu.make_async_copy(g_hbm.at[srcv.at[j]],
                                      bufs[b], gsems[b]).wait()
                pltpu.async_copy(bufs[b], acc.at[dstv.at[j]], ssems[b],
                                 add=True)
                m = j + NBUF - 1
                mb = (b + NBUF - 1) % NBUF

                @pl.when(jnp.logical_and(j >= 1, m < CHR))
                def _():
                    pltpu.make_async_copy(bufs[mb], acc.at[dstv.at[j - 1]],
                                          ssems[mb]).wait()

                @pl.when(m < CHR)
                def _():
                    pltpu.async_copy(g_hbm.at[srcv.at[m]], bufs[mb], gsems[mb])

        for k in range(NBUF):
            j = CHR - NBUF + k
            pltpu.make_async_copy(bufs[j % NBUF], acc.at[dstv.at[j]],
                                  ssems[j % NBUF]).wait()

    plsc.subcore_barrier()

    @pl.loop(0, RPT // B)
    def _(k):
        r = s * RPT + k * B
        pltpu.sync_copy(acc.at[pl.ds(r, B)], out_hbm.at[c, pl.ds(r, B)])


def _tc_first_body(x_ref, w_ref, deg_ref, g_ref, dis_ref):
    deg = jnp.sum(deg_ref[...], axis=1, keepdims=True) + 1.0
    dis = lax.rsqrt(deg)
    dis_ref[...] = dis
    g_ref[...] = jnp.dot(x_ref[...], w_ref[...],
                         preferred_element_type=jnp.float32) * dis


def _tc_mid_body(p_ref, g_ref, dis_ref, b_ref, w_ref, o_ref):
    dis = dis_ref[...]
    acc = p_ref[0] + p_ref[1] + g_ref[...]
    h = jnp.maximum(acc * dis + b_ref[...], 0.0)
    o_ref[...] = jnp.dot(h, w_ref[...],
                         preferred_element_type=jnp.float32) * dis


def _tc_final_body(p_ref, g_ref, dis_ref, b_ref, o_ref):
    acc = p_ref[0] + p_ref[1] + g_ref[...]
    o_ref[...] = acc * dis_ref[...] + b_ref[...]


def _tc_first(x_pad, W1, deg_t):
    return pl.pallas_call(
        _tc_first_body,
        grid=(NP // BLK,),
        in_specs=[
            pl.BlockSpec((BLK, D), lambda i: (i, 0)),
            pl.BlockSpec((D, D), lambda i: (0, 0)),
            pl.BlockSpec((BLK, NC), lambda i: (i, 0)),
        ],
        out_specs=(
            pl.BlockSpec((BLK, D), lambda i: (i, 0)),
            pl.BlockSpec((BLK, 1), lambda i: (i, 0)),
        ),
        out_shape=(
            jax.ShapeDtypeStruct((NP, D), jnp.float32),
            jax.ShapeDtypeStruct((NP, 1), jnp.float32),
        ),
    )(x_pad, W1, deg_t)


def _tc_mid(p, g1, dis, b1, W2):
    return pl.pallas_call(
        _tc_mid_body,
        grid=(NP // BLK,),
        in_specs=[
            pl.BlockSpec((NC, BLK, D), lambda i: (0, i, 0)),
            pl.BlockSpec((BLK, D), lambda i: (i, 0)),
            pl.BlockSpec((BLK, 1), lambda i: (i, 0)),
            pl.BlockSpec((1, D), lambda i: (0, 0)),
            pl.BlockSpec((D, D), lambda i: (0, 0)),
        ],
        out_specs=pl.BlockSpec((BLK, D), lambda i: (i, 0)),
        out_shape=jax.ShapeDtypeStruct((NP, D), jnp.float32),
    )(p, g1, dis, b1, W2)


def _tc_final(p, g2, dis, b2):
    return pl.pallas_call(
        _tc_final_body,
        grid=(NP // BLK,),
        in_specs=[
            pl.BlockSpec((NC, BLK, D), lambda i: (0, i, 0)),
            pl.BlockSpec((BLK, D), lambda i: (i, 0)),
            pl.BlockSpec((BLK, 1), lambda i: (i, 0)),
            pl.BlockSpec((1, D), lambda i: (0, 0)),
        ],
        out_specs=pl.BlockSpec((BLK, D), lambda i: (i, 0)),
        out_shape=jax.ShapeDtypeStruct((NP, D), jnp.float32),
    )(p, g2, dis, b2)


def kernel(x, edge_index, W1, b1, W2, b2):
    pad = jnp.full((2, EP - E), NP - 1, jnp.int32)
    ei = jnp.concatenate([edge_index.astype(jnp.int32), pad], axis=1)
    src = ei[0].reshape(NW, CH, B)
    dst = ei[1].astype(jnp.int32)
    dst_w = dst.reshape(NW, CH, B)
    x_pad = jnp.pad(x, ((0, NP - N), (0, 0)))

    deg_parts = _sc_degree(dst_w)
    deg_t = deg_parts.T
    g1, dis = _tc_first(x_pad, W1, deg_t)
    p1 = _sc_prop(g1, src, dst_w)
    g2 = _tc_mid(p1, g1, dis, b1.reshape(1, D), W2)
    p2 = _sc_prop(g2, src, dst_w)
    out = _tc_final(p2, g2, dis, b2.reshape(1, D))
    return out[:N]

# --- scband reference (transcript-rebuilt; emitter-appended) ---
"""Pipeline reference for scband-gcn1-23192823399146 (READ-ONLY COPY).

The authoritative reference and input builder live on the scoring server;
editing this copy changes nothing except your own understanding.
"""

import jax, jax.numpy as jnp
import numpy as np

N_NODES = 10000
N_EDGES = 320000
D_IN = 128
D_HID = 128
D_OUT = 128


def setup_inputs(seed: int = 0) -> dict:
    key = jax.random.key(seed)
    k_x, k_e, k_w1, k_w2 = jax.random.split(key, 4)
    x = jax.random.normal(k_x, (N_NODES, D_IN), dtype=jnp.float32)
    edge_index = jax.random.randint(k_e, (2, N_EDGES), 0, N_NODES, dtype=jnp.int64)
    # Glorot-style init for GCNConv weights (matches torch_geometric GCNConv param shapes)
    s1 = (6.0 / (D_IN + D_HID)) ** 0.5
    W1 = jax.random.uniform(k_w1, (D_IN, D_HID), minval=-s1, maxval=s1, dtype=jnp.float32)
    b1 = jnp.zeros((D_HID,), dtype=jnp.float32)
    s2 = (6.0 / (D_HID + D_OUT)) ** 0.5
    W2 = jax.random.uniform(k_w2, (D_HID, D_OUT), minval=-s2, maxval=s2, dtype=jnp.float32)
    b2 = jnp.zeros((D_OUT,), dtype=jnp.float32)
    return {"x": x, "edge_index": edge_index, "W1": W1, "b1": b1, "W2": W2, "b2": b2}


def _gcn_conv(x, edge_index, W, b):
    # GCNConv: x' = D^{-1/2} (A + I) D^{-1/2} x W + b
    N = x.shape[0]
    src = edge_index[0]
    dst = edge_index[1]
    self_loop = jnp.arange(N, dtype=src.dtype)
    src = jnp.concatenate([src, self_loop])
    dst = jnp.concatenate([dst, self_loop])
    deg = jnp.zeros((N,), dtype=x.dtype).at[dst].add(1.0)
    deg_inv_sqrt = jnp.where(deg > 0, 1.0 / jnp.sqrt(deg), 0.0)
    norm = deg_inv_sqrt[src] * deg_inv_sqrt[dst]
    h = x @ W
    msg = h[src] * norm[:, None]
    out = jax.ops.segment_sum(msg, dst, num_segments=N)
    return out + b


def reference(x, edge_index, W1, b1, W2, b2):
    h = jax.nn.relu(_gcn_conv(x, edge_index, W1, b1))
    # F.dropout with p=0.0 is identity
    out = _gcn_conv(h, edge_index, W2, b2)
    return out

if __name__ == "__main__":
    import jax
    _d = setup_inputs()
    print(jax.jit(kernel)(*tuple(_d.values())))

</pallas_src>

<mosaic_0001>
#map = affine_map<(d0, d1) -> (0, 0)>
#map1 = affine_map<(d0, d1) -> (0, 0, 0)>
module attributes {stable_mosaic.version = 14 : i64} {
  func.func @_sc_prop(%arg0: i32, %arg1: i32, %arg2: memref<10240x128xf32, #tpu.memory_space<hbm>>, %arg3: memref<32x160x64xi32, #tpu.memory_space<hbm>>, %arg4: memref<32x160x64xi32, #tpu.memory_space<hbm>>, %arg5: memref<2x10240x128xf32, #tpu.memory_space<hbm>>, %arg6: memref<10240x128xf32, #tpu.memory_space<vmem_shared>>, %arg7: memref<16x64xi32, #tpu.memory_space<vmem>>, %arg8: memref<16x64xi32, #tpu.memory_space<vmem>>, %arg9: memref<64x128xf32, #tpu.memory_space<vmem>>, %arg10: memref<64x128xf32, #tpu.memory_space<vmem>>, %arg11: memref<64x128xf32, #tpu.memory_space<vmem>>, %arg12: memref<64x128xf32, #tpu.memory_space<vmem>>, %arg13: memref<!tpu.dma_semaphore, #tpu.memory_space<semaphore_mem>>, %arg14: memref<!tpu.dma_semaphore, #tpu.memory_space<semaphore_mem>>, %arg15: memref<!tpu.dma_semaphore, #tpu.memory_space<semaphore_mem>>, %arg16: memref<!tpu.dma_semaphore, #tpu.memory_space<semaphore_mem>>, %arg17: memref<!tpu.dma_semaphore, #tpu.memory_space<semaphore_mem>>, %arg18: memref<!tpu.dma_semaphore, #tpu.memory_space<semaphore_mem>>, %arg19: memref<!tpu.dma_semaphore, #tpu.memory_space<semaphore_mem>>, %arg20: memref<!tpu.dma_semaphore, #tpu.memory_space<semaphore_mem>>) attributes {dimension_semantics = [#tpu.dimension_semantics<core_parallel>, #tpu.dimension_semantics<subcore_parallel>], iteration_bounds = array<i64: 2, 16>, scalar_prefetch = 0 : i64, scratch_operands = 15 : i64, tpu.core_type = #tpu.core_type<sc_vector_subcore>, window_params = [{transform_indices = #map}, {transform_indices = #map1}, {transform_indices = #map1}, {transform_indices = #map1}]} {
    %mul3A = arith.constant 16 : i32
    %mul3A_0 = arith.muli %arg0, %mul3A : i32
    %add3A = arith.addi %mul3A_0, %arg1 : i32
    %broadcast_in_dim3A = arith.constant 0.000000e+00 : f32
    %broadcast_in_dim3A_1 = vector.broadcast %broadcast_in_dim3A : f32 to vector<16xf32>
    %scan3A = arith.constant 0 : i32
    %scan3A_2 = arith.constant 64 : i32
    %scan3A_3 = arith.addi %scan3A, %scan3A_2 : i32
    %scan3A_4 = arith.constant 1 : i32
    scf.for %scan3A_22 = %scan3A to %scan3A_3 step %scan3A_4  : i32 {
      %mul3A_23 = arith.constant 1 : i32
      %mul3A_24 = arith.muli %scan3A_22, %mul3A_23 : i32
      %add3A_25 = arith.constant 0 : i32
      %add3A_26 = arith.addi %add3A_25, %mul3A_24 : i32
      %swap3A = arith.index_cast %add3A_26 : i32 to index
      %swap3A_27 = arith.constant 0 : index
      %swap3A_28 = tpu.vector_load %arg9[%swap3A, %swap3A_27] {strides = array<i32>} : memref<64x128xf32, #tpu.memory_space<vmem>>, vector<1x16xf32>,
      %swap3A_29 = vector.shape_cast %swap3A_28 : vector<1x16xf32> to vector<16xf32>
      %swap3A_30 = vector.shape_cast %broadcast_in_dim3A_1 : vector<16xf32> to vector<1x16xf32>
      tpu.vector_store %arg9[%swap3A, %swap3A_27], %swap3A_30 {strides = array<i32>} : memref<64x128xf32, #tpu.memory_space<vmem>>, vector<1x16xf32>,
      %swap3A_31 = arith.index_cast %add3A_26 : i32 to index
      %swap3A_32 = arith.constant 16 : index
      %swap3A_33 = tpu.vector_load %arg9[%swap3A_31, %swap3A_32] {strides = array<i32>} : memref<64x128xf32, #tpu.memory_space<vmem>>, vector<1x16xf32>,
      %swap3A_34 = vector.shape_cast %swap3A_33 : vector<1x16xf32> to vector<16xf32>
      %swap3A_35 = vector.shape_cast %broadcast_in_dim3A_1 : vector<16xf32> to vector<1x16xf32>
      tpu.vector_store %arg9[%swap3A_31, %swap3A_32], %swap3A_35 {strides = array<i32>} : memref<64x128xf32, #tpu.memory_space<vmem>>, vector<1x16xf32>,
      %swap3A_36 = arith.index_cast %add3A_26 : i32 to index
      %swap3A_37 = arith.constant 32 : index
      %swap3A_38 = tpu.vector_load %arg9[%swap3A_36, %swap3A_37] {strides = array<i32>} : memref<64x128xf32, #tpu.memory_space<vmem>>, vector<1x16xf32>,
      %swap3A_39 = vector.shape_cast %swap3A_38 : vector<1x16xf32> to vector<16xf32>
      %swap3A_40 = vector.shape_cast %broadcast_in_dim3A_1 : vector<16xf32> to vector<1x16xf32>
      tpu.vector_store %arg9[%swap3A_36, %swap3A_37], %swap3A_40 {strides = array<i32>} : memref<64x128xf32, #tpu.memory_space<vmem>>, vector<1x16xf32>,
      %swap3A_41 = arith.index_cast %add3A_26 : i32 to index
      %swap3A_42 = arith.constant 48 : index
      %swap3A_43 = tpu.vector_load %arg9[%swap3A_41, %swap3A_42] {strides = array<i32>} : memref<64x128xf32, #tpu.memory_space<vmem>>, vector<1x16xf32>,
      %swap3A_44 = vector.shape_cast %swap3A_43 : vector<1x16xf32> to vector<16xf32>
      %swap3A_45 = vector.shape_cast %broadcast_in_dim3A_1 : vector<16xf32> to vector<1x16xf32>
      tpu.vector_store %arg9[%swap3A_41, %swap3A_42], %swap3A_45 {strides = array<i32>} : memref<64x128xf32, #tpu.memory_space<vmem>>, vector<1x16xf32>,
      %swap3A_46 = arith.index_cast %add3A_26 : i32 to index
      %swap3A_47 = arith.constant 64 : index
      %swap3A_48 = tpu.vector_load %arg9[%swap3A_46, %swap3A_47] {strides = array<i32>} : memref<64x128xf32, #tpu.memory_space<vmem>>, vector<1x16xf32>,
      %swap3A_49 = vector.shape_cast %swap3A_48 : vector<1x16xf32> to vector<16xf32>
      %swap3A_50 = vector.shape_cast %broadcast_in_dim3A_1 : vector<16xf32> to vector<1x16xf32>
      tpu.vector_store %arg9[%swap3A_46, %swap3A_47], %swap3A_50 {strides = array<i32>} : memref<64x128xf32, #tpu.memory_space<vmem>>, vector<1x16xf32>,
      %swap3A_51 = arith.index_cast %add3A_26 : i32 to index
      %swap3A_52 = arith.constant 80 : index
      %swap3A_53 = tpu.vector_load %arg9[%swap3A_51, %swap3A_52] {strides = array<i32>} : memref<64x128xf32, #tpu.memory_space<vmem>>, vector<1x16xf32>,
      %swap3A_54 = vector.shape_cast %swap3A_53 : vector<1x16xf32> to vector<16xf32>
      %swap3A_55 = vector.shape_cast %broadcast_in_dim3A_1 : vector<16xf32> to vector<1x16xf32>
      tpu.vector_store %arg9[%swap3A_51, %swap3A_52], %swap3A_55 {strides = array<i32>} : memref<64x128xf32, #tpu.memory_space<vmem>>, vector<1x16xf32>,
      %swap3A_56 = arith.index_cast %add3A_26 : i32 to index
      %swap3A_57 = arith.constant 96 : index
      %swap3A_58 = tpu.vector_load %arg9[%swap3A_56, %swap3A_57] {strides = array<i32>} : memref<64x128xf32, #tpu.memory_space<vmem>>, vector<1x16xf32>,
      %swap3A_59 = vector.shape_cast %swap3A_58 : vector<1x16xf32> to vector<16xf32>
      %swap3A_60 = vector.shape_cast %broadcast_in_dim3A_1 : vector<16xf32> to vector<1x16xf32>
      tpu.vector_store %arg9[%swap3A_56, %swap3A_57], %swap3A_60 {strides = array<i32>} : memref<64x128xf32, #tpu.memory_space<vmem>>, vector<1x16xf32>,
      %swap3A_61 = arith.index_cast %add3A_26 : i32 to index
      %swap3A_62 = arith.constant 112 : index
      %swap3A_63 = tpu.vector_load %arg9[%swap3A_61, %swap3A_62] {strides = array<i32>} : memref<64x128xf32, #tpu.memory_space<vmem>>, vector<1x16xf32>,
      %swap3A_64 = vector.shape_cast %swap3A_63 : vector<1x16xf32> to vector<16xf32>
      %swap3A_65 = vector.shape_cast %broadcast_in_dim3A_1 : vector<16xf32> to vector<1x16xf32>
      tpu.vector_store %arg9[%swap3A_61, %swap3A_62], %swap3A_65 {strides = array<i32>} : memref<64x128xf32, #tpu.memory_space<vmem>>, vector<1x16xf32>,
    }
    %scan3A_5 = arith.constant 64 : i32
    %scan3A_6 = arith.constant 0 : i32
    %scan3A_7 = arith.constant 10 : i32
    %scan3A_8 = arith.addi %scan3A_6, %scan3A_7 : i32
    %scan3A_9 = arith.constant 1 : i32
    scf.for %scan3A_22 = %scan3A_6 to %scan3A_8 step %scan3A_9  : i32 {
      %mul3A_23 = arith.constant 1 : i32
      %mul3A_24 = arith.muli %scan3A_22, %mul3A_23 : i32
      %add3A_25 = arith.constant 0 : i32
      %add3A_26 = arith.addi %add3A_25, %mul3A_24 : i32
      %mul3A_27 = arith.constant 640 : i32
      %mul3A_28 = arith.muli %arg1, %mul3A_27 : i32
      %mul3A_29 = arith.constant 64 : i32
      %mul3A_30 = arith.muli %add3A_26, %mul3A_29 : i32
      %add3A_31 = arith.addi %mul3A_28, %mul3A_30 : i32
      "tpu.region"() ({
        %run_scoped3A = tpu.sem_alloc : memref<!tpu.dma_semaphore, #tpu.memory_space<semaphore_mem>>
        %dma_start3A = arith.constant 0 : i32
        %dma_start3A_32 = tpu.memref_slice %arg6[%add3A_31, %dma_start3A] : memref<10240x128xf32, #tpu.memory_space<vmem_shared>> -> memref<64x128xf32, #tpu.memory_space<vmem_shared>>
        %dma_start3A_33 = arith.constant 0 : i32
        %dma_start3A_34 = tpu.memref_slice %arg6[%add3A_31, %dma_start3A_33] : memref<10240x128xf32, #tpu.memory_space<vmem_shared>> -> memref<64x128xf32, #tpu.memory_space<vmem_shared>>
        tpu.enqueue_dma source(%arg9 : memref<64x128xf32, #tpu.memory_space<vmem>>) target(%dma_start3A_34 : memref<64x128xf32, #tpu.memory_space<vmem_shared>>) target_semaphore(%run_scoped3A : memref<!tpu.dma_semaphore, #tpu.memory_space<semaphore_mem>>)
        %dma_wait3A = arith.constant 0 : i32
        %dma_wait3A_35 = tpu.memref_slice %arg6[%add3A_31, %dma_wait3A] : memref<10240x128xf32, #tpu.memory_space<vmem_shared>> -> memref<64x128xf32, #tpu.memory_space<vmem_shared>>
        %dma_wait3A_36 = arith.constant 0 : i32
        %dma_wait3A_37 = tpu.memref_slice %arg6[%add3A_31, %dma_wait3A_36] : memref<10240x128xf32, #tpu.memory_space<vmem_shared>> -> memref<64x128xf32, #tpu.memory_space<vmem_shared>>
        tpu.wait_dma2 semaphore(%run_scoped3A : memref<!tpu.dma_semaphore, #tpu.memory_space<semaphore_mem>>) src(%arg9 : memref<64x128xf32, #tpu.memory_space<vmem>>) dst(%dma_wait3A_37 : memref<64x128xf32, #tpu.memory_space<vmem_shared>>)
        tpu.yield
      }) : () -> ()
    }
    %scan3A_10 = arith.constant 10 : i32
    %barrier3A = arith.constant 0 : index
    tpu.barrier barrier_id(%barrier3A)
    %scan3A_11 = arith.constant 0 : i32
    %scan3A_12 = arith.constant 10 : i32
    %scan3A_13 = arith.addi %scan3A_11, %scan3A_12 : i32
    %scan3A_14 = arith.constant 1 : i32
    scf.for %scan3A_22 = %scan3A_11 to %scan3A_13 step %scan3A_14  : i32 {
      %mul3A_23 = arith.constant 1 : i32
      %mul3A_24 = arith.muli %scan3A_22, %mul3A_23 : i32
      %add3A_25 = arith.constant 0 : i32
      %add3A_26 = arith.addi %add3A_25, %mul3A_24 : i32
      %mul3A_27 = arith.constant 16 : i32
      %mul3A_28 = arith.muli %add3A_26, %mul3A_27 : i32
      "tpu.region"() ({
        %run_scoped3A = tpu.sem_alloc : memref<!tpu.dma_semaphore, #tpu.memory_space<semaphore_mem>>
        %dma_start3A_83 = arith.constant 0 : i32
        %dma_start3A_84 = tpu.memref_slice %arg3[%add3A, %mul3A_28, %dma_start3A_83] : memref<32x160x64xi32, #tpu.memory_space<hbm>> -> memref<1x16x64xi32, #tpu.memory_space<hbm>>
        %dma_start3A_85 = tpu.memref_squeeze %dma_start3A_84 : memref<1x16x64xi32, #tpu.memory_space<hbm>> -> memref<16x64xi32, #tpu.memory_space<hbm>>
        %dma_start3A_86 = arith.constant 0 : i32
        %dma_start3A_87 = tpu.memref_slice %arg3[%add3A, %mul3A_28, %dma_start3A_86] : memref<32x160x64xi32, #tpu.memory_space<hbm>> -> memref<1x16x64xi32, #tpu.memory_space<hbm>>
        %dma_start3A_88 = tpu.memref_squeeze %dma_start3A_87 : memref<1x16x64xi32, #tpu.memory_space<hbm>> -> memref<16x64xi32, #tpu.memory_space<hbm>>
        tpu.enqueue_dma source(%dma_start3A_88 : memref<16x64xi32, #tpu.memory_space<hbm>>) target(%arg7 : memref<16x64xi32, #tpu.memory_space<vmem>>) target_semaphore(%run_scoped3A : memref<!tpu.dma_semaphore, #tpu.memory_space<semaphore_mem>>)
        %dma_wait3A_89 = arith.constant 0 : i32
        %dma_wait3A_90 = tpu.memref_slice %arg3[%add3A, %mul3A_28, %dma_wait3A_89] : memref<32x160x64xi32, #tpu.memory_space<hbm>> -> memref<1x16x64xi32, #tpu.memory_space<hbm>>
        %dma_wait3A_91 = tpu.memref_squeeze %dma_wait3A_90 : memref<1x16x64xi32, #tpu.memory_space<hbm>> -> memref<16x64xi32, #tpu.memory_space<hbm>>
        %dma_wait3A_92 = arith.constant 0 : i32
        %dma_wait3A_93 = tpu.memref_slice %arg3[%add3A, %mul3A_28, %dma_wait3A_92] : memref<32x160x64xi32, #tpu.memory_space<hbm>> -> memref<1x16x64xi32, #tpu.memory_space<hbm>>
        %dma_wait3A_94 = tpu.memref_squeeze %dma_wait3A_93 : memref<1x16x64xi32, #tpu.memory_space<hbm>> -> memref<16x64xi32, #tpu.memory_space<hbm>>
        tpu.wait_dma2 semaphore(%run_scoped3A : memref<!tpu.dma_semaphore, #tpu.memory_space<semaphore_mem>>) src(%dma_wait3A_94 : memref<16x64xi32, #tpu.memory_space<hbm>>) dst(%arg7 : memref<16x64xi32, #tpu.memory_space<vmem>>)
        tpu.yield
      }) : () -> ()
      %mul3A_29 = arith.constant 16 : i32
      %mul3A_30 = arith.muli %add3A_26, %mul3A_29 : i32
      "tpu.region"() ({
        %run_scoped3A = tpu.sem_alloc : memref<!tpu.dma_semaphore, #tpu.memory_space<semaphore_mem>>
        %dma_start3A_83 = arith.constant 0 : i32
        %dma_start3A_84 = tpu.memref_slice %arg4[%add3A, %mul3A_30, %dma_start3A_83] : memref<32x160x64xi32, #tpu.memory_space<hbm>> -> memref<1x16x64xi32, #tpu.memory_space<hbm>>
        %dma_start3A_85 = tpu.memref_squeeze %dma_start3A_84 : memref<1x16x64xi32, #tpu.memory_space<hbm>> -> memref<16x64xi32, #tpu.memory_space<hbm>>
        %dma_start3A_86 = arith.constant 0 : i32
        %dma_start3A_87 = tpu.memref_slice %arg4[%add3A, %mul3A_30, %dma_start3A_86] : memref<32x160x64xi32, #tpu.memory_space<hbm>> -> memref<1x16x64xi32, #tpu.memory_space<hbm>>
        %dma_start3A_88 = tpu.memref_squeeze %dma_start3A_87 : memref<1x16x64xi32, #tpu.memory_space<hbm>> -> memref<16x64xi32, #tpu.memory_space<hbm>>
        tpu.enqueue_dma source(%dma_start3A_88 : memref<16x64xi32, #tpu.memory_space<hbm>>) target(%arg8 : memref<16x64xi32, #tpu.memory_space<vmem>>) target_semaphore(%run_scoped3A : memref<!tpu.dma_semaphore, #tpu.memory_space<semaphore_mem>>)
        %dma_wait3A_89 = arith.constant 0 : i32
        %dma_wait3A_90 = tpu.memref_slice %arg4[%add3A, %mul3A_30, %dma_wait3A_89] : memref<32x160x64xi32, #tpu.memory_space<hbm>> -> memref<1x16x64xi32, #tpu.memory_space<hbm>>
        %dma_wait3A_91 = tpu.memref_squeeze %dma_wait3A_90 : memref<1x16x64xi32, #tpu.memory_space<hbm>> -> memref<16x64xi32, #tpu.memory_space<hbm>>
        %dma_wait3A_92 = arith.constant 0 : i32
        %dma_wait3A_93 = tpu.memref_slice %arg4[%add3A, %mul3A_30, %dma_wait3A_92] : memref<32x160x64xi32, #tpu.memory_space<hbm>> -> memref<1x16x64xi32, #tpu.memory_space<hbm>>
        %dma_wait3A_94 = tpu.memref_squeeze %dma_wait3A_93 : memref<1x16x64xi32, #tpu.memory_space<hbm>> -> memref<16x64xi32, #tpu.memory_space<hbm>>
        tpu.wait_dma2 semaphore(%run_scoped3A : memref<!tpu.dma_semaphore, #tpu.memory_space<semaphore_mem>>) src(%dma_wait3A_94 : memref<16x64xi32, #tpu.memory_space<hbm>>) dst(%arg8 : memref<16x64xi32, #tpu.memory_space<vmem>>)
        tpu.yield
      }) : () -> ()
      %dma_start3A = arith.constant 0 : i32
      %dma_start3A_31 = arith.constant 0 : i32
      %dma_start3A_32 = tpu.memref_slice %arg7[%dma_start3A, %dma_start3A_31] : memref<16x64xi32, #tpu.memory_space<vmem>> -> memref<1x64xi32, #tpu.memory_space<vmem>>
      %dma_start3A_33 = tpu.memref_squeeze %dma_start3A_32 : memref<1x64xi32, #tpu.memory_space<vmem>> -> memref<64xi32, #tpu.memory_space<vmem>>
      %dma_start3A_34 = arith.constant 0 : i32
      %dma_start3A_35 = arith.constant 0 : i32
      %dma_start3A_36 = tpu.memref_slice %arg2[%dma_start3A_34, %dma_start3A_35] : memref<10240x128xf32, #tpu.memory_space<hbm>> -> memref<10240x128xf32, #tpu.memory_space<hbm>>
      tpu.enqueue_indirect_dma source(%dma_start3A_36 : memref<10240x128xf32, #tpu.memory_space<hbm>>) target(%arg9 : memref<64x128xf32, #tpu.memory_space<vmem>>) offsets(%dma_start3A_33 : memref<64xi32, #tpu.memory_space<vmem>>) semaphore(%arg13 : memref<!tpu.dma_semaphore, #tpu.memory_space<semaphore_mem>>)
      %dma_start3A_37 = arith.constant 1 : i32
      %dma_start3A_38 = arith.constant 0 : i32
      %dma_start3A_39 = tpu.memref_slice %arg7[%dma_start3A_37, %dma_start3A_38] : memref<16x64xi32, #tpu.memory_space<vmem>> -> memref<1x64xi32, #tpu.memory_space<vmem>>
      %dma_start3A_40 = tpu.memref_squeeze %dma_start3A_39 : memref<1x64xi32, #tpu.memory_space<vmem>> -> memref<64xi32, #tpu.memory_space<vmem>>
      %dma_start3A_41 = arith.constant 0 : i32
      %dma_start3A_42 = arith.constant 0 : i32
      %dma_start3A_43 = tpu.memref_slice %arg2[%dma_start3A_41, %dma_start3A_42] : memref<10240x128xf32, #tpu.memory_space<hbm>> -> memref<10240x128xf32, #tpu.memory_space<hbm>>
      tpu.enqueue_indirect_dma source(%dma_start3A_43 : memref<10240x128xf32, #tpu.memory_space<hbm>>) target(%arg10 : memref<64x128xf32, #tpu.memory_space<vmem>>) offsets(%dma_start3A_40 : memref<64xi32, #tpu.memory_space<vmem>>) semaphore(%arg14 : memref<!tpu.dma_semaphore, #tpu.memory_space<semaphore_mem>>)
      %dma_start3A_44 = arith.constant 2 : i32
      %dma_start3A_45 = arith.constant 0 : i32
      %dma_start3A_46 = tpu.memref_slice %arg7[%dma_start3A_44, %dma_start3A_45] : memref<16x64xi32, #tpu.memory_space<vmem>> -> memref<1x64xi32, #tpu.memory_space<vmem>>
      %dma_start3A_47 = tpu.memref_squeeze %dma_start3A_46 : memref<1x64xi32, #tpu.memory_space<vmem>> -> memref<64xi32, #tpu.memory_space<vmem>>
      %dma_start3A_48 = arith.constant 0 : i32
      %dma_start3A_49 = arith.constant 0 : i32
      %dma_start3A_50 = tpu.memref_slice %arg2[%dma_start3A_48, %dma_start3A_49] : memref<10240x128xf32, #tpu.memory_space<hbm>> -> memref<10240x128xf32, #tpu.memory_space<hbm>>
      tpu.enqueue_indirect_dma source(%dma_start3A_50 : memref<10240x128xf32, #tpu.memory_space<hbm>>) target(%arg11 : memref<64x128xf32, #tpu.memory_space<vmem>>) offsets(%dma_start3A_47 : memref<64xi32, #tpu.memory_space<vmem>>) semaphore(%arg15 : memref<!tpu.dma_semaphore, #tpu.memory_space<semaphore_mem>>)
      %scan3A_51 = arith.constant 0 : i32
      %scan3A_52 = arith.constant 4 : i32
      %scan3A_53 = arith.addi %scan3A_51, %scan3A_52 : i32
      %scan3A_54 = arith.constant 1 : i32
      scf.for %scan3A_83 = %scan3A_51 to %scan3A_53 step %scan3A_54  : i32 {
        %mul3A_84 = arith.constant 4 : i32
        %mul3A_85 = arith.muli %scan3A_83, %mul3A_84 : i32
        %add3A_86 = arith.constant 0 : i32
        %add3A_87 = arith.addi %add3A_86, %mul3A_85 : i32
        %add3A_88 = arith.constant 0 : i32
        %add3A_89 = arith.addi %add3A_87, %add3A_88 : i32
        %dma_wait3A_90 = arith.constant 0 : i32
        %dma_wait3A_91 = tpu.memref_slice %arg7[%add3A_89, %dma_wait3A_90] : memref<16x64xi32, #tpu.memory_space<vmem>> -> memref<1x64xi32, #tpu.memory_space<vmem>>
        %dma_wait3A_92 = tpu.memref_squeeze %dma_wait3A_91 : memref<1x64xi32, #tpu.memory_space<vmem>> -> memref<64xi32, #tpu.memory_space<vmem>>
        %dma_wait3A_93 = arith.constant 0 : i32
        %dma_wait3A_94 = arith.constant 0 : i32
        %dma_wait3A_95 = tpu.memref_slice %arg2[%dma_wait3A_93, %dma_wait3A_94] : memref<10240x128xf32, #tpu.memory_space<hbm>> -> memref<10240x128xf32, #tpu.memory_space<hbm>>
        tpu.wait_indirect_dma semaphore(%arg13 : memref<!tpu.dma_semaphore, #tpu.memory_space<semaphore_mem>>) src(%dma_wait3A_95 : memref<10240x128xf32, #tpu.memory_space<hbm>>) dst(%arg9 : memref<64x128xf32, #tpu.memory_space<vmem>>)
        %dma_start3A_96 = arith.constant 0 : i32
        %dma_start3A_97 = tpu.memref_slice %arg8[%add3A_89, %dma_start3A_96] : memref<16x64xi32, #tpu.memory_space<vmem>> -> memref<1x64xi32, #tpu.memory_space<vmem>>
        %dma_start3A_98 = tpu.memref_squeeze %dma_start3A_97 : memref<1x64xi32, #tpu.memory_space<vmem>> -> memref<64xi32, #tpu.memory_space<vmem>>
        %dma_start3A_99 = arith.constant 0 : i32
        %dma_start3A_100 = arith.constant 0 : i32
        %dma_start3A_101 = tpu.memref_slice %arg6[%dma_start3A_99, %dma_start3A_100] : memref<10240x128xf32, #tpu.memory_space<vmem_shared>> -> memref<10240x128xf32, #tpu.memory_space<vmem_shared>>
        tpu.enqueue_indirect_dma source(%arg9 : memref<64x128xf32, #tpu.memory_space<vmem>>) target(%dma_start3A_101 : memref<10240x128xf32, #tpu.memory_space<vmem_shared>>) offsets(%dma_start3A_98 : memref<64xi32, #tpu.memory_space<vmem>>) semaphore(%arg17 : memref<!tpu.dma_semaphore, #tpu.memory_space<semaphore_mem>>) {add = true}
        %add3A_102 = arith.constant 4 : i32
        %add3A_103 = arith.addi %add3A_89, %add3A_102 : i32
        %sub3A = arith.constant 1 : i32
        %sub3A_104 = arith.subi %add3A_103, %sub3A : i32
        %ge3A = arith.constant 1 : i32
        %ge3A_105 = arith.cmpi sge, %add3A_89, %ge3A : i32
        %lt3A = arith.constant 16 : i32
        %lt3A_106 = arith.cmpi slt, %sub3A_104, %lt3A : i32
        %and3A = arith.andi %ge3A_105, %lt3A_106 : i1
        %convert_element_type3A = arith.extui %and3A : i1 to i32
        %cond3A = arith.constant 0 : i32
        %cond3A_107 = arith.cmpi ne, %convert_element_type3A, %cond3A : i32
        scf.if %cond3A_107 {
          %sub3A_206 = arith.constant 1 : i32
          %sub3A_207 = arith.subi %add3A_89, %sub3A_206 : i32
          %dma_wait3A_208 = arith.constant 0 : i32
          %dma_wait3A_209 = tpu.memref_slice %arg8[%sub3A_207, %dma_wait3A_208] : memref<16x64xi32, #tpu.memory_space<vmem>> -> memref<1x64xi32, #tpu.memory_space<vmem>>
          %dma_wait3A_210 = tpu.memref_squeeze %dma_wait3A_209 : memref<1x64xi32, #tpu.memory_space<vmem>> -> memref<64xi32, #tpu.memory_space<vmem>>
          %dma_wait3A_211 = arith.constant 0 : i32
          %dma_wait3A_212 = arith.constant 0 : i32
          %dma_wait3A_213 = tpu.memref_slice %arg6[%dma_wait3A_211, %dma_wait3A_212] : memref<10240x128xf32, #tpu.memory_space<vmem_shared>> -> memref<10240x128xf32, #tpu.memory_space<vmem_shared>>
          tpu.wait_indirect_dma semaphore(%arg20 : memref<!tpu.dma_semaphore, #tpu.memory_space<semaphore_mem>>) src(%arg12 : memref<64x128xf32, #tpu.memory_space<vmem>>) dst(%dma_wait3A_213 : memref<10240x128xf32, #tpu.memory_space<vmem_shared>>)
        } else {
        }
        %lt3A_108 = arith.constant 16 : i32
        %lt3A_109 = arith.cmpi slt, %sub3A_104, %lt3A_108 : i32
        %convert_element_type3A_110 = arith.extui %lt3A_109 : i1 to i32
        %cond3A_111 = arith.constant 0 : i32
        %cond3A_112 = arith.cmpi ne, %convert_element_type3A_110, %cond3A_111 : i32
        scf.if %cond3A_112 {
          %dma_start3A_206 = arith.constant 0 : i32
          %dma_start3A_207 = tpu.memref_slice %arg7[%sub3A_104, %dma_start3A_206] : memref<16x64xi32, #tpu.memory_space<vmem>> -> memref<1x64xi32, #tpu.memory_space<vmem>>
          %dma_start3A_208 = tpu.memref_squeeze %dma_start3A_207 : memref<1x64xi32, #tpu.memory_space<vmem>> -> memref<64xi32, #tpu.memory_space<vmem>>
          %dma_start3A_209 = arith.constant 0 : i32
          %dma_start3A_210 = arith.constant 0 : i32
          %dma_start3A_211 = tpu.memref_slice %arg2[%dma_start3A_209, %dma_start3A_210] : memref<10240x128xf32, #tpu.memory_space<hbm>> -> memref<10240x128xf32, #tpu.memory_space<hbm>>
          tpu.enqueue_indirect_dma source(%dma_start3A_211 : memref<10240x128xf32, #tpu.memory_space<hbm>>) target(%arg12 : memref<64x128xf32, #tpu.memory_space<vmem>>) offsets(%dma_start3A_208 : memref<64xi32, #tpu.memory_space<vmem>>) semaphore(%arg16 : memref<!tpu.dma_semaphore, #tpu.memory_space<semaphore_mem>>)
        } else {
        }
        %add3A_113 = arith.constant 1 : i32
        %add3A_114 = arith.addi %add3A_87, %add3A_113 : i32
        %dma_wait3A_115 = arith.constant 0 : i32
        %dma_wait3A_116 = tpu.memref_slice %arg7[%add3A_114, %dma_wait3A_115] : memref<16x64xi32, #tpu.memory_space<vmem>> -> memref<1x64xi32, #tpu.memory_space<vmem>>
        %dma_wait3A_117 = tpu.memref_squeeze %dma_wait3A_116 : memref<1x64xi32, #tpu.memory_space<vmem>> -> memref<64xi32, #tpu.memory_space<vmem>>
        %dma_wait3A_118 = arith.constant 0 : i32
        %dma_wait3A_119 = arith.constant 0 : i32
        %dma_wait3A_120 = tpu.memref_slice %arg2[%dma_wait3A_118, %dma_wait3A_119] : memref<10240x128xf32, #tpu.memory_space<hbm>> -> memref<10240x128xf32, #tpu.memory_space<hbm>>
        tpu.wait_indirect_dma semaphore(%arg14 : memref<!tpu.dma_semaphore, #tpu.memory_space<semaphore_mem>>) src(%dma_wait3A_120 : memref<10240x128xf32, #tpu.memory_space<hbm>>) dst(%arg10 : memref<64x128xf32, #tpu.memory_space<vmem>>)
        %dma_start3A_121 = arith.constant 0 : i32
        %dma_start3A_122 = tpu.memref_slice %arg8[%add3A_114, %dma_start3A_121] : memref<16x64xi32, #tpu.memory_space<vmem>> -> memref<1x64xi32, #tpu.memory_space<vmem>>
        %dma_start3A_123 = tpu.memref_squeeze %dma_start3A_122 : memref<1x64xi32, #tpu.memory_space<vmem>> -> memref<64xi32, #tpu.memory_space<vmem>>
        %dma_start3A_124 = arith.constant 0 : i32
        %dma_start3A_125 = arith.constant 0 : i32
        %dma_start3A_126 = tpu.memref_slice %arg6[%dma_start3A_124, %dma_start3A_125] : memref<10240x128xf32, #tpu.memory_space<vmem_shared>> -> memref<10240x128xf32, #tpu.memory_space<vmem_shared>>
        tpu.enqueue_indirect_dma source(%arg10 : memref<64x128xf32, #tpu.memory_space<vmem>>) target(%dma_start3A_126 : memref<10240x128xf32, #tpu.memory_space<vmem_shared>>) offsets(%dma_start3A_123 : memref<64xi32, #tpu.memory_space<vmem>>) semaphore(%arg18 : memref<!tpu.dma_semaphore, #tpu.memory_space<semaphore_mem>>) {add = true}
        %add3A_127 = arith.constant 4 : i32
        %add3A_128 = arith.addi %add3A_114, %add3A_127 : i32
        %sub3A_129 = arith.constant 1 : i32
        %sub3A_130 = arith.subi %add3A_128, %sub3A_129 : i32
        %ge3A_131 = arith.constant 1 : i32
        %ge3A_132 = arith.cmpi sge, %add3A_114, %ge3A_131 : i32
        %lt3A_133 = arith.constant 16 : i32
        %lt3A_134 = arith.cmpi slt, %sub3A_130, %lt3A_133 : i32
        %and3A_135 = arith.andi %ge3A_132, %lt3A_134 : i1
        %convert_element_type3A_136 = arith.extui %and3A_135 : i1 to i32
        %cond3A_137 = arith.constant 0 : i32
        %cond3A_138 = arith.cmpi ne, %convert_element_type3A_136, %cond3A_137 : i32
        scf.if %cond3A_138 {
          %sub3A_206 = arith.constant 1 : i32
          %sub3A_207 = arith.subi %add3A_114, %sub3A_206 : i32
          %dma_wait3A_208 = arith.constant 0 : i32
          %dma_wait3A_209 = tpu.memref_slice %arg8[%sub3A_207, %dma_wait3A_208] : memref<16x64xi32, #tpu.memory_space<vmem>> -> memref<1x64xi32, #tpu.memory_space<vmem>>
          %dma_wait3A_210 = tpu.memref_squeeze %dma_wait3A_209 : memref<1x64xi32, #tpu.memory_space<vmem>> -> memref<64xi32, #tpu.memory_space<vmem>>
          %dma_wait3A_211 = arith.constant 0 : i32
          %dma_wait3A_212 = arith.constant 0 : i32
          %dma_wait3A_213 = tpu.memref_slice %arg6[%dma_wait3A_211, %dma_wait3A_212] : memref<10240x128xf32, #tpu.memory_space<vmem_shared>> -> memref<10240x128xf32, #tpu.memory_space<vmem_shared>>
          tpu.wait_indirect_dma semaphore(%arg17 : memref<!tpu.dma_semaphore, #tpu.memory_space<semaphore_mem>>) src(%arg9 : memref<64x128xf32, #tpu.memory_space<vmem>>) dst(%dma_wait3A_213 : memref<10240x128xf32, #tpu.memory_space<vmem_shared>>)
        } else {
        }
        %lt3A_139 = arith.constant 16 : i32
        %lt3A_140 = arith.cmpi slt, %sub3A_130, %lt3A_139 : i32
        %convert_element_type3A_141 = arith.extui %lt3A_140 : i1 to i32
        %cond3A_142 = arith.constant 0 : i32
        %cond3A_143 = arith.cmpi ne, %convert_element_type3A_141, %cond3A_142 : i32
        scf.if %cond3A_143 {
          %dma_start3A_206 = arith.constant 0 : i32
          %dma_start3A_207 = tpu.memref_slice %arg7[%sub3A_130, %dma_start3A_206] : memref<16x64xi32, #tpu.memory_space<vmem>> -> memref<1x64xi32, #tpu.memory_space<vmem>>
          %dma_start3A_208 = tpu.memref_squeeze %dma_start3A_207 : memref<1x64xi32, #tpu.memory_space<vmem>> -> memref<64xi32, #tpu.memory_space<vmem>>
          %dma_start3A_209 = arith.constant 0 : i32
          %dma_start3A_210 = arith.constant 0 : i32
          %dma_start3A_211 = tpu.memref_slice %arg2[%dma_start3A_209, %dma_start3A_210] : memref<10240x128xf32, #tpu.memory_space<hbm>> -> memref<10240x128xf32, #tpu.memory_space<hbm>>
          tpu.enqueue_indirect_dma source(%dma_start3A_211 : memref<10240x128xf32, #tpu.memory_space<hbm>>) target(%arg9 : memref<64x128xf32, #tpu.memory_space<vmem>>) offsets(%dma_start3A_208 : memref<64xi32, #tpu.memory_space<vmem>>) semaphore(%arg13 : memref<!tpu.dma_semaphore, #tpu.memory_space<semaphore_mem>>)
        } else {
        }
        %add3A_144 = arith.constant 2 : i32
        %add3A_145 = arith.addi %add3A_87, %add3A_144 : i32
        %dma_wait3A_146 = arith.constant 0 : i32
        %dma_wait3A_147 = tpu.memref_slice %arg7[%add3A_145, %dma_wait3A_146] : memref<16x64xi32, #tpu.memory_space<vmem>> -> memref<1x64xi32, #tpu.memory_space<vmem>>
        %dma_wait3A_148 = tpu.memref_squeeze %dma_wait3A_147 : memref<1x64xi32, #tpu.memory_space<vmem>> -> memref<64xi32, #tpu.memory_space<vmem>>
        %dma_wait3A_149 = arith.constant 0 : i32
        %dma_wait3A_150 = arith.constant 0 : i32
        %dma_wait3A_151 = tpu.memref_slice %arg2[%dma_wait3A_149, %dma_wait3A_150] : memref<10240x128xf32, #tpu.memory_space<hbm>> -> memref<10240x128xf32, #tpu.memory_space<hbm>>
        tpu.wait_indirect_dma semaphore(%arg15 : memref<!tpu.dma_semaphore, #tpu.memory_space<semaphore_mem>>) src(%dma_wait3A_151 : memref<10240x128xf32, #tpu.memory_space<hbm>>) dst(%arg11 : memref<64x128xf32, #tpu.memory_space<vmem>>)
        %dma_start3A_152 = arith.constant 0 : i32
        %dma_start3A_153 = tpu.memref_slice %arg8[%add3A_145, %dma_start3A_152] : memref<16x64xi32, #tpu.memory_space<vmem>> -> memref<1x64xi32, #tpu.memory_space<vmem>>
        %dma_start3A_154 = tpu.memref_squeeze %dma_start3A_153 : memref<1x64xi32, #tpu.memory_space<vmem>> -> memref<64xi32, #tpu.memory_space<vmem>>
        %dma_start3A_155 = arith.constant 0 : i32
        %dma_start3A_156 = arith.constant 0 : i32
        %dma_start3A_157 = tpu.memref_slice %arg6[%dma_start3A_155, %dma_start3A_156] : memref<10240x128xf32, #tpu.memory_space<vmem_shared>> -> memref<10240x128xf32, #tpu.memory_space<vmem_shared>>
        tpu.enqueue_indirect_dma source(%arg11 : memref<64x128xf32, #tpu.memory_space<vmem>>) target(%dma_start3A_157 : memref<10240x128xf32, #tpu.memory_space<vmem_shared>>) offsets(%dma_start3A_154 : memref<64xi32, #tpu.memory_space<vmem>>) semaphore(%arg19 : memref<!tpu.dma_semaphore, #tpu.memory_space<semaphore_mem>>) {add = true}
        %add3A_158 = arith.constant 4 : i32
        %add3A_159 = arith.addi %add3A_145, %add3A_158 : i32
        %sub3A_160 = arith.constant 1 : i32
        %sub3A_161 = arith.subi %add3A_159, %sub3A_160 : i32
        %ge3A_162 = arith.constant 1 : i32
        %ge3A_163 = arith.cmpi sge, %add3A_145, %ge3A_162 : i32
        %lt3A_164 = arith.constant 16 : i32
        %lt3A_165 = arith.cmpi slt, %sub3A_161, %lt3A_164 : i32
        %and3A_166 = arith.andi %ge3A_163, %lt3A_165 : i1
        %convert_element_type3A_167 = arith.extui %and3A_166 : i1 to i32
        %cond3A_168 = arith.constant 0 : i32
        %cond3A_169 = arith.cmpi ne, %convert_element_type3A_167, %cond3A_168 : i32
        scf.if %cond3A_169 {
          %sub3A_206 = arith.constant 1 : i32
          %sub3A_207 = arith.subi %add3A_145, %sub3A_206 : i32
          %dma_wait3A_208 = arith.constant 0 : i32
          %dma_wait3A_209 = tpu.memref_slice %arg8[%sub3A_207, %dma_wait3A_208] : memref<16x64xi32, #tpu.memory_space<vmem>> -> memref<1x64xi32, #tpu.memory_space<vmem>>
          %dma_wait3A_210 = tpu.memref_squeeze %dma_wait3A_209 : memref<1x64xi32, #tpu.memory_space<vmem>> -> memref<64xi32, #tpu.memory_space<vmem>>
          %dma_wait3A_211 = arith.constant 0 : i32
          %dma_wait3A_212 = arith.constant 0 : i32
          %dma_wait3A_213 = tpu.memref_slice %arg6[%dma_wait3A_211, %dma_wait3A_212] : memref<10240x128xf32, #tpu.memory_space<vmem_shared>> -> memref<10240x128xf32, #tpu.memory_space<vmem_shared>>
          tpu.wait_indirect_dma semaphore(%arg18 : memref<!tpu.dma_semaphore, #tpu.memory_space<semaphore_mem>>) src(%arg10 : memref<64x128xf32, #tpu.memory_space<vmem>>) dst(%dma_wait3A_213 : memref<10240x128xf32, #tpu.memory_space<vmem_shared>>)
        } else {
        }
        %lt3A_170 = arith.constant 16 : i32
        %lt3A_171 = arith.cmpi slt, %sub3A_161, %lt3A_170 : i32
        %convert_element_type3A_172 = arith.extui %lt3A_171 : i1 to i32
        %cond3A_173 = arith.constant 0 : i32
        %cond3A_174 = arith.cmpi ne, %convert_element_type3A_172, %cond3A_173 : i32
        scf.if %cond3A_174 {
          %dma_start3A_206 = arith.constant 0 : i32
          %dma_start3A_207 = tpu.memref_slice %arg7[%sub3A_161, %dma_start3A_206] : memref<16x64xi32, #tpu.memory_space<vmem>> -> memref<1x64xi32, #tpu.memory_space<vmem>>
          %dma_start3A_208 = tpu.memref_squeeze %dma_start3A_207 : memref<1x64xi32, #tpu.memory_space<vmem>> -> memref<64xi32, #tpu.memory_space<vmem>>
          %dma_start3A_209 = arith.constant 0 : i32
          %dma_start3A_210 = arith.constant 0 : i32
          %dma_start3A_211 = tpu.memref_slice %arg2[%dma_start3A_209, %dma_start3A_210] : memref<10240x128xf32, #tpu.memory_space<hbm>> -> memref<10240x128xf32, #tpu.memory_space<hbm>>
          tpu.enqueue_indirect_dma source(%dma_start3A_211 : memref<10240x128xf32, #tpu.memory_space<hbm>>) target(%arg10 : memref<64x128xf32, #tpu.memory_space<vmem>>) offsets(%dma_start3A_208 : memref<64xi32, #tpu.memory_space<vmem>>) semaphore(%arg14 : memref<!tpu.dma_semaphore, #tpu.memory_space<semaphore_mem>>)
        } else {
        }
        %add3A_175 = arith.constant 3 : i32
        %add3A_176 = arith.addi %add3A_87, %add3A_175 : i32
        %dma_wait3A_177 = arith.constant 0 : i32
        %dma_wait3A_178 = tpu.memref_slice %arg7[%add3A_176, %dma_wait3A_177] : memref<16x64xi32, #tpu.memory_space<vmem>> -> memref<1x64xi32, #tpu.memory_space<vmem>>
        %dma_wait3A_179 = tpu.memref_squeeze %dma_wait3A_178 : memref<1x64xi32, #tpu.memory_space<vmem>> -> memref<64xi32, #tpu.memory_space<vmem>>
        %dma_wait3A_180 = arith.constant 0 : i32
        %dma_wait3A_181 = arith.constant 0 : i32
        %dma_wait3A_182 = tpu.memref_slice %arg2[%dma_wait3A_180, %dma_wait3A_181] : memref<10240x128xf32, #tpu.memory_space<hbm>> -> memref<10240x128xf32, #tpu.memory_space<hbm>>
        tpu.wait_indirect_dma semaphore(%arg16 : memref<!tpu.dma_semaphore, #tpu.memory_space<semaphore_mem>>) src(%dma_wait3A_182 : memref<10240x128xf32, #tpu.memory_space<hbm>>) dst(%arg12 : memref<64x128xf32, #tpu.memory_space<vmem>>)
        %dma_start3A_183 = arith.constant 0 : i32
        %dma_start3A_184 = tpu.memref_slice %arg8[%add3A_176, %dma_start3A_183] : memref<16x64xi32, #tpu.memory_space<vmem>> -> memref<1x64xi32, #tpu.memory_space<vmem>>
        %dma_start3A_185 = tpu.memref_squeeze %dma_start3A_184 : memref<1x64xi32, #tpu.memory_space<vmem>> -> memref<64xi32, #tpu.memory_space<vmem>>
        %dma_start3A_186 = arith.constant 0 : i32
        %dma_start3A_187 = arith.constant 0 : i32
        %dma_start3A_188 = tpu.memref_slice %arg6[%dma_start3A_186, %dma_start3A_187] : memref<10240x128xf32, #tpu.memory_space<vmem_shared>> -> memref<10240x128xf32, #tpu.memory_space<vmem_shared>>
        tpu.enqueue_indirect_dma source(%arg12 : memref<64x128xf32, #tpu.memory_space<vmem>>) target(%dma_start3A_188 : memref<10240x128xf32, #tpu.memory_space<vmem_shared>>) offsets(%dma_start3A_185 : memref<64xi32, #tpu.memory_space<vmem>>) semaphore(%arg20 : memref<!tpu.dma_semaphore, #tpu.memory_space<semaphore_mem>>) {add = true}
        %add3A_189 = arith.constant 4 : i32
        %add3A_190 = arith.addi %add3A_176, %add3A_189 : i32
        %sub3A_191 = arith.constant 1 : i32
        %sub3A_192 = arith.subi %add3A_190, %sub3A_191 : i32
        %ge3A_193 = arith.constant 1 : i32
        %ge3A_194 = arith.cmpi sge, %add3A_176, %ge3A_193 : i32
        %lt3A_195 = arith.constant 16 : i32
        %lt3A_196 = arith.cmpi slt, %sub3A_192, %lt3A_195 : i32
        %and3A_197 = arith.andi %ge3A_194, %lt3A_196 : i1
        %convert_element_type3A_198 = arith.extui %and3A_197 : i1 to i32
        %cond3A_199 = arith.constant 0 : i32
        %cond3A_200 = arith.cmpi ne, %convert_element_type3A_198, %cond3A_199 : i32
        scf.if %cond3A_200 {
          %sub3A_206 = arith.constant 1 : i32
          %sub3A_207 = arith.subi %add3A_176, %sub3A_206 : i32
          %dma_wait3A_208 = arith.constant 0 : i32
          %dma_wait3A_209 = tpu.memref_slice %arg8[%sub3A_207, %dma_wait3A_208] : memref<16x64xi32, #tpu.memory_space<vmem>> -> memref<1x64xi32, #tpu.memory_space<vmem>>
          %dma_wait3A_210 = tpu.memref_squeeze %dma_wait3A_209 : memref<1x64xi32, #tpu.memory_space<vmem>> -> memref<64xi32, #tpu.memory_space<vmem>>
          %dma_wait3A_211 = arith.constant 0 : i32
          %dma_wait3A_212 = arith.constant 0 : i32
          %dma_wait3A_213 = tpu.memref_slice %arg6[%dma_wait3A_211, %dma_wait3A_212] : memref<10240x128xf32, #tpu.memory_space<vmem_shared>> -> memref<10240x128xf32, #tpu.memory_space<vmem_shared>>
          tpu.wait_indirect_dma semaphore(%arg19 : memref<!tpu.dma_semaphore, #tpu.memory_space<semaphore_mem>>) src(%arg11 : memref<64x128xf32, #tpu.memory_space<vmem>>) dst(%dma_wait3A_213 : memref<10240x128xf32, #tpu.memory_space<vmem_shared>>)
        } else {
        }
        %lt3A_201 = arith.constant 16 : i32
        %lt3A_202 = arith.cmpi slt, %sub3A_192, %lt3A_201 : i32
        %convert_element_type3A_203 = arith.extui %lt3A_202 : i1 to i32
        %cond3A_204 = arith.constant 0 : i32
        %cond3A_205 = arith.cmpi ne, %convert_element_type3A_203, %cond3A_204 : i32
        scf.if %cond3A_205 {
          %dma_start3A_206 = arith.constant 0 : i32
          %dma_start3A_207 = tpu.memref_slice %arg7[%sub3A_192, %dma_start3A_206] : memref<16x64xi32, #tpu.memory_space<vmem>> -> memref<1x64xi32, #tpu.memory_space<vmem>>
          %dma_start3A_208 = tpu.memref_squeeze %dma_start3A_207 : memref<1x64xi32, #tpu.memory_space<vmem>> -> memref<64xi32, #tpu.memory_space<vmem>>
          %dma_start3A_209 = arith.constant 0 : i32
          %dma_start3A_210 = arith.constant 0 : i32
          %dma_start3A_211 = tpu.memref_slice %arg2[%dma_start3A_209, %dma_start3A_210] : memref<10240x128xf32, #tpu.memory_space<hbm>> -> memref<10240x128xf32, #tpu.memory_space<hbm>>
          tpu.enqueue_indirect_dma source(%dma_start3A_211 : memref<10240x128xf32, #tpu.memory_space<hbm>>) target(%arg11 : memref<64x128xf32, #tpu.memory_space<vmem>>) offsets(%dma_start3A_208 : memref<64xi32, #tpu.memory_space<vmem>>) semaphore(%arg15 : memref<!tpu.dma_semaphore, #tpu.memory_space<semaphore_mem>>)
        } else {
        }
      }
      %scan3A_55 = arith.constant 4 : i32
      %dma_wait3A = arith.constant 12 : i32
      %dma_wait3A_56 = arith.constant 0 : i32
      %dma_wait3A_57 = tpu.memref_slice %arg8[%dma_wait3A, %dma_wait3A_56] : memref<16x64xi32, #tpu.memory_space<vmem>> -> memref<1x64xi32, #tpu.memory_space<vmem>>
      %dma_wait3A_58 = tpu.memref_squeeze %dma_wait3A_57 : memref<1x64xi32, #tpu.memory_space<vmem>> -> memref<64xi32, #tpu.memory_space<vmem>>
      %dma_wait3A_59 = arith.constant 0 : i32
      %dma_wait3A_60 = arith.constant 0 : i32
      %dma_wait3A_61 = tpu.memref_slice %arg6[%dma_wait3A_59, %dma_wait3A_60] : memref<10240x128xf32, #tpu.memory_space<vmem_shared>> -> memref<10240x128xf32, #tpu.memory_space<vmem_shared>>
      tpu.wait_indirect_dma semaphore(%arg17 : memref<!tpu.dma_semaphore, #tpu.memory_space<semaphore_mem>>) src(%arg9 : memref<64x128xf32, #tpu.memory_space<vmem>>) dst(%dma_wait3A_61 : memref<10240x128xf32, #tpu.memory_space<vmem_shared>>)
      %dma_wait3A_62 = arith.constant 13 : i32
      %dma_wait3A_63 = arith.constant 0 : i32
      %dma_wait3A_64 = tpu.memref_slice %arg8[%dma_wait3A_62, %dma_wait3A_63] : memref<16x64xi32, #tpu.memory_space<vmem>> -> memref<1x64xi32, #tpu.memory_space<vmem>>
      %dma_wait3A_65 = tpu.memref_squeeze %dma_wait3A_64 : memref<1x64xi32, #tpu.memory_space<vmem>> -> memref<64xi32, #tpu.memory_space<vmem>>
      %dma_wait3A_66 = arith.constant 0 : i32
      %dma_wait3A_67 = arith.constant 0 : i32
      %dma_wait3A_68 = tpu.memref_slice %arg6[%dma_wait3A_66, %dma_wait3A_67] : memref<10240x128xf32, #tpu.memory_space<vmem_shared>> -> memref<10240x128xf32, #tpu.memory_space<vmem_shared>>
      tpu.wait_indirect_dma semaphore(%arg18 : memref<!tpu.dma_semaphore, #tpu.memory_space<semaphore_mem>>) src(%arg10 : memref<64x128xf32, #tpu.memory_space<vmem>>) dst(%dma_wait3A_68 : memref<10240x128xf32, #tpu.memory_space<vmem_shared>>)
      %dma_wait3A_69 = arith.constant 14 : i32
      %dma_wait3A_70 = arith.constant 0 : i32
      %dma_wait3A_71 = tpu.memref_slice %arg8[%dma_wait3A_69, %dma_wait3A_70] : memref<16x64xi32, #tpu.memory_space<vmem>> -> memref<1x64xi32, #tpu.memory_space<vmem>>
      %dma_wait3A_72 = tpu.memref_squeeze %dma_wait3A_71 : memref<1x64xi32, #tpu.memory_space<vmem>> -> memref<64xi32, #tpu.memory_space<vmem>>
      %dma_wait3A_73 = arith.constant 0 : i32
      %dma_wait3A_74 = arith.constant 0 : i32
      %dma_wait3A_75 = tpu.memref_slice %arg6[%dma_wait3A_73, %dma_wait3A_74] : memref<10240x128xf32, #tpu.memory_space<vmem_shared>> -> memref<10240x128xf32, #tpu.memory_space<vmem_shared>>
      tpu.wait_indirect_dma semaphore(%arg19 : memref<!tpu.dma_semaphore, #tpu.memory_space<semaphore_mem>>) src(%arg11 : memref<64x128xf32, #tpu.memory_space<vmem>>) dst(%dma_wait3A_75 : memref<10240x128xf32, #tpu.memory_space<vmem_shared>>)
      %dma_wait3A_76 = arith.constant 15 : i32
      %dma_wait3A_77 = arith.constant 0 : i32
      %dma_wait3A_78 = tpu.memref_slice %arg8[%dma_wait3A_76, %dma_wait3A_77] : memref<16x64xi32, #tpu.memory_space<vmem>> -> memref<1x64xi32, #tpu.memory_space<vmem>>
      %dma_wait3A_79 = tpu.memref_squeeze %dma_wait3A_78 : memref<1x64xi32, #tpu.memory_space<vmem>> -> memref<64xi32, #tpu.memory_space<vmem>>
      %dma_wait3A_80 = arith.constant 0 : i32
      %dma_wait3A_81 = arith.constant 0 : i32
      %dma_wait3A_82 = tpu.memref_slice %arg6[%dma_wait3A_80, %dma_wait3A_81] : memref<10240x128xf32, #tpu.memory_space<vmem_shared>> -> memref<10240x128xf32, #tpu.memory_space<vmem_shared>>
      tpu.wait_indirect_dma semaphore(%arg20 : memref<!tpu.dma_semaphore, #tpu.memory_space<semaphore_mem>>) src(%arg12 : memref<64x128xf32, #tpu.memory_space<vmem>>) dst(%dma_wait3A_82 : memref<10240x128xf32, #tpu.memory_space<vmem_shared>>)
    }
    %scan3A_15 = arith.constant 10 : i32
    %barrier3A_16 = arith.constant 0 : index
    tpu.barrier barrier_id(%barrier3A_16)
    %scan3A_17 = arith.constant 0 : i32
    %scan3A_18 = arith.constant 10 : i32
    %scan3A_19 = arith.addi %scan3A_17, %scan3A_18 : i32
    %scan3A_20 = arith.constant 1 : i32
    scf.for %scan3A_22 = %scan3A_17 to %scan3A_19 step %scan3A_20  : i32 {
      %mul3A_23 = arith.constant 1 : i32
      %mul3A_24 = arith.muli %scan3A_22, %mul3A_23 : i32
      %add3A_25 = arith.constant 0 : i32
      %add3A_26 = arith.addi %add3A_25, %mul3A_24 : i32
      %mul3A_27 = arith.constant 640 : i32
      %mul3A_28 = arith.muli %arg1, %mul3A_27 : i32
      %mul3A_29 = arith.constant 64 : i32
      %mul3A_30 = arith.muli %add3A_26, %mul3A_29 : i32
      %add3A_31 = arith.addi %mul3A_28, %mul3A_30 : i32
      "tpu.region"() ({
        %run_scoped3A = tpu.sem_alloc : memref<!tpu.dma_semaphore, #tpu.memory_space<semaphore_mem>>
        %dma_start3A = arith.constant 0 : i32
        %dma_start3A_32 = tpu.memref_slice %arg5[%arg0, %add3A_31, %dma_start3A] : memref<2x10240x128xf32, #tpu.memory_space<hbm>> -> memref<1x64x128xf32, #tpu.memory_space<hbm>>
        %dma_start3A_33 = tpu.memref_squeeze %dma_start3A_32 : memref<1x64x128xf32, #tpu.memory_space<hbm>> -> memref<64x128xf32, #tpu.memory_space<hbm>>
        %dma_start3A_34 = arith.constant 0 : i32
        %dma_start3A_35 = tpu.memref_slice %arg6[%add3A_31, %dma_start3A_34] : memref<10240x128xf32, #tpu.memory_space<vmem_shared>> -> memref<64x128xf32, #tpu.memory_space<vmem_shared>>
        tpu.enqueue_dma source(%dma_start3A_35 : memref<64x128xf32, #tpu.memory_space<vmem_shared>>) target(%dma_start3A_33 : memref<64x128xf32, #tpu.memory_space<hbm>>) target_semaphore(%run_scoped3A : memref<!tpu.dma_semaphore, #tpu.memory_space<semaphore_mem>>)
        %dma_wait3A = arith.constant 0 : i32
        %dma_wait3A_36 = tpu.memref_slice %arg5[%arg0, %add3A_31, %dma_wait3A] : memref<2x10240x128xf32, #tpu.memory_space<hbm>> -> memref<1x64x128xf32, #tpu.memory_space<hbm>>
        %dma_wait3A_37 = tpu.memref_squeeze %dma_wait3A_36 : memref<1x64x128xf32, #tpu.memory_space<hbm>> -> memref<64x128xf32, #tpu.memory_space<hbm>>
        %dma_wait3A_38 = arith.constant 0 : i32
        %dma_wait3A_39 = tpu.memref_slice %arg6[%add3A_31, %dma_wait3A_38] : memref<10240x128xf32, #tpu.memory_space<vmem_shared>> -> memref<64x128xf32, #tpu.memory_space<vmem_shared>>
        tpu.wait_dma2 semaphore(%run_scoped3A : memref<!tpu.dma_semaphore, #tpu.memory_space<semaphore_mem>>) src(%dma_wait3A_39 : memref<64x128xf32, #tpu.memory_space<vmem_shared>>) dst(%dma_wait3A_37 : memref<64x128xf32, #tpu.memory_space<hbm>>)
        tpu.yield
      }) : () -> ()
    }
    %scan3A_21 = arith.constant 10 : i32
    return
  }
}

#map = affine_map<(d0, d1) -> (0, 0, 0)>
#map1 = affine_map<(d0, d1) -> (0, 0)>
module attributes {stable_mosaic.version = 14 : i64} {
  func.func @_sc_degree(%arg0: i32, %arg1: i32, %arg2: memref<32x160x64xi32, #tpu.memory_space<hbm>>, %arg3: memref<2x10240xf32, #tpu.memory_space<hbm>>, %arg4: memref<10240xf32, #tpu.memory_space<vmem_shared>>, %arg5: memref<160x64xi32, #tpu.memory_space<vmem>>, %arg6: memref<64xf32, #tpu.memory_space<vmem>>, %arg7: memref<640xf32, #tpu.memory_space<vmem>>) attributes {dimension_semantics = [#tpu.dimension_semantics<core_parallel>, #tpu.dimension_semantics<subcore_parallel>], iteration_bounds = array<i64: 2, 16>, scalar_prefetch = 0 : i64, scratch_operands = 4 : i64, tpu.core_type = #tpu.core_type<sc_vector_subcore>, window_params = [{transform_indices = #map}, {transform_indices = #map1}]} {
    %mul3A = arith.constant 16 : i32
    %mul3A_0 = arith.muli %arg0, %mul3A : i32
    %add3A = arith.addi %mul3A_0, %arg1 : i32
    "tpu.region"() ({
      %run_scoped3A = tpu.sem_alloc : memref<!tpu.dma_semaphore, #tpu.memory_space<semaphore_mem>>
      %dma_start3A = arith.constant 0 : i32
      %dma_start3A_25 = arith.constant 0 : i32
      %dma_start3A_26 = tpu.memref_slice %arg2[%add3A, %dma_start3A, %dma_start3A_25] : memref<32x160x64xi32, #tpu.memory_space<hbm>> -> memref<1x160x64xi32, #tpu.memory_space<hbm>>
      %dma_start3A_27 = tpu.memref_squeeze %dma_start3A_26 : memref<1x160x64xi32, #tpu.memory_space<hbm>> -> memref<160x64xi32, #tpu.memory_space<hbm>>
      %dma_start3A_28 = arith.constant 0 : i32
      %dma_start3A_29 = arith.constant 0 : i32
      %dma_start3A_30 = tpu.memref_slice %arg2[%add3A, %dma_start3A_28, %dma_start3A_29] : memref<32x160x64xi32, #tpu.memory_space<hbm>> -> memref<1x160x64xi32, #tpu.memory_space<hbm>>
      %dma_start3A_31 = tpu.memref_squeeze %dma_start3A_30 : memref<1x160x64xi32, #tpu.memory_space<hbm>> -> memref<160x64xi32, #tpu.memory_space<hbm>>
      tpu.enqueue_dma source(%dma_start3A_31 : memref<160x64xi32, #tpu.memory_space<hbm>>) target(%arg5 : memref<160x64xi32, #tpu.memory_space<vmem>>) target_semaphore(%run_scoped3A : memref<!tpu.dma_semaphore, #tpu.memory_space<semaphore_mem>>)
      %dma_wait3A = arith.constant 0 : i32
      %dma_wait3A_32 = arith.constant 0 : i32
      %dma_wait3A_33 = tpu.memref_slice %arg2[%add3A, %dma_wait3A, %dma_wait3A_32] : memref<32x160x64xi32, #tpu.memory_space<hbm>> -> memref<1x160x64xi32, #tpu.memory_space<hbm>>
      %dma_wait3A_34 = tpu.memref_squeeze %dma_wait3A_33 : memref<1x160x64xi32, #tpu.memory_space<hbm>> -> memref<160x64xi32, #tpu.memory_space<hbm>>
      %dma_wait3A_35 = arith.constant 0 : i32
      %dma_wait3A_36 = arith.constant 0 : i32
      %dma_wait3A_37 = tpu.memref_slice %arg2[%add3A, %dma_wait3A_35, %dma_wait3A_36] : memref<32x160x64xi32, #tpu.memory_space<hbm>> -> memref<1x160x64xi32, #tpu.memory_space<hbm>>
      %dma_wait3A_38 = tpu.memref_squeeze %dma_wait3A_37 : memref<1x160x64xi32, #tpu.memory_space<hbm>> -> memref<160x64xi32, #tpu.memory_space<hbm>>
      tpu.wait_dma2 semaphore(%run_scoped3A : memref<!tpu.dma_semaphore, #tpu.memory_space<semaphore_mem>>) src(%dma_wait3A_38 : memref<160x64xi32, #tpu.memory_space<hbm>>) dst(%arg5 : memref<160x64xi32, #tpu.memory_space<vmem>>)
      tpu.yield
    }) : () -> ()
    %broadcast_in_dim3A = arith.constant 0.000000e+00 : f32
    %broadcast_in_dim3A_1 = vector.broadcast %broadcast_in_dim3A : f32 to vector<16xf32>
    %broadcast_in_dim3A_2 = arith.constant 1.000000e+00 : f32
    %broadcast_in_dim3A_3 = vector.broadcast %broadcast_in_dim3A_2 : f32 to vector<16xf32>
    %scan3A = arith.constant 0 : i32
    %scan3A_4 = arith.constant 4 : i32
    %scan3A_5 = arith.addi %scan3A, %scan3A_4 : i32
    %scan3A_6 = arith.constant 1 : i32
    scf.for %scan3A_25 = %scan3A to %scan3A_5 step %scan3A_6  : i32 {
      %mul3A_26 = arith.constant 1 : i32
      %mul3A_27 = arith.muli %scan3A_25, %mul3A_26 : i32
      %add3A_28 = arith.constant 0 : i32
      %add3A_29 = arith.addi %add3A_28, %mul3A_27 : i32
      %mul3A_30 = arith.constant 16 : i32
      %mul3A_31 = arith.muli %add3A_29, %mul3A_30 : i32
      %swap3A = arith.index_cast %mul3A_31 : i32 to index
      %swap3A_32 = tpu.vector_load %arg6[%swap3A] {strides = array<i32>} : memref<64xf32, #tpu.memory_space<vmem>>, vector<16xf32>,
      %swap3A_33 = vector.shape_cast %swap3A_32 : vector<16xf32> to vector<16xf32>
      %swap3A_34 = vector.shape_cast %broadcast_in_dim3A_3 : vector<16xf32> to vector<16xf32>
      tpu.vector_store %arg6[%swap3A], %swap3A_34 {strides = array<i32>} : memref<64xf32, #tpu.memory_space<vmem>>, vector<16xf32>,
    }
    %scan3A_7 = arith.constant 4 : i32
    %scan3A_8 = arith.constant 0 : i32
    %scan3A_9 = arith.constant 40 : i32
    %scan3A_10 = arith.addi %scan3A_8, %scan3A_9 : i32
    %scan3A_11 = arith.constant 1 : i32
    scf.for %scan3A_25 = %scan3A_8 to %scan3A_10 step %scan3A_11  : i32 {
      %mul3A_26 = arith.constant 1 : i32
      %mul3A_27 = arith.muli %scan3A_25, %mul3A_26 : i32
      %add3A_28 = arith.constant 0 : i32
      %add3A_29 = arith.addi %add3A_28, %mul3A_27 : i32
      %mul3A_30 = arith.constant 16 : i32
      %mul3A_31 = arith.muli %add3A_29, %mul3A_30 : i32
      %swap3A = arith.index_cast %mul3A_31 : i32 to index
      %swap3A_32 = tpu.vector_load %arg7[%swap3A] {strides = array<i32>} : memref<640xf32, #tpu.memory_space<vmem>>, vector<16xf32>,
      %swap3A_33 = vector.shape_cast %swap3A_32 : vector<16xf32> to vector<16xf32>
      %swap3A_34 = vector.shape_cast %broadcast_in_dim3A_1 : vector<16xf32> to vector<16xf32>
      tpu.vector_store %arg7[%swap3A], %swap3A_34 {strides = array<i32>} : memref<640xf32, #tpu.memory_space<vmem>>, vector<16xf32>,
    }
    %scan3A_12 = arith.constant 40 : i32
    %mul3A_13 = arith.constant 640 : i32
    %mul3A_14 = arith.muli %arg1, %mul3A_13 : i32
    "tpu.region"() ({
      %run_scoped3A = tpu.sem_alloc : memref<!tpu.dma_semaphore, #tpu.memory_space<semaphore_mem>>
      %dma_start3A = tpu.memref_slice %arg4[%mul3A_14] : memref<10240xf32, #tpu.memory_space<vmem_shared>> -> memref<640xf32, #tpu.memory_space<vmem_shared>>
      %dma_start3A_25 = tpu.memref_slice %arg4[%mul3A_14] : memref<10240xf32, #tpu.memory_space<vmem_shared>> -> memref<640xf32, #tpu.memory_space<vmem_shared>>
      tpu.enqueue_dma source(%arg7 : memref<640xf32, #tpu.memory_space<vmem>>) target(%dma_start3A_25 : memref<640xf32, #tpu.memory_space<vmem_shared>>) target_semaphore(%run_scoped3A : memref<!tpu.dma_semaphore, #tpu.memory_space<semaphore_mem>>)
      %dma_wait3A = tpu.memref_slice %arg4[%mul3A_14] : memref<10240xf32, #tpu.memory_space<vmem_shared>> -> memref<640xf32, #tpu.memory_space<vmem_shared>>
      %dma_wait3A_26 = tpu.memref_slice %arg4[%mul3A_14] : memref<10240xf32, #tpu.memory_space<vmem_shared>> -> memref<640xf32, #tpu.memory_space<vmem_shared>>
      tpu.wait_dma2 semaphore(%run_scoped3A : memref<!tpu.dma_semaphore, #tpu.memory_space<semaphore_mem>>) src(%arg7 : memref<640xf32, #tpu.memory_space<vmem>>) dst(%dma_wait3A_26 : memref<640xf32, #tpu.memory_space<vmem_shared>>)
      tpu.yield
    }) : () -> ()
    %barrier3A = arith.constant 0 : index
    tpu.barrier barrier_id(%barrier3A)
    %scan3A_15 = arith.constant 0 : i32
    %scan3A_16 = arith.constant 160 : i32
    %scan3A_17 = arith.addi %scan3A_15, %scan3A_16 : i32
    %scan3A_18 = arith.constant 1 : i32
    scf.for %scan3A_25 = %scan3A_15 to %scan3A_17 step %scan3A_18  : i32 {
      %mul3A_26 = arith.constant 1 : i32
      %mul3A_27 = arith.muli %scan3A_25, %mul3A_26 : i32
      %add3A_28 = arith.constant 0 : i32
      %add3A_29 = arith.addi %add3A_28, %mul3A_27 : i32
      "tpu.region"() ({
        %run_scoped3A = tpu.sem_alloc : memref<!tpu.dma_semaphore, #tpu.memory_space<semaphore_mem>>
        %dma_start3A = arith.constant 0 : i32
        %dma_start3A_30 = tpu.memref_slice %arg5[%add3A_29, %dma_start3A] : memref<160x64xi32, #tpu.memory_space<vmem>> -> memref<1x64xi32, #tpu.memory_space<vmem>>
        %dma_start3A_31 = tpu.memref_squeeze %dma_start3A_30 : memref<1x64xi32, #tpu.memory_space<vmem>> -> memref<64xi32, #tpu.memory_space<vmem>>
        %dma_start3A_32 = arith.constant 0 : i32
        %dma_start3A_33 = tpu.memref_slice %arg4[%dma_start3A_32] : memref<10240xf32, #tpu.memory_space<vmem_shared>> -> memref<10240xf32, #tpu.memory_space<vmem_shared>>
        tpu.enqueue_indirect_dma source(%arg6 : memref<64xf32, #tpu.memory_space<vmem>>) target(%dma_start3A_33 : memref<10240xf32, #tpu.memory_space<vmem_shared>>) offsets(%dma_start3A_31 : memref<64xi32, #tpu.memory_space<vmem>>) semaphore(%run_scoped3A : memref<!tpu.dma_semaphore, #tpu.memory_space<semaphore_mem>>) {add = true}
        %dma_wait3A = arith.constant 0 : i32
        %dma_wait3A_34 = tpu.memref_slice %arg5[%add3A_29, %dma_wait3A] : memref<160x64xi32, #tpu.memory_space<vmem>> -> memref<1x64xi32, #tpu.memory_space<vmem>>
        %dma_wait3A_35 = tpu.memref_squeeze %dma_wait3A_34 : memref<1x64xi32, #tpu.memory_space<vmem>> -> memref<64xi32, #tpu.memory_space<vmem>>
        %dma_wait3A_36 = arith.constant 0 : i32
        %dma_wait3A_37 = tpu.memref_slice %arg4[%dma_wait3A_36] : memref<10240xf32, #tpu.memory_space<vmem_shared>> -> memref<10240xf32, #tpu.memory_space<vmem_shared>>
        tpu.wait_indirect_dma semaphore(%run_scoped3A : memref<!tpu.dma_semaphore, #tpu.memory_space<semaphore_mem>>) src(%arg6 : memref<64xf32, #tpu.memory_space<vmem>>) dst(%dma_wait3A_37 : memref<10240xf32, #tpu.memory_space<vmem_shared>>)
        tpu.yield
      }) : () -> ()
    }
    %scan3A_19 = arith.constant 160 : i32
    %barrier3A_20 = arith.constant 0 : index
    tpu.barrier barrier_id(%barrier3A_20)
    %mul3A_21 = arith.constant 640 : i32
    %mul3A_22 = arith.muli %arg1, %mul3A_21 : i32
    %mul3A_23 = arith.constant 640 : i32
    %mul3A_24 = arith.muli %arg1, %mul3A_23 : i32
    "tpu.region"() ({
      %run_scoped3A = tpu.sem_alloc : memref<!tpu.dma_semaphore, #tpu.memory_space<semaphore_mem>>
      %dma_start3A = tpu.memref_slice %arg3[%arg0, %mul3A_24] : memref<2x10240xf32, #tpu.memory_space<hbm>> -> memref<1x640xf32, #tpu.memory_space<hbm>>
      %dma_start3A_25 = tpu.memref_squeeze %dma_start3A : memref<1x640xf32, #tpu.memory_space<hbm>> -> memref<640xf32, #tpu.memory_space<hbm>>
      %dma_start3A_26 = tpu.memref_slice %arg4[%mul3A_22] : memref<10240xf32, #tpu.memory_space<vmem_shared>> -> memref<640xf32, #tpu.memory_space<vmem_shared>>
      tpu.enqueue_dma source(%dma_start3A_26 : memref<640xf32, #tpu.memory_space<vmem_shared>>) target(%dma_start3A_25 : memref<640xf32, #tpu.memory_space<hbm>>) target_semaphore(%run_scoped3A : memref<!tpu.dma_semaphore, #tpu.memory_space<semaphore_mem>>)
      %dma_wait3A = tpu.memref_slice %arg3[%arg0, %mul3A_24] : memref<2x10240xf32, #tpu.memory_space<hbm>> -> memref<1x640xf32, #tpu.memory_space<hbm>>
      %dma_wait3A_27 = tpu.memref_squeeze %dma_wait3A : memref<1x640xf32, #tpu.memory_space<hbm>> -> memref<640xf32, #tpu.memory_space<hbm>>
      %dma_wait3A_28 = tpu.memref_slice %arg4[%mul3A_22] : memref<10240xf32, #tpu.memory_space<vmem_shared>> -> memref<640xf32, #tpu.memory_space<vmem_shared>>
      tpu.wait_dma2 semaphore(%run_scoped3A : memref<!tpu.dma_semaphore, #tpu.memory_space<semaphore_mem>>) src(%dma_wait3A_28 : memref<640xf32, #tpu.memory_space<vmem_shared>>) dst(%dma_wait3A_27 : memref<640xf32, #tpu.memory_space<hbm>>)
      tpu.yield
    }) : () -> ()
    return
  }
}

#map = affine_map<(d0, d1) -> (0, 0)>
#map1 = affine_map<(d0, d1) -> (0, 0, 0)>
module attributes {stable_mosaic.version = 14 : i64} {
  func.func @_sc_prop(%arg0: i32, %arg1: i32, %arg2: memref<10240x128xf32, #tpu.memory_space<hbm>>, %arg3: memref<32x160x64xi32, #tpu.memory_space<hbm>>, %arg4: memref<32x160x64xi32, #tpu.memory_space<hbm>>, %arg5: memref<2x10240x128xf32, #tpu.memory_space<hbm>>, %arg6: memref<10240x128xf32, #tpu.memory_space<vmem_shared>>, %arg7: memref<16x64xi32, #tpu.memory_space<vmem>>, %arg8: memref<16x64xi32, #tpu.memory_space<vmem>>, %arg9: memref<64x128xf32, #tpu.memory_space<vmem>>, %arg10: memref<64x128xf32, #tpu.memory_space<vmem>>, %arg11: memref<64x128xf32, #tpu.memory_space<vmem>>, %arg12: memref<64x128xf32, #tpu.memory_space<vmem>>, %arg13: memref<!tpu.dma_semaphore, #tpu.memory_space<semaphore_mem>>, %arg14: memref<!tpu.dma_semaphore, #tpu.memory_space<semaphore_mem>>, %arg15: memref<!tpu.dma_semaphore, #tpu.memory_space<semaphore_mem>>, %arg16: memref<!tpu.dma_semaphore, #tpu.memory_space<semaphore_mem>>, %arg17: memref<!tpu.dma_semaphore, #tpu.memory_space<semaphore_mem>>, %arg18: memref<!tpu.dma_semaphore, #tpu.memory_space<semaphore_mem>>, %arg19: memref<!tpu.dma_semaphore, #tpu.memory_space<semaphore_mem>>, %arg20: memref<!tpu.dma_semaphore, #tpu.memory_space<semaphore_mem>>) attributes {dimension_semantics = [#tpu.dimension_semantics<core_parallel>, #tpu.dimension_semantics<subcore_parallel>], iteration_bounds = array<i64: 2, 16>, scalar_prefetch = 0 : i64, scratch_operands = 15 : i64, tpu.core_type = #tpu.core_type<sc_vector_subcore>, window_params = [{transform_indices = #map}, {transform_indices = #map1}, {transform_indices = #map1}, {transform_indices = #map1}]} {
    %mul3A = arith.constant 16 : i32
    %mul3A_0 = arith.muli %arg0, %mul3A : i32
    %add3A = arith.addi %mul3A_0, %arg1 : i32
    %broadcast_in_dim3A = arith.constant 0.000000e+00 : f32
    %broadcast_in_dim3A_1 = vector.broadcast %broadcast_in_dim3A : f32 to vector<16xf32>
    %scan3A = arith.constant 0 : i32
    %scan3A_2 = arith.constant 64 : i32
    %scan3A_3 = arith.addi %scan3A, %scan3A_2 : i32
    %scan3A_4 = arith.constant 1 : i32
    scf.for %scan3A_22 = %scan3A to %scan3A_3 step %scan3A_4  : i32 {
      %mul3A_23 = arith.constant 1 : i32
      %mul3A_24 = arith.muli %scan3A_22, %mul3A_23 : i32
      %add3A_25 = arith.constant 0 : i32
      %add3A_26 = arith.addi %add3A_25, %mul3A_24 : i32
      %swap3A = arith.index_cast %add3A_26 : i32 to index
      %swap3A_27 = arith.constant 0 : index
      %swap3A_28 = tpu.vector_load %arg9[%swap3A, %swap3A_27] {strides = array<i32>} : memref<64x128xf32, #tpu.memory_space<vmem>>, vector<1x16xf32>,
      %swap3A_29 = vector.shape_cast %swap3A_28 : vector<1x16xf32> to vector<16xf32>
      %swap3A_30 = vector.shape_cast %broadcast_in_dim3A_1 : vector<16xf32> to vector<1x16xf32>
      tpu.vector_store %arg9[%swap3A, %swap3A_27], %swap3A_30 {strides = array<i32>} : memref<64x128xf32, #tpu.memory_space<vmem>>, vector<1x16xf32>,
      %swap3A_31 = arith.index_cast %add3A_26 : i32 to index
      %swap3A_32 = arith.constant 16 : index
      %swap3A_33 = tpu.vector_load %arg9[%swap3A_31, %swap3A_32] {strides = array<i32>} : memref<64x128xf32, #tpu.memory_space<vmem>>, vector<1x16xf32>,
      %swap3A_34 = vector.shape_cast %swap3A_33 : vector<1x16xf32> to vector<16xf32>
      %swap3A_35 = vector.shape_cast %broadcast_in_dim3A_1 : vector<16xf32> to vector<1x16xf32>
      tpu.vector_store %arg9[%swap3A_31, %swap3A_32], %swap3A_35 {strides = array<i32>} : memref<64x128xf32, #tpu.memory_space<vmem>>, vector<1x16xf32>,
      %swap3A_36 = arith.index_cast %add3A_26 : i32 to index
      %swap3A_37 = arith.constant 32 : index
      %swap3A_38 = tpu.vector_load %arg9[%swap3A_36, %swap3A_37] {strides = array<i32>} : memref<64x128xf32, #tpu.memory_space<vmem>>, vector<1x16xf32>,
      %swap3A_39 = vector.shape_cast %swap3A_38 : vector<1x16xf32> to vector<16xf32>
      %swap3A_40 = vector.shape_cast %broadcast_in_dim3A_1 : vector<16xf32> to vector<1x16xf32>
      tpu.vector_store %arg9[%swap3A_36, %swap3A_37], %swap3A_40 {strides = array<i32>} : memref<64x128xf32, #tpu.memory_space<vmem>>, vector<1x16xf32>,
      %swap3A_41 = arith.index_cast %add3A_26 : i32 to index
      %swap3A_42 = arith.constant 48 : index
      %swap3A_43 = tpu.vector_load %arg9[%swap3A_41, %swap3A_42] {strides = array<i32>} : memref<64x128xf32, #tpu.memory_space<vmem>>, vector<1x16xf32>,
      %swap3A_44 = vector.shape_cast %swap3A_43 : vector<1x16xf32> to vector<16xf32>
      %swap3A_45 = vector.shape_cast %broadcast_in_dim3A_1 : vector<16xf32> to vector<1x16xf32>
      tpu.vector_store %arg9[%swap3A_41, %swap3A_42], %swap3A_45 {strides = array<i32>} : memref<64x128xf32, #tpu.memory_space<vmem>>, vector<1x16xf32>,
      %swap3A_46 = arith.index_cast %add3A_26 : i32 to index
      %swap3A_47 = arith.constant 64 : index
      %swap3A_48 = tpu.vector_load %arg9[%swap3A_46, %swap3A_47] {strides = array<i32>} : memref<64x128xf32, #tpu.memory_space<vmem>>, vector<1x16xf32>,
      %swap3A_49 = vector.shape_cast %swap3A_48 : vector<1x16xf32> to vector<16xf32>
      %swap3A_50 = vector.shape_cast %broadcast_in_dim3A_1 : vector<16xf32> to vector<1x16xf32>
      tpu.vector_store %arg9[%swap3A_46, %swap3A_47], %swap3A_50 {strides = array<i32>} : memref<64x128xf32, #tpu.memory_space<vmem>>, vector<1x16xf32>,
      %swap3A_51 = arith.index_cast %add3A_26 : i32 to index
      %swap3A_52 = arith.constant 80 : index
      %swap3A_53 = tpu.vector_load %arg9[%swap3A_51, %swap3A_52] {strides = array<i32>} : memref<64x128xf32, #tpu.memory_space<vmem>>, vector<1x16xf32>,
      %swap3A_54 = vector.shape_cast %swap3A_53 : vector<1x16xf32> to vector<16xf32>
      %swap3A_55 = vector.shape_cast %broadcast_in_dim3A_1 : vector<16xf32> to vector<1x16xf32>
      tpu.vector_store %arg9[%swap3A_51, %swap3A_52], %swap3A_55 {strides = array<i32>} : memref<64x128xf32, #tpu.memory_space<vmem>>, vector<1x16xf32>,
      %swap3A_56 = arith.index_cast %add3A_26 : i32 to index
      %swap3A_57 = arith.constant 96 : index
      %swap3A_58 = tpu.vector_load %arg9[%swap3A_56, %swap3A_57] {strides = array<i32>} : memref<64x128xf32, #tpu.memory_space<vmem>>, vector<1x16xf32>,
      %swap3A_59 = vector.shape_cast %swap3A_58 : vector<1x16xf32> to vector<16xf32>
      %swap3A_60 = vector.shape_cast %broadcast_in_dim3A_1 : vector<16xf32> to vector<1x16xf32>
      tpu.vector_store %arg9[%swap3A_56, %swap3A_57], %swap3A_60 {strides = array<i32>} : memref<64x128xf32, #tpu.memory_space<vmem>>, vector<1x16xf32>,
      %swap3A_61 = arith.index_cast %add3A_26 : i32 to index
      %swap3A_62 = arith.constant 112 : index
      %swap3A_63 = tpu.vector_load %arg9[%swap3A_61, %swap3A_62] {strides = array<i32>} : memref<64x128xf32, #tpu.memory_space<vmem>>, vector<1x16xf32>,
      %swap3A_64 = vector.shape_cast %swap3A_63 : vector<1x16xf32> to vector<16xf32>
      %swap3A_65 = vector.shape_cast %broadcast_in_dim3A_1 : vector<16xf32> to vector<1x16xf32>
      tpu.vector_store %arg9[%swap3A_61, %swap3A_62], %swap3A_65 {strides = array<i32>} : memref<64x128xf32, #tpu.memory_space<vmem>>, vector<1x16xf32>,
    }
    %scan3A_5 = arith.constant 64 : i32
    %scan3A_6 = arith.constant 0 : i32
    %scan3A_7 = arith.constant 10 : i32
    %scan3A_8 = arith.addi %scan3A_6, %scan3A_7 : i32
    %scan3A_9 = arith.constant 1 : i32
    scf.for %scan3A_22 = %scan3A_6 to %scan3A_8 step %scan3A_9  : i32 {
      %mul3A_23 = arith.constant 1 : i32
      %mul3A_24 = arith.muli %scan3A_22, %mul3A_23 : i32
      %add3A_25 = arith.constant 0 : i32
      %add3A_26 = arith.addi %add3A_25, %mul3A_24 : i32
      %mul3A_27 = arith.constant 640 : i32
      %mul3A_28 = arith.muli %arg1, %mul3A_27 : i32
      %mul3A_29 = arith.constant 64 : i32
      %mul3A_30 = arith.muli %add3A_26, %mul3A_29 : i32
      %add3A_31 = arith.addi %mul3A_28, %mul3A_30 : i32
      "tpu.region"() ({
        %run_scoped3A = tpu.sem_alloc : memref<!tpu.dma_semaphore, #tpu.memory_space<semaphore_mem>>
        %dma_start3A = arith.constant 0 : i32
        %dma_start3A_32 = tpu.memref_slice %arg6[%add3A_31, %dma_start3A] : memref<10240x128xf32, #tpu.memory_space<vmem_shared>> -> memref<64x128xf32, #tpu.memory_space<vmem_shared>>
        %dma_start3A_33 = arith.constant 0 : i32
        %dma_start3A_34 = tpu.memref_slice %arg6[%add3A_31, %dma_start3A_33] : memref<10240x128xf32, #tpu.memory_space<vmem_shared>> -> memref<64x128xf32, #tpu.memory_space<vmem_shared>>
        tpu.enqueue_dma source(%arg9 : memref<64x128xf32, #tpu.memory_space<vmem>>) target(%dma_start3A_34 : memref<64x128xf32, #tpu.memory_space<vmem_shared>>) target_semaphore(%run_scoped3A : memref<!tpu.dma_semaphore, #tpu.memory_space<semaphore_mem>>)
        %dma_wait3A = arith.constant 0 : i32
        %dma_wait3A_35 = tpu.memref_slice %arg6[%add3A_31, %dma_wait3A] : memref<10240x128xf32, #tpu.memory_space<vmem_shared>> -> memref<64x128xf32, #tpu.memory_space<vmem_shared>>
        %dma_wait3A_36 = arith.constant 0 : i32
        %dma_wait3A_37 = tpu.memref_slice %arg6[%add3A_31, %dma_wait3A_36] : memref<10240x128xf32, #tpu.memory_space<vmem_shared>> -> memref<64x128xf32, #tpu.memory_space<vmem_shared>>
        tpu.wait_dma2 semaphore(%run_scoped3A : memref<!tpu.dma_semaphore, #tpu.memory_space<semaphore_mem>>) src(%arg9 : memref<64x128xf32, #tpu.memory_space<vmem>>) dst(%dma_wait3A_37 : memref<64x128xf32, #tpu.memory_space<vmem_shared>>)
        tpu.yield
      }) : () -> ()
    }
    %scan3A_10 = arith.constant 10 : i32
    %barrier3A = arith.constant 0 : index
    tpu.barrier barrier_id(%barrier3A)
    %scan3A_11 = arith.constant 0 : i32
    %scan3A_12 = arith.constant 10 : i32
    %scan3A_13 = arith.addi %scan3A_11, %scan3A_12 : i32
    %scan3A_14 = arith.constant 1 : i32
    scf.for %scan3A_22 = %scan3A_11 to %scan3A_13 step %scan3A_14  : i32 {
      %mul3A_23 = arith.constant 1 : i32
      %mul3A_24 = arith.muli %scan3A_22, %mul3A_23 : i32
      %add3A_25 = arith.constant 0 : i32
      %add3A_26 = arith.addi %add3A_25, %mul3A_24 : i32
      %mul3A_27 = arith.constant 16 : i32
      %mul3A_28 = arith.muli %add3A_26, %mul3A_27 : i32
      "tpu.region"() ({
        %run_scoped3A = tpu.sem_alloc : memref<!tpu.dma_semaphore, #tpu.memory_space<semaphore_mem>>
        %dma_start3A_83 = arith.constant 0 : i32
        %dma_start3A_84 = tpu.memref_slice %arg3[%add3A, %mul3A_28, %dma_start3A_83] : memref<32x160x64xi32, #tpu.memory_space<hbm>> -> memref<1x16x64xi32, #tpu.memory_space<hbm>>
        %dma_start3A_85 = tpu.memref_squeeze %dma_start3A_84 : memref<1x16x64xi32, #tpu.memory_space<hbm>> -> memref<16x64xi32, #tpu.memory_space<hbm>>
        %dma_start3A_86 = arith.constant 0 : i32
        %dma_start3A_87 = tpu.memref_slice %arg3[%add3A, %mul3A_28, %dma_start3A_86] : memref<32x160x64xi32, #tpu.memory_space<hbm>> -> memref<1x16x64xi32, #tpu.memory_space<hbm>>
        %dma_start3A_88 = tpu.memref_squeeze %dma_start3A_87 : memref<1x16x64xi32, #tpu.memory_space<hbm>> -> memref<16x64xi32, #tpu.memory_space<hbm>>
        tpu.enqueue_dma source(%dma_start3A_88 : memref<16x64xi32, #tpu.memory_space<hbm>>) target(%arg7 : memref<16x64xi32, #tpu.memory_space<vmem>>) target_semaphore(%run_scoped3A : memref<!tpu.dma_semaphore, #tpu.memory_space<semaphore_mem>>)
        %dma_wait3A_89 = arith.constant 0 : i32
        %dma_wait3A_90 = tpu.memref_slice %arg3[%add3A, %mul3A_28, %dma_wait3A_89] : memref<32x160x64xi32, #tpu.memory_space<hbm>> -> memref<1x16x64xi32, #tpu.memory_space<hbm>>
        %dma_wait3A_91 = tpu.memref_squeeze %dma_wait3A_90 : memref<1x16x64xi32, #tpu.memory_space<hbm>> -> memref<16x64xi32, #tpu.memory_space<hbm>>
        %dma_wait3A_92 = arith.constant 0 : i32
        %dma_wait3A_93 = tpu.memref_slice %arg3[%add3A, %mul3A_28, %dma_wait3A_92] : memref<32x160x64xi32, #tpu.memory_space<hbm>> -> memref<1x16x64xi32, #tpu.memory_space<hbm>>
        %dma_wait3A_94 = tpu.memref_squeeze %dma_wait3A_93 : memref<1x16x64xi32, #tpu.memory_space<hbm>> -> memref<16x64xi32, #tpu.memory_space<hbm>>
        tpu.wait_dma2 semaphore(%run_scoped3A : memref<!tpu.dma_semaphore, #tpu.memory_space<semaphore_mem>>) src(%dma_wait3A_94 : memref<16x64xi32, #tpu.memory_space<hbm>>) dst(%arg7 : memref<16x64xi32, #tpu.memory_space<vmem>>)
        tpu.yield
      }) : () -> ()
      %mul3A_29 = arith.constant 16 : i32
      %mul3A_30 = arith.muli %add3A_26, %mul3A_29 : i32
      "tpu.region"() ({
        %run_scoped3A = tpu.sem_alloc : memref<!tpu.dma_semaphore, #tpu.memory_space<semaphore_mem>>
        %dma_start3A_83 = arith.constant 0 : i32
        %dma_start3A_84 = tpu.memref_slice %arg4[%add3A, %mul3A_30, %dma_start3A_83] : memref<32x160x64xi32, #tpu.memory_space<hbm>> -> memref<1x16x64xi32, #tpu.memory_space<hbm>>
        %dma_start3A_85 = tpu.memref_squeeze %dma_start3A_84 : memref<1x16x64xi32, #tpu.memory_space<hbm>> -> memref<16x64xi32, #tpu.memory_space<hbm>>
        %dma_start3A_86 = arith.constant 0 : i32
        %dma_start3A_87 = tpu.memref_slice %arg4[%add3A, %mul3A_30, %dma_start3A_86] : memref<32x160x64xi32, #tpu.memory_space<hbm>> -> memref<1x16x64xi32, #tpu.memory_space<hbm>>
        %dma_start3A_88 = tpu.memref_squeeze %dma_start3A_87 : memref<1x16x64xi32, #tpu.memory_space<hbm>> -> memref<16x64xi32, #tpu.memory_space<hbm>>
        tpu.enqueue_dma source(%dma_start3A_88 : memref<16x64xi32, #tpu.memory_space<hbm>>) target(%arg8 : memref<16x64xi32, #tpu.memory_space<vmem>>) target_semaphore(%run_scoped3A : memref<!tpu.dma_semaphore, #tpu.memory_space<semaphore_mem>>)
        %dma_wait3A_89 = arith.constant 0 : i32
        %dma_wait3A_90 = tpu.memref_slice %arg4[%add3A, %mul3A_30, %dma_wait3A_89] : memref<32x160x64xi32, #tpu.memory_space<hbm>> -> memref<1x16x64xi32, #tpu.memory_space<hbm>>
        %dma_wait3A_91 = tpu.memref_squeeze %dma_wait3A_90 : memref<1x16x64xi32, #tpu.memory_space<hbm>> -> memref<16x64xi32, #tpu.memory_space<hbm>>
        %dma_wait3A_92 = arith.constant 0 : i32
        %dma_wait3A_93 = tpu.memref_slice %arg4[%add3A, %mul3A_30, %dma_wait3A_92] : memref<32x160x64xi32, #tpu.memory_space<hbm>> -> memref<1x16x64xi32, #tpu.memory_space<hbm>>
        %dma_wait3A_94 = tpu.memref_squeeze %dma_wait3A_93 : memref<1x16x64xi32, #tpu.memory_space<hbm>> -> memref<16x64xi32, #tpu.memory_space<hbm>>
        tpu.wait_dma2 semaphore(%run_scoped3A : memref<!tpu.dma_semaphore, #tpu.memory_space<semaphore_mem>>) src(%dma_wait3A_94 : memref<16x64xi32, #tpu.memory_space<hbm>>) dst(%arg8 : memref<16x64xi32, #tpu.memory_space<vmem>>)
        tpu.yield
      }) : () -> ()
      %dma_start3A = arith.constant 0 : i32
      %dma_start3A_31 = arith.constant 0 : i32
      %dma_start3A_32 = tpu.memref_slice %arg7[%dma_start3A, %dma_start3A_31] : memref<16x64xi32, #tpu.memory_space<vmem>> -> memref<1x64xi32, #tpu.memory_space<vmem>>
      %dma_start3A_33 = tpu.memref_squeeze %dma_start3A_32 : memref<1x64xi32, #tpu.memory_space<vmem>> -> memref<64xi32, #tpu.memory_space<vmem>>
      %dma_start3A_34 = arith.constant 0 : i32
      %dma_start3A_35 = arith.constant 0 : i32
      %dma_start3A_36 = tpu.memref_slice %arg2[%dma_start3A_34, %dma_start3A_35] : memref<10240x128xf32, #tpu.memory_space<hbm>> -> memref<10240x128xf32, #tpu.memory_space<hbm>>
      tpu.enqueue_indirect_dma source(%dma_start3A_36 : memref<10240x128xf32, #tpu.memory_space<hbm>>) target(%arg9 : memref<64x128xf32, #tpu.memory_space<vmem>>) offsets(%dma_start3A_33 : memref<64xi32, #tpu.memory_space<vmem>>) semaphore(%arg13 : memref<!tpu.dma_semaphore, #tpu.memory_space<semaphore_mem>>)
      %dma_start3A_37 = arith.constant 1 : i32
      %dma_start3A_38 = arith.constant 0 : i32
      %dma_start3A_39 = tpu.memref_slice %arg7[%dma_start3A_37, %dma_start3A_38] : memref<16x64xi32, #tpu.memory_space<vmem>> -> memref<1x64xi32, #tpu.memory_space<vmem>>
      %dma_start3A_40 = tpu.memref_squeeze %dma_start3A_39 : memref<1x64xi32, #tpu.memory_space<vmem>> -> memref<64xi32, #tpu.memory_space<vmem>>
      %dma_start3A_41 = arith.constant 0 : i32
      %dma_start3A_42 = arith.constant 0 : i32
      %dma_start3A_43 = tpu.memref_slice %arg2[%dma_start3A_41, %dma_start3A_42] : memref<10240x128xf32, #tpu.memory_space<hbm>> -> memref<10240x128xf32, #tpu.memory_space<hbm>>
      tpu.enqueue_indirect_dma source(%dma_start3A_43 : memref<10240x128xf32, #tpu.memory_space<hbm>>) target(%arg10 : memref<64x128xf32, #tpu.memory_space<vmem>>) offsets(%dma_start3A_40 : memref<64xi32, #tpu.memory_space<vmem>>) semaphore(%arg14 : memref<!tpu.dma_semaphore, #tpu.memory_space<semaphore_mem>>)
      %dma_start3A_44 = arith.constant 2 : i32
      %dma_start3A_45 = arith.constant 0 : i32
      %dma_start3A_46 = tpu.memref_slice %arg7[%dma_start3A_44, %dma_start3A_45] : memref<16x64xi32, #tpu.memory_space<vmem>> -> memref<1x64xi32, #tpu.memory_space<vmem>>
      %dma_start3A_47 = tpu.memref_squeeze %dma_start3A_46 : memref<1x64xi32, #tpu.memory_space<vmem>> -> memref<64xi32, #tpu.memory_space<vmem>>
      %dma_start3A_48 = arith.constant 0 : i32
      %dma_start3A_49 = arith.constant 0 : i32
      %dma_start3A_50 = tpu.memref_slice %arg2[%dma_start3A_48, %dma_start3A_49] : memref<10240x128xf32, #tpu.memory_space<hbm>> -> memref<10240x128xf32, #tpu.memory_space<hbm>>
      tpu.enqueue_indirect_dma source(%dma_start3A_50 : memref<10240x128xf32, #tpu.memory_space<hbm>>) target(%arg11 : memref<64x128xf32, #tpu.memory_space<vmem>>) offsets(%dma_start3A_47 : memref<64xi32, #tpu.memory_space<vmem>>) semaphore(%arg15 : memref<!tpu.dma_semaphore, #tpu.memory_space<semaphore_mem>>)
      %scan3A_51 = arith.constant 0 : i32
      %scan3A_52 = arith.constant 4 : i32
      %scan3A_53 = arith.addi %scan3A_51, %scan3A_52 : i32
      %scan3A_54 = arith.constant 1 : i32
      scf.for %scan3A_83 = %scan3A_51 to %scan3A_53 step %scan3A_54  : i32 {
        %mul3A_84 = arith.constant 4 : i32
        %mul3A_85 = arith.muli %scan3A_83, %mul3A_84 : i32
        %add3A_86 = arith.constant 0 : i32
        %add3A_87 = arith.addi %add3A_86, %mul3A_85 : i32
        %add3A_88 = arith.constant 0 : i32
        %add3A_89 = arith.addi %add3A_87, %add3A_88 : i32
        %dma_wait3A_90 = arith.constant 0 : i32
        %dma_wait3A_91 = tpu.memref_slice %arg7[%add3A_89, %dma_wait3A_90] : memref<16x64xi32, #tpu.memory_space<vmem>> -> memref<1x64xi32, #tpu.memory_space<vmem>>
        %dma_wait3A_92 = tpu.memref_squeeze %dma_wait3A_91 : memref<1x64xi32, #tpu.memory_space<vmem>> -> memref<64xi32, #tpu.memory_space<vmem>>
        %dma_wait3A_93 = arith.constant 0 : i32
        %dma_wait3A_94 = arith.constant 0 : i32
        %dma_wait3A_95 = tpu.memref_slice %arg2[%dma_wait3A_93, %dma_wait3A_94] : memref<10240x128xf32, #tpu.memory_space<hbm>> -> memref<10240x128xf32, #tpu.memory_space<hbm>>
        tpu.wait_indirect_dma semaphore(%arg13 : memref<!tpu.dma_semaphore, #tpu.memory_space<semaphore_mem>>) src(%dma_wait3A_95 : memref<10240x128xf32, #tpu.memory_space<hbm>>) dst(%arg9 : memref<64x128xf32, #tpu.memory_space<vmem>>)
        %dma_start3A_96 = arith.constant 0 : i32
        %dma_start3A_97 = tpu.memref_slice %arg8[%add3A_89, %dma_start3A_96] : memref<16x64xi32, #tpu.memory_space<vmem>> -> memref<1x64xi32, #tpu.memory_space<vmem>>
        %dma_start3A_98 = tpu.memref_squeeze %dma_start3A_97 : memref<1x64xi32, #tpu.memory_space<vmem>> -> memref<64xi32, #tpu.memory_space<vmem>>
        %dma_start3A_99 = arith.constant 0 : i32
        %dma_start3A_100 = arith.constant 0 : i32
        %dma_start3A_101 = tpu.memref_slice %arg6[%dma_start3A_99, %dma_start3A_100] : memref<10240x128xf32, #tpu.memory_space<vmem_shared>> -> memref<10240x128xf32, #tpu.memory_space<vmem_shared>>
        tpu.enqueue_indirect_dma source(%arg9 : memref<64x128xf32, #tpu.memory_space<vmem>>) target(%dma_start3A_101 : memref<10240x128xf32, #tpu.memory_space<vmem_shared>>) offsets(%dma_start3A_98 : memref<64xi32, #tpu.memory_space<vmem>>) semaphore(%arg17 : memref<!tpu.dma_semaphore, #tpu.memory_space<semaphore_mem>>) {add = true}
        %add3A_102 = arith.constant 4 : i32
        %add3A_103 = arith.addi %add3A_89, %add3A_102 : i32
        %sub3A = arith.constant 1 : i32
        %sub3A_104 = arith.subi %add3A_103, %sub3A : i32
        %ge3A = arith.constant 1 : i32
        %ge3A_105 = arith.cmpi sge, %add3A_89, %ge3A : i32
        %lt3A = arith.constant 16 : i32
        %lt3A_106 = arith.cmpi slt, %sub3A_104, %lt3A : i32
        %and3A = arith.andi %ge3A_105, %lt3A_106 : i1
        %convert_element_type3A = arith.extui %and3A : i1 to i32
        %cond3A = arith.constant 0 : i32
        %cond3A_107 = arith.cmpi ne, %convert_element_type3A, %cond3A : i32
        scf.if %cond3A_107 {
          %sub3A_206 = arith.constant 1 : i32
          %sub3A_207 = arith.subi %add3A_89, %sub3A_206 : i32
          %dma_wait3A_208 = arith.constant 0 : i32
          %dma_wait3A_209 = tpu.memref_slice %arg8[%sub3A_207, %dma_wait3A_208] : memref<16x64xi32, #tpu.memory_space<vmem>> -> memref<1x64xi32, #tpu.memory_space<vmem>>
          %dma_wait3A_210 = tpu.memref_squeeze %dma_wait3A_209 : memref<1x64xi32, #tpu.memory_space<vmem>> -> memref<64xi32, #tpu.memory_space<vmem>>
          %dma_wait3A_211 = arith.constant 0 : i32
          %dma_wait3A_212 = arith.constant 0 : i32
          %dma_wait3A_213 = tpu.memref_slice %arg6[%dma_wait3A_211, %dma_wait3A_212] : memref<10240x128xf32, #tpu.memory_space<vmem_shared>> -> memref<10240x128xf32, #tpu.memory_space<vmem_shared>>
          tpu.wait_indirect_dma semaphore(%arg20 : memref<!tpu.dma_semaphore, #tpu.memory_space<semaphore_mem>>) src(%arg12 : memref<64x128xf32, #tpu.memory_space<vmem>>) dst(%dma_wait3A_213 : memref<10240x128xf32, #tpu.memory_space<vmem_shared>>)
        } else {
        }
        %lt3A_108 = arith.constant 16 : i32
        %lt3A_109 = arith.cmpi slt, %sub3A_104, %lt3A_108 : i32
        %convert_element_type3A_110 = arith.extui %lt3A_109 : i1 to i32
        %cond3A_111 = arith.constant 0 : i32
        %cond3A_112 = arith.cmpi ne, %convert_element_type3A_110, %cond3A_111 : i32
        scf.if %cond3A_112 {
          %dma_start3A_206 = arith.constant 0 : i32
          %dma_start3A_207 = tpu.memref_slice %arg7[%sub3A_104, %dma_start3A_206] : memref<16x64xi32, #tpu.memory_space<vmem>> -> memref<1x64xi32, #tpu.memory_space<vmem>>
          %dma_start3A_208 = tpu.memref_squeeze %dma_start3A_207 : memref<1x64xi32, #tpu.memory_space<vmem>> -> memref<64xi32, #tpu.memory_space<vmem>>
          %dma_start3A_209 = arith.constant 0 : i32
          %dma_start3A_210 = arith.constant 0 : i32
          %dma_start3A_211 = tpu.memref_slice %arg2[%dma_start3A_209, %dma_start3A_210] : memref<10240x128xf32, #tpu.memory_space<hbm>> -> memref<10240x128xf32, #tpu.memory_space<hbm>>
          tpu.enqueue_indirect_dma source(%dma_start3A_211 : memref<10240x128xf32, #tpu.memory_space<hbm>>) target(%arg12 : memref<64x128xf32, #tpu.memory_space<vmem>>) offsets(%dma_start3A_208 : memref<64xi32, #tpu.memory_space<vmem>>) semaphore(%arg16 : memref<!tpu.dma_semaphore, #tpu.memory_space<semaphore_mem>>)
        } else {
        }
        %add3A_113 = arith.constant 1 : i32
        %add3A_114 = arith.addi %add3A_87, %add3A_113 : i32
        %dma_wait3A_115 = arith.constant 0 : i32
        %dma_wait3A_116 = tpu.memref_slice %arg7[%add3A_114, %dma_wait3A_115] : memref<16x64xi32, #tpu.memory_space<vmem>> -> memref<1x64xi32, #tpu.memory_space<vmem>>
        %dma_wait3A_117 = tpu.memref_squeeze %dma_wait3A_116 : memref<1x64xi32, #tpu.memory_space<vmem>> -> memref<64xi32, #tpu.memory_space<vmem>>
        %dma_wait3A_118 = arith.constant 0 : i32
        %dma_wait3A_119 = arith.constant 0 : i32
        %dma_wait3A_120 = tpu.memref_slice %arg2[%dma_wait3A_118, %dma_wait3A_119] : memref<10240x128xf32, #tpu.memory_space<hbm>> -> memref<10240x128xf32, #tpu.memory_space<hbm>>
        tpu.wait_indirect_dma semaphore(%arg14 : memref<!tpu.dma_semaphore, #tpu.memory_space<semaphore_mem>>) src(%dma_wait3A_120 : memref<10240x128xf32, #tpu.memory_space<hbm>>) dst(%arg10 : memref<64x128xf32, #tpu.memory_space<vmem>>)
        %dma_start3A_121 = arith.constant 0 : i32
        %dma_start3A_122 = tpu.memref_slice %arg8[%add3A_114, %dma_start3A_121] : memref<16x64xi32, #tpu.memory_space<vmem>> -> memref<1x64xi32, #tpu.memory_space<vmem>>
        %dma_start3A_123 = tpu.memref_squeeze %dma_start3A_122 : memref<1x64xi32, #tpu.memory_space<vmem>> -> memref<64xi32, #tpu.memory_space<vmem>>
        %dma_start3A_124 = arith.constant 0 : i32
        %dma_start3A_125 = arith.constant 0 : i32
        %dma_start3A_126 = tpu.memref_slice %arg6[%dma_start3A_124, %dma_start3A_125] : memref<10240x128xf32, #tpu.memory_space<vmem_shared>> -> memref<10240x128xf32, #tpu.memory_space<vmem_shared>>
        tpu.enqueue_indirect_dma source(%arg10 : memref<64x128xf32, #tpu.memory_space<vmem>>) target(%dma_start3A_126 : memref<10240x128xf32, #tpu.memory_space<vmem_shared>>) offsets(%dma_start3A_123 : memref<64xi32, #tpu.memory_space<vmem>>) semaphore(%arg18 : memref<!tpu.dma_semaphore, #tpu.memory_space<semaphore_mem>>) {add = true}
        %add3A_127 = arith.constant 4 : i32
        %add3A_128 = arith.addi %add3A_114, %add3A_127 : i32
        %sub3A_129 = arith.constant 1 : i32
        %sub3A_130 = arith.subi %add3A_128, %sub3A_129 : i32
        %ge3A_131 = arith.constant 1 : i32
        %ge3A_132 = arith.cmpi sge, %add3A_114, %ge3A_131 : i32
        %lt3A_133 = arith.constant 16 : i32
        %lt3A_134 = arith.cmpi slt, %sub3A_130, %lt3A_133 : i32
        %and3A_135 = arith.andi %ge3A_132, %lt3A_134 : i1
        %convert_element_type3A_136 = arith.extui %and3A_135 : i1 to i32
        %cond3A_137 = arith.constant 0 : i32
        %cond3A_138 = arith.cmpi ne, %convert_element_type3A_136, %cond3A_137 : i32
        scf.if %cond3A_138 {
          %sub3A_206 = arith.constant 1 : i32
          %sub3A_207 = arith.subi %add3A_114, %sub3A_206 : i32
          %dma_wait3A_208 = arith.constant 0 : i32
          %dma_wait3A_209 = tpu.memref_slice %arg8[%sub3A_207, %dma_wait3A_208] : memref<16x64xi32, #tpu.memory_space<vmem>> -> memref<1x64xi32, #tpu.memory_space<vmem>>
          %dma_wait3A_210 = tpu.memref_squeeze %dma_wait3A_209 : memref<1x64xi32, #tpu.memory_space<vmem>> -> memref<64xi32, #tpu.memory_space<vmem>>
          %dma_wait3A_211 = arith.constant 0 : i32
          %dma_wait3A_212 = arith.constant 0 : i32
          %dma_wait3A_213 = tpu.memref_slice %arg6[%dma_wait3A_211, %dma_wait3A_212] : memref<10240x128xf32, #tpu.memory_space<vmem_shared>> -> memref<10240x128xf32, #tpu.memory_space<vmem_shared>>
          tpu.wait_indirect_dma semaphore(%arg17 : memref<!tpu.dma_semaphore, #tpu.memory_space<semaphore_mem>>) src(%arg9 : memref<64x128xf32, #tpu.memory_space<vmem>>) dst(%dma_wait3A_213 : memref<10240x128xf32, #tpu.memory_space<vmem_shared>>)
        } else {
        }
        %lt3A_139 = arith.constant 16 : i32
        %lt3A_140 = arith.cmpi slt, %sub3A_130, %lt3A_139 : i32
        %convert_element_type3A_141 = arith.extui %lt3A_140 : i1 to i32
        %cond3A_142 = arith.constant 0 : i32
        %cond3A_143 = arith.cmpi ne, %convert_element_type3A_141, %cond3A_142 : i32
        scf.if %cond3A_143 {
          %dma_start3A_206 = arith.constant 0 : i32
          %dma_start3A_207 = tpu.memref_slice %arg7[%sub3A_130, %dma_start3A_206] : memref<16x64xi32, #tpu.memory_space<vmem>> -> memref<1x64xi32, #tpu.memory_space<vmem>>
          %dma_start3A_208 = tpu.memref_squeeze %dma_start3A_207 : memref<1x64xi32, #tpu.memory_space<vmem>> -> memref<64xi32, #tpu.memory_space<vmem>>
          %dma_start3A_209 = arith.constant 0 : i32
          %dma_start3A_210 = arith.constant 0 : i32
          %dma_start3A_211 = tpu.memref_slice %arg2[%dma_start3A_209, %dma_start3A_210] : memref<10240x128xf32, #tpu.memory_space<hbm>> -> memref<10240x128xf32, #tpu.memory_space<hbm>>
          tpu.enqueue_indirect_dma source(%dma_start3A_211 : memref<10240x128xf32, #tpu.memory_space<hbm>>) target(%arg9 : memref<64x128xf32, #tpu.memory_space<vmem>>) offsets(%dma_start3A_208 : memref<64xi32, #tpu.memory_space<vmem>>) semaphore(%arg13 : memref<!tpu.dma_semaphore, #tpu.memory_space<semaphore_mem>>)
        } else {
        }
        %add3A_144 = arith.constant 2 : i32
        %add3A_145 = arith.addi %add3A_87, %add3A_144 : i32
        %dma_wait3A_146 = arith.constant 0 : i32
        %dma_wait3A_147 = tpu.memref_slice %arg7[%add3A_145, %dma_wait3A_146] : memref<16x64xi32, #tpu.memory_space<vmem>> -> memref<1x64xi32, #tpu.memory_space<vmem>>
        %dma_wait3A_148 = tpu.memref_squeeze %dma_wait3A_147 : memref<1x64xi32, #tpu.memory_space<vmem>> -> memref<64xi32, #tpu.memory_space<vmem>>
        %dma_wait3A_149 = arith.constant 0 : i32
        %dma_wait3A_150 = arith.constant 0 : i32
        %dma_wait3A_151 = tpu.memref_slice %arg2[%dma_wait3A_149, %dma_wait3A_150] : memref<10240x128xf32, #tpu.memory_space<hbm>> -> memref<10240x128xf32, #tpu.memory_space<hbm>>
        tpu.wait_indirect_dma semaphore(%arg15 : memref<!tpu.dma_semaphore, #tpu.memory_space<semaphore_mem>>) src(%dma_wait3A_151 : memref<10240x128xf32, #tpu.memory_space<hbm>>) dst(%arg11 : memref<64x128xf32, #tpu.memory_space<vmem>>)
        %dma_start3A_152 = arith.constant 0 : i32
        %dma_start3A_153 = tpu.memref_slice %arg8[%add3A_145, %dma_start3A_152] : memref<16x64xi32, #tpu.memory_space<vmem>> -> memref<1x64xi32, #tpu.memory_space<vmem>>
        %dma_start3A_154 = tpu.memref_squeeze %dma_start3A_153 : memref<1x64xi32, #tpu.memory_space<vmem>> -> memref<64xi32, #tpu.memory_space<vmem>>
        %dma_start3A_155 = arith.constant 0 : i32
        %dma_start3A_156 = arith.constant 0 : i32
        %dma_start3A_157 = tpu.memref_slice %arg6[%dma_start3A_155, %dma_start3A_156] : memref<10240x128xf32, #tpu.memory_space<vmem_shared>> -> memref<10240x128xf32, #tpu.memory_space<vmem_shared>>
        tpu.enqueue_indirect_dma source(%arg11 : memref<64x128xf32, #tpu.memory_space<vmem>>) target(%dma_start3A_157 : memref<10240x128xf32, #tpu.memory_space<vmem_shared>>) offsets(%dma_start3A_154 : memref<64xi32, #tpu.memory_space<vmem>>) semaphore(%arg19 : memref<!tpu.dma_semaphore, #tpu.memory_space<semaphore_mem>>) {add = true}
        %add3A_158 = arith.constant 4 : i32
        %add3A_159 = arith.addi %add3A_145, %add3A_158 : i32
        %sub3A_160 = arith.constant 1 : i32
        %sub3A_161 = arith.subi %add3A_159, %sub3A_160 : i32
        %ge3A_162 = arith.constant 1 : i32
        %ge3A_163 = arith.cmpi sge, %add3A_145, %ge3A_162 : i32
        %lt3A_164 = arith.constant 16 : i32
        %lt3A_165 = arith.cmpi slt, %sub3A_161, %lt3A_164 : i32
        %and3A_166 = arith.andi %ge3A_163, %lt3A_165 : i1
        %convert_element_type3A_167 = arith.extui %and3A_166 : i1 to i32
        %cond3A_168 = arith.constant 0 : i32
        %cond3A_169 = arith.cmpi ne, %convert_element_type3A_167, %cond3A_168 : i32
        scf.if %cond3A_169 {
          %sub3A_206 = arith.constant 1 : i32
          %sub3A_207 = arith.subi %add3A_145, %sub3A_206 : i32
          %dma_wait3A_208 = arith.constant 0 : i32
          %dma_wait3A_209 = tpu.memref_slice %arg8[%sub3A_207, %dma_wait3A_208] : memref<16x64xi32, #tpu.memory_space<vmem>> -> memref<1x64xi32, #tpu.memory_space<vmem>>
          %dma_wait3A_210 = tpu.memref_squeeze %dma_wait3A_209 : memref<1x64xi32, #tpu.memory_space<vmem>> -> memref<64xi32, #tpu.memory_space<vmem>>
          %dma_wait3A_211 = arith.constant 0 : i32
          %dma_wait3A_212 = arith.constant 0 : i32
          %dma_wait3A_213 = tpu.memref_slice %arg6[%dma_wait3A_211, %dma_wait3A_212] : memref<10240x128xf32, #tpu.memory_space<vmem_shared>> -> memref<10240x128xf32, #tpu.memory_space<vmem_shared>>
          tpu.wait_indirect_dma semaphore(%arg18 : memref<!tpu.dma_semaphore, #tpu.memory_space<semaphore_mem>>) src(%arg10 : memref<64x128xf32, #tpu.memory_space<vmem>>) dst(%dma_wait3A_213 : memref<10240x128xf32, #tpu.memory_space<vmem_shared>>)
        } else {
        }
        %lt3A_170 = arith.constant 16 : i32
        %lt3A_171 = arith.cmpi slt, %sub3A_161, %lt3A_170 : i32
        %convert_element_type3A_172 = arith.extui %lt3A_171 : i1 to i32
        %cond3A_173 = arith.constant 0 : i32
        %cond3A_174 = arith.cmpi ne, %convert_element_type3A_172, %cond3A_173 : i32
        scf.if %cond3A_174 {
          %dma_start3A_206 = arith.constant 0 : i32
          %dma_start3A_207 = tpu.memref_slice %arg7[%sub3A_161, %dma_start3A_206] : memref<16x64xi32, #tpu.memory_space<vmem>> -> memref<1x64xi32, #tpu.memory_space<vmem>>
          %dma_start3A_208 = tpu.memref_squeeze %dma_start3A_207 : memref<1x64xi32, #tpu.memory_space<vmem>> -> memref<64xi32, #tpu.memory_space<vmem>>
          %dma_start3A_209 = arith.constant 0 : i32
          %dma_start3A_210 = arith.constant 0 : i32
          %dma_start3A_211 = tpu.memref_slice %arg2[%dma_start3A_209, %dma_start3A_210] : memref<10240x128xf32, #tpu.memory_space<hbm>> -> memref<10240x128xf32, #tpu.memory_space<hbm>>
          tpu.enqueue_indirect_dma source(%dma_start3A_211 : memref<10240x128xf32, #tpu.memory_space<hbm>>) target(%arg10 : memref<64x128xf32, #tpu.memory_space<vmem>>) offsets(%dma_start3A_208 : memref<64xi32, #tpu.memory_space<vmem>>) semaphore(%arg14 : memref<!tpu.dma_semaphore, #tpu.memory_space<semaphore_mem>>)
        } else {
        }
        %add3A_175 = arith.constant 3 : i32
        %add3A_176 = arith.addi %add3A_87, %add3A_175 : i32
        %dma_wait3A_177 = arith.constant 0 : i32
        %dma_wait3A_178 = tpu.memref_slice %arg7[%add3A_176, %dma_wait3A_177] : memref<16x64xi32, #tpu.memory_space<vmem>> -> memref<1x64xi32, #tpu.memory_space<vmem>>
        %dma_wait3A_179 = tpu.memref_squeeze %dma_wait3A_178 : memref<1x64xi32, #tpu.memory_space<vmem>> -> memref<64xi32, #tpu.memory_space<vmem>>
        %dma_wait3A_180 = arith.constant 0 : i32
        %dma_wait3A_181 = arith.constant 0 : i32
        %dma_wait3A_182 = tpu.memref_slice %arg2[%dma_wait3A_180, %dma_wait3A_181] : memref<10240x128xf32, #tpu.memory_space<hbm>> -> memref<10240x128xf32, #tpu.memory_space<hbm>>
        tpu.wait_indirect_dma semaphore(%arg16 : memref<!tpu.dma_semaphore, #tpu.memory_space<semaphore_mem>>) src(%dma_wait3A_182 : memref<10240x128xf32, #tpu.memory_space<hbm>>) dst(%arg12 : memref<64x128xf32, #tpu.memory_space<vmem>>)
        %dma_start3A_183 = arith.constant 0 : i32
        %dma_start3A_184 = tpu.memref_slice %arg8[%add3A_176, %dma_start3A_183] : memref<16x64xi32, #tpu.memory_space<vmem>> -> memref<1x64xi32, #tpu.memory_space<vmem>>
        %dma_start3A_185 = tpu.memref_squeeze %dma_start3A_184 : memref<1x64xi32, #tpu.memory_space<vmem>> -> memref<64xi32, #tpu.memory_space<vmem>>
        %dma_start3A_186 = arith.constant 0 : i32
        %dma_start3A_187 = arith.constant 0 : i32
        %dma_start3A_188 = tpu.memref_slice %arg6[%dma_start3A_186, %dma_start3A_187] : memref<10240x128xf32, #tpu.memory_space<vmem_shared>> -> memref<10240x128xf32, #tpu.memory_space<vmem_shared>>
        tpu.enqueue_indirect_dma source(%arg12 : memref<64x128xf32, #tpu.memory_space<vmem>>) target(%dma_start3A_188 : memref<10240x128xf32, #tpu.memory_space<vmem_shared>>) offsets(%dma_start3A_185 : memref<64xi32, #tpu.memory_space<vmem>>) semaphore(%arg20 : memref<!tpu.dma_semaphore, #tpu.memory_space<semaphore_mem>>) {add = true}
        %add3A_189 = arith.constant 4 : i32
        %add3A_190 = arith.addi %add3A_176, %add3A_189 : i32
        %sub3A_191 = arith.constant 1 : i32
        %sub3A_192 = arith.subi %add3A_190, %sub3A_191 : i32
        %ge3A_193 = arith.constant 1 : i32
        %ge3A_194 = arith.cmpi sge, %add3A_176, %ge3A_193 : i32
        %lt3A_195 = arith.constant 16 : i32
        %lt3A_196 = arith.cmpi slt, %sub3A_192, %lt3A_195 : i32
        %and3A_197 = arith.andi %ge3A_194, %lt3A_196 : i1
        %convert_element_type3A_198 = arith.extui %and3A_197 : i1 to i32
        %cond3A_199 = arith.constant 0 : i32
        %cond3A_200 = arith.cmpi ne, %convert_element_type3A_198, %cond3A_199 : i32
        scf.if %cond3A_200 {
          %sub3A_206 = arith.constant 1 : i32
          %sub3A_207 = arith.subi %add3A_176, %sub3A_206 : i32
          %dma_wait3A_208 = arith.constant 0 : i32
          %dma_wait3A_209 = tpu.memref_slice %arg8[%sub3A_207, %dma_wait3A_208] : memref<16x64xi32, #tpu.memory_space<vmem>> -> memref<1x64xi32, #tpu.memory_space<vmem>>
          %dma_wait3A_210 = tpu.memref_squeeze %dma_wait3A_209 : memref<1x64xi32, #tpu.memory_space<vmem>> -> memref<64xi32, #tpu.memory_space<vmem>>
          %dma_wait3A_211 = arith.constant 0 : i32
          %dma_wait3A_212 = arith.constant 0 : i32
          %dma_wait3A_213 = tpu.memref_slice %arg6[%dma_wait3A_211, %dma_wait3A_212] : memref<10240x128xf32, #tpu.memory_space<vmem_shared>> -> memref<10240x128xf32, #tpu.memory_space<vmem_shared>>
          tpu.wait_indirect_dma semaphore(%arg19 : memref<!tpu.dma_semaphore, #tpu.memory_space<semaphore_mem>>) src(%arg11 : memref<64x128xf32, #tpu.memory_space<vmem>>) dst(%dma_wait3A_213 : memref<10240x128xf32, #tpu.memory_space<vmem_shared>>)
        } else {
        }
        %lt3A_201 = arith.constant 16 : i32
        %lt3A_202 = arith.cmpi slt, %sub3A_192, %lt3A_201 : i32
        %convert_element_type3A_203 = arith.extui %lt3A_202 : i1 to i32
        %cond3A_204 = arith.constant 0 : i32
        %cond3A_205 = arith.cmpi ne, %convert_element_type3A_203, %cond3A_204 : i32
        scf.if %cond3A_205 {
          %dma_start3A_206 = arith.constant 0 : i32
          %dma_start3A_207 = tpu.memref_slice %arg7[%sub3A_192, %dma_start3A_206] : memref<16x64xi32, #tpu.memory_space<vmem>> -> memref<1x64xi32, #tpu.memory_space<vmem>>
          %dma_start3A_208 = tpu.memref_squeeze %dma_start3A_207 : memref<1x64xi32, #tpu.memory_space<vmem>> -> memref<64xi32, #tpu.memory_space<vmem>>
          %dma_start3A_209 = arith.constant 0 : i32
          %dma_start3A_210 = arith.constant 0 : i32
          %dma_start3A_211 = tpu.memref_slice %arg2[%dma_start3A_209, %dma_start3A_210] : memref<10240x128xf32, #tpu.memory_space<hbm>> -> memref<10240x128xf32, #tpu.memory_space<hbm>>
          tpu.enqueue_indirect_dma source(%dma_start3A_211 : memref<10240x128xf32, #tpu.memory_space<hbm>>) target(%arg11 : memref<64x128xf32, #tpu.memory_space<vmem>>) offsets(%dma_start3A_208 : memref<64xi32, #tpu.memory_space<vmem>>) semaphore(%arg15 : memref<!tpu.dma_semaphore, #tpu.memory_space<semaphore_mem>>)
        } else {
        }
      }
      %scan3A_55 = arith.constant 4 : i32
      %dma_wait3A = arith.constant 12 : i32
      %dma_wait3A_56 = arith.constant 0 : i32
      %dma_wait3A_57 = tpu.memref_slice %arg8[%dma_wait3A, %dma_wait3A_56] : memref<16x64xi32, #tpu.memory_space<vmem>> -> memref<1x64xi32, #tpu.memory_space<vmem>>
      %dma_wait3A_58 = tpu.memref_squeeze %dma_wait3A_57 : memref<1x64xi32, #tpu.memory_space<vmem>> -> memref<64xi32, #tpu.memory_space<vmem>>
      %dma_wait3A_59 = arith.constant 0 : i32
      %dma_wait3A_60 = arith.constant 0 : i32
      %dma_wait3A_61 = tpu.memref_slice %arg6[%dma_wait3A_59, %dma_wait3A_60] : memref<10240x128xf32, #tpu.memory_space<vmem_shared>> -> memref<10240x128xf32, #tpu.memory_space<vmem_shared>>
      tpu.wait_indirect_dma semaphore(%arg17 : memref<!tpu.dma_semaphore, #tpu.memory_space<semaphore_mem>>) src(%arg9 : memref<64x128xf32, #tpu.memory_space<vmem>>) dst(%dma_wait3A_61 : memref<10240x128xf32, #tpu.memory_space<vmem_shared>>)
      %dma_wait3A_62 = arith.constant 13 : i32
      %dma_wait3A_63 = arith.constant 0 : i32
      %dma_wait3A_64 = tpu.memref_slice %arg8[%dma_wait3A_62, %dma_wait3A_63] : memref<16x64xi32, #tpu.memory_space<vmem>> -> memref<1x64xi32, #tpu.memory_space<vmem>>
      %dma_wait3A_65 = tpu.memref_squeeze %dma_wait3A_64 : memref<1x64xi32, #tpu.memory_space<vmem>> -> memref<64xi32, #tpu.memory_space<vmem>>
      %dma_wait3A_66 = arith.constant 0 : i32
      %dma_wait3A_67 = arith.constant 0 : i32
      %dma_wait3A_68 = tpu.memref_slice %arg6[%dma_wait3A_66, %dma_wait3A_67] : memref<10240x128xf32, #tpu.memory_space<vmem_shared>> -> memref<10240x128xf32, #tpu.memory_space<vmem_shared>>
      tpu.wait_indirect_dma semaphore(%arg18 : memref<!tpu.dma_semaphore, #tpu.memory_space<semaphore_mem>>) src(%arg10 : memref<64x128xf32, #tpu.memory_space<vmem>>) dst(%dma_wait3A_68 : memref<10240x128xf32, #tpu.memory_space<vmem_shared>>)
      %dma_wait3A_69 = arith.constant 14 : i32
      %dma_wait3A_70 = arith.constant 0 : i32
      %dma_wait3A_71 = tpu.memref_slice %arg8[%dma_wait3A_69, %dma_wait3A_70] : memref<16x64xi32, #tpu.memory_space<vmem>> -> memref<1x64xi32, #tpu.memory_space<vmem>>
      %dma_wait3A_72 = tpu.memref_squeeze %dma_wait3A_71 : memref<1x64xi32, #tpu.memory_space<vmem>> -> memref<64xi32, #tpu.memory_space<vmem>>
      %dma_wait3A_73 = arith.constant 0 : i32
      %dma_wait3A_74 = arith.constant 0 : i32
      %dma_wait3A_75 = tpu.memref_slice %arg6[%dma_wait3A_73, %dma_wait3A_74] : memref<10240x128xf32, #tpu.memory_space<vmem_shared>> -> memref<10240x128xf32, #tpu.memory_space<vmem_shared>>
      tpu.wait_indirect_dma semaphore(%arg19 : memref<!tpu.dma_semaphore, #tpu.memory_space<semaphore_mem>>) src(%arg11 : memref<64x128xf32, #tpu.memory_space<vmem>>) dst(%dma_wait3A_75 : memref<10240x128xf32, #tpu.memory_space<vmem_shared>>)
      %dma_wait3A_76 = arith.constant 15 : i32
      %dma_wait3A_77 = arith.constant 0 : i32
      %dma_wait3A_78 = tpu.memref_slice %arg8[%dma_wait3A_76, %dma_wait3A_77] : memref<16x64xi32, #tpu.memory_space<vmem>> -> memref<1x64xi32, #tpu.memory_space<vmem>>
      %dma_wait3A_79 = tpu.memref_squeeze %dma_wait3A_78 : memref<1x64xi32, #tpu.memory_space<vmem>> -> memref<64xi32, #tpu.memory_space<vmem>>
      %dma_wait3A_80 = arith.constant 0 : i32
      %dma_wait3A_81 = arith.constant 0 : i32
      %dma_wait3A_82 = tpu.memref_slice %arg6[%dma_wait3A_80, %dma_wait3A_81] : memref<10240x128xf32, #tpu.memory_space<vmem_shared>> -> memref<10240x128xf32, #tpu.memory_space<vmem_shared>>
      tpu.wait_indirect_dma semaphore(%arg20 : memref<!tpu.dma_semaphore, #tpu.memory_space<semaphore_mem>>) src(%arg12 : memref<64x128xf32, #tpu.memory_space<vmem>>) dst(%dma_wait3A_82 : memref<10240x128xf32, #tpu.memory_space<vmem_shared>>)
    }
    %scan3A_15 = arith.constant 10 : i32
    %barrier3A_16 = arith.constant 0 : index
    tpu.barrier barrier_id(%barrier3A_16)
    %scan3A_17 = arith.constant 0 : i32
    %scan3A_18 = arith.constant 10 : i32
    %scan3A_19 = arith.addi %scan3A_17, %scan3A_18 : i32
    %scan3A_20 = arith.constant 1 : i32
    scf.for %scan3A_22 = %scan3A_17 to %scan3A_19 step %scan3A_20  : i32 {
      %mul3A_23 = arith.constant 1 : i32
      %mul3A_24 = arith.muli %scan3A_22, %mul3A_23 : i32
      %add3A_25 = arith.constant 0 : i32
      %add3A_26 = arith.addi %add3A_25, %mul3A_24 : i32
      %mul3A_27 = arith.constant 640 : i32
      %mul3A_28 = arith.muli %arg1, %mul3A_27 : i32
      %mul3A_29 = arith.constant 64 : i32
      %mul3A_30 = arith.muli %add3A_26, %mul3A_29 : i32
      %add3A_31 = arith.addi %mul3A_28, %mul3A_30 : i32
      "tpu.region"() ({
        %run_scoped3A = tpu.sem_alloc : memref<!tpu.dma_semaphore, #tpu.memory_space<semaphore_mem>>
        %dma_start3A = arith.constant 0 : i32
        %dma_start3A_32 = tpu.memref_slice %arg5[%arg0, %add3A_31, %dma_start3A] : memref<2x10240x128xf32, #tpu.memory_space<hbm>> -> memref<1x64x128xf32, #tpu.memory_space<hbm>>
        %dma_start3A_33 = tpu.memref_squeeze %dma_start3A_32 : memref<1x64x128xf32, #tpu.memory_space<hbm>> -> memref<64x128xf32, #tpu.memory_space<hbm>>
        %dma_start3A_34 = arith.constant 0 : i32
        %dma_start3A_35 = tpu.memref_slice %arg6[%add3A_31, %dma_start3A_34] : memref<10240x128xf32, #tpu.memory_space<vmem_shared>> -> memref<64x128xf32, #tpu.memory_space<vmem_shared>>
        tpu.enqueue_dma source(%dma_start3A_35 : memref<64x128xf32, #tpu.memory_space<vmem_shared>>) target(%dma_start3A_33 : memref<64x128xf32, #tpu.memory_space<hbm>>) target_semaphore(%run_scoped3A : memref<!tpu.dma_semaphore, #tpu.memory_space<semaphore_mem>>)
        %dma_wait3A = arith.constant 0 : i32
        %dma_wait3A_36 = tpu.memref_slice %arg5[%arg0, %add3A_31, %dma_wait3A] : memref<2x10240x128xf32, #tpu.memory_space<hbm>> -> memref<1x64x128xf32, #tpu.memory_space<hbm>>
        %dma_wait3A_37 = tpu.memref_squeeze %dma_wait3A_36 : memref<1x64x128xf32, #tpu.memory_space<hbm>> -> memref<64x128xf32, #tpu.memory_space<hbm>>
        %dma_wait3A_38 = arith.constant 0 : i32
        %dma_wait3A_39 = tpu.memref_slice %arg6[%add3A_31, %dma_wait3A_38] : memref<10240x128xf32, #tpu.memory_space<vmem_shared>> -> memref<64x128xf32, #tpu.memory_space<vmem_shared>>
        tpu.wait_dma2 semaphore(%run_scoped3A : memref<!tpu.dma_semaphore, #tpu.memory_space<semaphore_mem>>) src(%dma_wait3A_39 : memref<64x128xf32, #tpu.memory_space<vmem_shared>>) dst(%dma_wait3A_37 : memref<64x128xf32, #tpu.memory_space<hbm>>)
        tpu.yield
      }) : () -> ()
    }
    %scan3A_21 = arith.constant 10 : i32
    return
  }
}

module attributes {stable_mosaic.version = 14 : i64} {
  func.func @_tc_first_body(%arg0: i32, %arg1: memref<1024x128xf32, #tpu.memory_space<vmem>>, %arg2: memref<128x128xf32, #tpu.memory_space<vmem>>, %arg3: memref<1024x2xf32, #tpu.memory_space<vmem>>, %arg4: memref<1024x128xf32, #tpu.memory_space<vmem>>, %arg5: memref<1024x1xf32, #tpu.memory_space<vmem>>) attributes {dimension_semantics = [#tpu.dimension_semantics<arbitrary>], iteration_bounds = array<i64: 10>, scalar_prefetch = 0 : i64, scratch_operands = 0 : i64, tpu.core_type = #tpu.core_type<tc>, window_params = [{transform_indices = @transform_0, window_bounds = array<i64: 1024, 128>}, {pipeline_mode = #tpu.pipeline_mode<synchronous>, transform_indices = @transform_1, window_bounds = array<i64: 128, 128>}, {transform_indices = @transform_2, window_bounds = array<i64: 1024, 2>}, {transform_indices = @transform_3, window_bounds = array<i64: 1024, 128>}, {transform_indices = @transform_4, window_bounds = array<i64: 1024, 1>}]} {
    %get3A = arith.constant 0 : index
    %get3A_0 = arith.constant 0 : index
    %get3A_1 = vector.load %arg3[%get3A, %get3A_0] : memref<1024x2xf32, #tpu.memory_space<vmem>>, vector<1024x2xf32>
    %reduce_sum3A = arith.constant dense<0.000000e+00> : vector<1024xf32>
    %reduce_sum3A_2 = vector.multi_reduction <add>, %get3A_1, %reduce_sum3A [1] : vector<1024x2xf32> to vector<1024xf32>
    %broadcast_in_dim3A = vector.shape_cast %reduce_sum3A_2 : vector<1024xf32> to vector<1024x1xf32>
    %add3A = arith.constant 1.000000e+00 : f32
    %add3A_3 = vector.broadcast %add3A : f32 to vector<1024x1xf32>
    %add3A_4 = arith.addf %broadcast_in_dim3A, %add3A_3 : vector<1024x1xf32>
    %rsqrt3A = math.rsqrt %add3A_4 : vector<1024x1xf32>
    %swap3A = arith.constant 0 : index
    %swap3A_5 = arith.constant 0 : index
    %swap3A_6 = vector.load %arg5[%swap3A, %swap3A_5] : memref<1024x1xf32, #tpu.memory_space<vmem>>, vector<1024x1xf32>
    tpu.vector_store %arg5[%swap3A, %swap3A_5], %rsqrt3A {strides = array<i32>} : memref<1024x1xf32, #tpu.memory_space<vmem>>, vector<1024x1xf32>,
    %get3A_7 = arith.constant 0 : index
    %get3A_8 = arith.constant 0 : index
    %get3A_9 = vector.load %arg1[%get3A_7, %get3A_8] : memref<1024x128xf32, #tpu.memory_space<vmem>>, vector<1024x128xf32>
    %get3A_10 = arith.constant 0 : index
    %get3A_11 = arith.constant 0 : index
    %get3A_12 = vector.load %arg2[%get3A_10, %get3A_11] : memref<128x128xf32, #tpu.memory_space<vmem>>, vector<128x128xf32>
    %dot_general3A = arith.constant dense<0.000000e+00> : vector<1024x128xf32>
    %dot_general3A_13 = tpu.matmul %get3A_9, %get3A_12, %dot_general3A {dimension_numbers = #tpu.dot_dimension_numbers<[1], [0], [0], [1], [0, 0, 1, 1], [], []>, transpose_lhs_hint = false} : vector<1024x128xf32>, vector<128x128xf32>, vector<1024x128xf32> -> vector<1024x128xf32>
    %mul3A = vector.broadcast %rsqrt3A : vector<1024x1xf32> to vector<1024x128xf32>
    %mul3A_14 = arith.mulf %dot_general3A_13, %mul3A : vector<1024x128xf32>
    %swap3A_15 = arith.constant 0 : index
    %swap3A_16 = arith.constant 0 : index
    %swap3A_17 = vector.load %arg4[%swap3A_15, %swap3A_16] : memref<1024x128xf32, #tpu.memory_space<vmem>>, vector<1024x128xf32>
    tpu.vector_store %arg4[%swap3A_15, %swap3A_16], %mul3A_14 {strides = array<i32>} : memref<1024x128xf32, #tpu.memory_space<vmem>>, vector<1024x128xf32>,
    return
  }
  func.func @transform_0(%arg0: i32) -> (i32, i32) {
    %c0_i32 = arith.constant 0 : i32
    %c0_i32_0 = arith.constant 0 : i32
    return %arg0, %c0_i32 : i32, i32
  }
  func.func @transform_1(%arg0: i32) -> (i32, i32) {
    %c0_i32 = arith.constant 0 : i32
    %c0_i32_0 = arith.constant 0 : i32
    %c0_i32_1 = arith.constant 0 : i32
    return %c0_i32, %c0_i32_0 : i32, i32
  }
  func.func @transform_2(%arg0: i32) -> (i32, i32) {
    %c0_i32 = arith.constant 0 : i32
    %c0_i32_0 = arith.constant 0 : i32
    return %arg0, %c0_i32 : i32, i32
  }
  func.func @transform_3(%arg0: i32) -> (i32, i32) {
    %c0_i32 = arith.constant 0 : i32
    %c0_i32_0 = arith.constant 0 : i32
    return %arg0, %c0_i32 : i32, i32
  }
  func.func @transform_4(%arg0: i32) -> (i32, i32) {
    %c0_i32 = arith.constant 0 : i32
    %c0_i32_0 = arith.constant 0 : i32
    return %arg0, %c0_i32 : i32, i32
  }
}

module attributes {stable_mosaic.version = 14 : i64} {
  func.func @_tc_mid_body(%arg0: i32, %arg1: memref<2x1024x128xf32, #tpu.memory_space<vmem>>, %arg2: memref<1024x128xf32, #tpu.memory_space<vmem>>, %arg3: memref<1024x1xf32, #tpu.memory_space<vmem>>, %arg4: memref<1x128xf32, #tpu.memory_space<vmem>>, %arg5: memref<128x128xf32, #tpu.memory_space<vmem>>, %arg6: memref<1024x128xf32, #tpu.memory_space<vmem>>) attributes {dimension_semantics = [#tpu.dimension_semantics<arbitrary>], iteration_bounds = array<i64: 10>, scalar_prefetch = 0 : i64, scratch_operands = 0 : i64, tpu.core_type = #tpu.core_type<tc>, window_params = [{transform_indices = @transform_0, window_bounds = array<i64: 2, 1024, 128>}, {transform_indices = @transform_1, window_bounds = array<i64: 1024, 128>}, {transform_indices = @transform_2, window_bounds = array<i64: 1024, 1>}, {pipeline_mode = #tpu.pipeline_mode<synchronous>, transform_indices = @transform_3, window_bounds = array<i64: 1, 128>}, {pipeline_mode = #tpu.pipeline_mode<synchronous>, transform_indices = @transform_4, window_bounds = array<i64: 128, 128>}, {transform_indices = @transform_5, window_bounds = array<i64: 1024, 128>}]} {
    %get3A = arith.constant 0 : index
    %get3A_0 = arith.constant 0 : index
    %get3A_1 = vector.load %arg3[%get3A, %get3A_0] : memref<1024x1xf32, #tpu.memory_space<vmem>>, vector<1024x1xf32>
    %get3A_2 = arith.constant 0 : index
    %get3A_3 = arith.constant 0 : index
    %get3A_4 = arith.constant 0 : index
    %get3A_5 = vector.load %arg1[%get3A_2, %get3A_3, %get3A_4] : memref<2x1024x128xf32, #tpu.memory_space<vmem>>, vector<1x1024x128xf32>
    %get3A_6 = vector.shape_cast %get3A_5 : vector<1x1024x128xf32> to vector<1024x128xf32>
    %get3A_7 = arith.constant 1 : index
    %get3A_8 = arith.constant 0 : index
    %get3A_9 = arith.constant 0 : index
    %get3A_10 = vector.load %arg1[%get3A_7, %get3A_8, %get3A_9] : memref<2x1024x128xf32, #tpu.memory_space<vmem>>, vector<1x1024x128xf32>
    %get3A_11 = vector.shape_cast %get3A_10 : vector<1x1024x128xf32> to vector<1024x128xf32>
    %add3A = arith.addf %get3A_6, %get3A_11 : vector<1024x128xf32>
    %get3A_12 = arith.constant 0 : index
    %get3A_13 = arith.constant 0 : index
    %get3A_14 = vector.load %arg2[%get3A_12, %get3A_13] : memref<1024x128xf32, #tpu.memory_space<vmem>>, vector<1024x128xf32>
    %add3A_15 = arith.addf %add3A, %get3A_14 : vector<1024x128xf32>
    %mul3A = vector.broadcast %get3A_1 : vector<1024x1xf32> to vector<1024x128xf32>
    %mul3A_16 = arith.mulf %add3A_15, %mul3A : vector<1024x128xf32>
    %get3A_17 = arith.constant 0 : index
    %get3A_18 = arith.constant 0 : index
    %get3A_19 = vector.load %arg4[%get3A_17, %get3A_18] : memref<1x128xf32, #tpu.memory_space<vmem>>, vector<1x128xf32>
    %add3A_20 = vector.broadcast %get3A_19 : vector<1x128xf32> to vector<1024x128xf32>
    %add3A_21 = arith.addf %mul3A_16, %add3A_20 : vector<1024x128xf32>
    %max3A = arith.constant 0.000000e+00 : f32
    %max3A_22 = vector.broadcast %max3A : f32 to vector<1024x128xf32>
    %max3A_23 = arith.maximumf %add3A_21, %max3A_22 : vector<1024x128xf32>
    %get3A_24 = arith.constant 0 : index
    %get3A_25 = arith.constant 0 : index
    %get3A_26 = vector.load %arg5[%get3A_24, %get3A_25] : memref<128x128xf32, #tpu.memory_space<vmem>>, vector<128x128xf32>
    %dot_general3A = arith.constant dense<0.000000e+00> : vector<1024x128xf32>
    %dot_general3A_27 = tpu.matmul %max3A_23, %get3A_26, %dot_general3A {dimension_numbers = #tpu.dot_dimension_numbers<[1], [0], [0], [1], [0, 0, 1, 1], [], []>, transpose_lhs_hint = false} : vector<1024x128xf32>, vector<128x128xf32>, vector<1024x128xf32> -> vector<1024x128xf32>
    %mul3A_28 = vector.broadcast %get3A_1 : vector<1024x1xf32> to vector<1024x128xf32>
    %mul3A_29 = arith.mulf %dot_general3A_27, %mul3A_28 : vector<1024x128xf32>
    %swap3A = arith.constant 0 : index
    %swap3A_30 = arith.constant 0 : index
    %swap3A_31 = vector.load %arg6[%swap3A, %swap3A_30] : memref<1024x128xf32, #tpu.memory_space<vmem>>, vector<1024x128xf32>
    tpu.vector_store %arg6[%swap3A, %swap3A_30], %mul3A_29 {strides = array<i32>} : memref<1024x128xf32, #tpu.memory_space<vmem>>, vector<1024x128xf32>,
    return
  }
  func.func @transform_0(%arg0: i32) -> (i32, i32, i32) {
    %c0_i32 = arith.constant 0 : i32
    %c0_i32_0 = arith.constant 0 : i32
    %c0_i32_1 = arith.constant 0 : i32
    return %c0_i32, %arg0, %c0_i32_0 : i32, i32, i32
  }
  func.func @transform_1(%arg0: i32) -> (i32, i32) {
    %c0_i32 = arith.constant 0 : i32
    %c0_i32_0 = arith.constant 0 : i32
    return %arg0, %c0_i32 : i32, i32
  }
  func.func @transform_2(%arg0: i32) -> (i32, i32) {
    %c0_i32 = arith.constant 0 : i32
    %c0_i32_0 = arith.constant 0 : i32
    return %arg0, %c0_i32 : i32, i32
  }
  func.func @transform_3(%arg0: i32) -> (i32, i32) {
    %c0_i32 = arith.constant 0 : i32
    %c0_i32_0 = arith.constant 0 : i32
    %c0_i32_1 = arith.constant 0 : i32
    return %c0_i32, %c0_i32_0 : i32, i32
  }
  func.func @transform_4(%arg0: i32) -> (i32, i32) {
    %c0_i32 = arith.constant 0 : i32
    %c0_i32_0 = arith.constant 0 : i32
    %c0_i32_1 = arith.constant 0 : i32
    return %c0_i32, %c0_i32_0 : i32, i32
  }
  func.func @transform_5(%arg0: i32) -> (i32, i32) {
    %c0_i32 = arith.constant 0 : i32
    %c0_i32_0 = arith.constant 0 : i32
    return %arg0, %c0_i32 : i32, i32
  }
}

module attributes {stable_mosaic.version = 14 : i64} {
  func.func @_tc_final_body(%arg0: i32, %arg1: memref<2x1024x128xf32, #tpu.memory_space<vmem>>, %arg2: memref<1024x128xf32, #tpu.memory_space<vmem>>, %arg3: memref<1024x1xf32, #tpu.memory_space<vmem>>, %arg4: memref<1x128xf32, #tpu.memory_space<vmem>>, %arg5: memref<1024x128xf32, #tpu.memory_space<vmem>>) attributes {dimension_semantics = [#tpu.dimension_semantics<arbitrary>], iteration_bounds = array<i64: 10>, scalar_prefetch = 0 : i64, scratch_operands = 0 : i64, tpu.core_type = #tpu.core_type<tc>, window_params = [{transform_indices = @transform_0, window_bounds = array<i64: 2, 1024, 128>}, {transform_indices = @transform_1, window_bounds = array<i64: 1024, 128>}, {transform_indices = @transform_2, window_bounds = array<i64: 1024, 1>}, {pipeline_mode = #tpu.pipeline_mode<synchronous>, transform_indices = @transform_3, window_bounds = array<i64: 1, 128>}, {transform_indices = @transform_4, window_bounds = array<i64: 1024, 128>}]} {
    %get3A = arith.constant 0 : index
    %get3A_0 = arith.constant 0 : index
    %get3A_1 = arith.constant 0 : index
    %get3A_2 = vector.load %arg1[%get3A, %get3A_0, %get3A_1] : memref<2x1024x128xf32, #tpu.memory_space<vmem>>, vector<1x1024x128xf32>
    %get3A_3 = vector.shape_cast %get3A_2 : vector<1x1024x128xf32> to vector<1024x128xf32>
    %get3A_4 = arith.constant 1 : index
    %get3A_5 = arith.constant 0 : index
    %get3A_6 = arith.constant 0 : index
    %get3A_7 = vector.load %arg1[%get3A_4, %get3A_5, %get3A_6] : memref<2x1024x128xf32, #tpu.memory_space<vmem>>, vector<1x1024x128xf32>
    %get3A_8 = vector.shape_cast %get3A_7 : vector<1x1024x128xf32> to vector<1024x128xf32>
    %add3A = arith.addf %get3A_3, %get3A_8 : vector<1024x128xf32>
    %get3A_9 = arith.constant 0 : index
    %get3A_10 = arith.constant 0 : index
    %get3A_11 = vector.load %arg2[%get3A_9, %get3A_10] : memref<1024x128xf32, #tpu.memory_space<vmem>>, vector<1024x128xf32>
    %add3A_12 = arith.addf %add3A, %get3A_11 : vector<1024x128xf32>
    %get3A_13 = arith.constant 0 : index
    %get3A_14 = arith.constant 0 : index
    %get3A_15 = vector.load %arg3[%get3A_13, %get3A_14] : memref<1024x1xf32, #tpu.memory_space<vmem>>, vector<1024x1xf32>
    %mul3A = vector.broadcast %get3A_15 : vector<1024x1xf32> to vector<1024x128xf32>
    %mul3A_16 = arith.mulf %add3A_12, %mul3A : vector<1024x128xf32>
    %get3A_17 = arith.constant 0 : index
    %get3A_18 = arith.constant 0 : index
    %get3A_19 = vector.load %arg4[%get3A_17, %get3A_18] : memref<1x128xf32, #tpu.memory_space<vmem>>, vector<1x128xf32>
    %add3A_20 = vector.broadcast %get3A_19 : vector<1x128xf32> to vector<1024x128xf32>
    %add3A_21 = arith.addf %mul3A_16, %add3A_20 : vector<1024x128xf32>
    %swap3A = arith.constant 0 : index
    %swap3A_22 = arith.constant 0 : index
    %swap3A_23 = vector.load %arg5[%swap3A, %swap3A_22] : memref<1024x128xf32, #tpu.memory_space<vmem>>, vector<1024x128xf32>
    tpu.vector_store %arg5[%swap3A, %swap3A_22], %add3A_21 {strides = array<i32>} : memref<1024x128xf32, #tpu.memory_space<vmem>>, vector<1024x128xf32>,
    return
  }
  func.func @transform_0(%arg0: i32) -> (i32, i32, i32) {
    %c0_i32 = arith.constant 0 : i32
    %c0_i32_0 = arith.constant 0 : i32
    %c0_i32_1 = arith.constant 0 : i32
    return %c0_i32, %arg0, %c0_i32_0 : i32, i32, i32
  }
  func.func @transform_1(%arg0: i32) -> (i32, i32) {
    %c0_i32 = arith.constant 0 : i32
    %c0_i32_0 = arith.constant 0 : i32
    return %arg0, %c0_i32 : i32, i32
  }
  func.func @transform_2(%arg0: i32) -> (i32, i32) {
    %c0_i32 = arith.constant 0 : i32
    %c0_i32_0 = arith.constant 0 : i32
    return %arg0, %c0_i32 : i32, i32
  }
  func.func @transform_3(%arg0: i32) -> (i32, i32) {
    %c0_i32 = arith.constant 0 : i32
    %c0_i32_0 = arith.constant 0 : i32
    %c0_i32_1 = arith.constant 0 : i32
    return %c0_i32, %c0_i32_0 : i32, i32
  }
  func.func @transform_4(%arg0: i32) -> (i32, i32) {
    %c0_i32 = arith.constant 0 : i32
    %c0_i32_0 = arith.constant 0 : i32
    return %arg0, %c0_i32 : i32, i32
  }
}

</mosaic_0001>

<sc_bundles>
// kernel: kernel.11.cloned.1.call-start
scs
__scs_entry_jumppad:
0x0: {  	(pc) =	sbr.rel $0x88, $3  }
0x1: {  	(tag) =	ssettag $0x0;
	lr =	simm.s32 $0x1  }
0x2: {  	[smem:$0x3F9B] =	sst lr;
	_ =	strace $0xD0000000  }
0x3: {  	_ = 	snop  }
0x4: {  	_ = 	snop  }
0x5: {  	_ = 	snop  }
0x6: {  	_ = 	snop  }
0x7: {  	_ = 	snop  }
__scs_overlays_trampoline_lowered:
0x8: {  	[smem:$0x3FAA] =	sst s0  }
0x9: {  	[smem:$0x3FAB] =	sst s1  }
0xa: {  	[smem:$0x3FAC] =	sst s2  }
0xb: {  	[smem:$0x3FAD] =	sst s3  }
0xc: {  	[smem:$0x3FAE] =	sst s4  }
0xd: {  	[smem:$0x3FAF] =	sst s5  }
0xe: {  	[smem:$0x3FB0] =	sst s6  }
0xf: {  	[smem:$0x3FB1] =	sst s7  }
0x10: {  	[smem:$0x3FB2] =	sst s8  }
0x11: {  	[smem:$0x3FB3] =	sst s9;
	s0 =	simm.s32 @!p0 $0x0  }
0x12: {  	s1 =	sld [smem:$0x3F99];
	s0 =	simm.s32 @p0 $0x1  }
0x13: {  	[smem:$0x3FB4] =	sst s0;
	s0 =	simm.s32 @!p1 $0x0  }
0x14: {  	s2 =	sld [smem:$0x3F98];
	s0 =	simm.s32 @p1 $0x1  }
0x15: {  	[smem:$0x3FB5] =	sst s0;
	s0 =	simm.s32 @!p2 $0x0  }
0x16: {  	s3 =	sld [smem:$0x3FDB];
	s0 =	simm.s32 @p2 $0x1  }
0x17: {  	s4 =	simm.s32 $0x1BF5;
	[smem:$0x3FB7] =	sst s0  }
0x18: {  	s0 =	sld [smem:$0x3F9A];
	_ =	swait.ge [sflag:s4], $0x0  }
0x19: {  	s7 =	sld [smem:$0x3F9B]  }
0x1a: {  	s8 =	sadd.s32 $0xFFFFE003, lr  }
0x1b: {  	s9 =	sadd.s32 $0xFFFFFEF7, lr;
	s5 =	simm.s32 $0xFFFFFFFF;
	p2 =	slt.u32 s8, $0xFFFFF086  }
0x1c: {  	p1 =	slt.u32 s9, $0xF7A;
	s5 =	simm.s32 @!p2 $0x0  }
0x1d: {  	s5 =	simm.s32 @p1 $0x1;
	p0 =	seq.s32 s7, s2  }
0x1e: {  	s7 =	smul.u32 @!p0 $0xF7A, s2;
	p2 =	seq.s32 @!p0 s5, $0x0  }
0x1f: {  	s9 =	smul.u32 $0xF7A, s1;
	s8 =	simm.s32 @!p0 $0x1BF5;
	p2 =	por !p2, p0  }
0x20: {  	[sflag:s8] =	ssyncset.s32 @!p0 $0xFFFFF086;
	s6 =	sadd.s32 @!p0 s3, s7;
	s7 =	simm.s32 @!p0 $0x108  }
0x21: {  	s3 =	sadd.s32 s3, s9;
	s6 =	sadd.s32 @!p0 $0x88, s6;
	s7 =	simm.s32 @p2 $0x1082  }
0x22: {  	[simem:s7], [sflag:s8] =	dma.local @!p0 [hbm:s6], $0xF7A  }
0x23: {  	s9 =	sor.u32 $0xD0000000, s2;
	s6 =	simm.s32 $0x108;
	_ =	swait.ge @!p0 [sflag:s8], $0x0  }
0x24: {  	s3 =	sadd.s32 $0x88, s3;
	s6 =	simm.s32 @!p1 $0x1082;
	[sflag:s4] =	ssyncset.s32 $0xFFFFF086  }
0x25: {  	[simem:s6], [sflag:s4] =	dma.local [hbm:s3], $0xF7A  }
0x26: {  	[smem:$0x3F9B] =	sst s1;
	(tag) =	ssettag s2;
	_ =	strace s9  }
0x27: {  	s1 =	sld [smem:$0x3FAB]  }
0x28: {  	s2 =	sld [smem:$0x3FAC]  }
0x29: {  	s4 =	sld [smem:$0x3FAE]  }
0x2a: {  	p0 =	seq.s32 s5, $0x0;
	s5 =	sld [smem:$0x3FAF]  }
0x2b: {  	s6 =	sld [smem:$0x3FB0]  }
0x2c: {  	s7 =	sld [smem:$0x3FB1]  }
0x2d: {  	s3 =	simm.s32 $0x108;
	s8 =	sld [smem:$0x3FB2]  }
0x2e: {  	s3 =	simm.s32 @!p0 $0x1082;
	s9 =	sld [smem:$0x3FB3]  }
0x2f: {  	lr =	sadd.s32 s0, s3;
	s0 =	sld [smem:$0x3FAA]  }
0x30: {  	s3 =	sld [smem:$0x3FAD]  }
0x31: {  	[smem:$0x3FB6] =	sst s10  }
0x32: {  	s10 =	sld [smem:$0x3FB4];
	_ =	sdelay $0x3  }
0x33: {  	p0 =	seq.s32 s10, $0x1;
	s10 =	sld [smem:$0x3FB6];
	_ =	sdelay $0x3  }
0x34: {  	[smem:$0x3FB6] =	sst s10  }
0x35: {  	s10 =	sld [smem:$0x3FB5];
	_ =	sdelay $0x3  }
0x36: {  	p1 =	seq.s32 s10, $0x1;
	s10 =	sld [smem:$0x3FB6];
	_ =	sdelay $0x3  }
0x37: {  	[smem:$0x3FB6] =	sst s10  }
0x38: {  	s10 =	sld [smem:$0x3FB7]  }
0x39: {  	_ = 	snop;
	(pc) =	sbr.ind lr, $3  }
0x3a: {  	_ = 	snop  }
0x3b: {  	_ = 	snop  }
0x3c: {  	p2 =	seq.s32 s10, $0x1;
	s10 =	sld [smem:$0x3FB6]  }
0x3d: {  	_ =	shalt  }
0x3e: {  	_ =	shalt  }
0x3f: {  	_ =	shalt  }
0x40: {  	_ =	shalt  }
0x41: {  	_ =	shalt  }
0x42: {  	_ =	shalt  }
0x43: {  	_ =	shalt  }
0x44: {  	_ =	shalt  }
0x45: {  	_ =	shalt  }
0x46: {  	_ =	shalt  }
0x47: {  	_ =	shalt  }
0x48: {  	_ =	shalt  }
0x49: {  	_ =	shalt  }
0x4a: {  	_ =	shalt  }
0x4b: {  	_ =	shalt  }
0x4c: {  	_ =	shalt  }
0x4d: {  	_ =	shalt  }
0x4e: {  	_ =	shalt  }
0x4f: {  	_ =	shalt  }
0x50: {  	_ =	shalt  }
0x51: {  	_ =	shalt  }
0x52: {  	_ =	shalt  }
0x53: {  	_ =	shalt  }
0x54: {  	_ =	shalt  }
0x55: {  	_ =	shalt  }
0x56: {  	_ =	shalt  }
0x57: {  	_ =	shalt  }
0x58: {  	_ =	shalt  }
0x59: {  	_ =	shalt  }
0x5a: {  	_ =	shalt  }
0x5b: {  	_ =	shalt  }
0x5c: {  	_ =	shalt  }
0x5d: {  	_ =	shalt  }
0x5e: {  	_ =	shalt  }
0x5f: {  	_ =	shalt  }
0x60: {  	_ =	shalt  }
0x61: {  	_ =	shalt  }
0x62: {  	_ =	shalt  }
0x63: {  	_ =	shalt  }
0x64: {  	_ =	shalt  }
0x65: {  	_ =	shalt  }
0x66: {  	_ =	shalt  }
0x67: {  	_ =	shalt  }
0x68: {  	_ =	shalt  }
0x69: {  	_ =	shalt  }
0x6a: {  	_ =	shalt  }
0x6b: {  	_ =	shalt  }
0x6c: {  	_ =	shalt  }
0x6d: {  	_ =	shalt  }
0x6e: {  	_ =	shalt  }
0x6f: {  	_ =	shalt  }
0x70: {  	_ =	shalt  }
0x71: {  	_ =	shalt  }
0x72: {  	_ =	shalt  }
0x73: {  	_ =	shalt  }
0x74: {  	_ =	shalt  }
0x75: {  	_ =	shalt  }
0x76: {  	_ =	shalt  }
0x77: {  	_ =	shalt  }
0x78: {  	_ =	shalt  }
0x79: {  	_ =	shalt  }
0x7a: {  	_ =	shalt  }
0x7b: {  	_ =	shalt  }
0x7c: {  	_ =	shalt  }
0x7d: {  	_ =	shalt  }
0x7e: {  	_ =	shalt  }
0x7f: {  	_ =	shalt  }
0x80: {  	_ =	shalt  }
0x81: {  	_ =	shalt  }
0x82: {  	_ =	shalt  }
0x83: {  	_ =	shalt  }
0x84: {  	_ =	shalt  }
0x85: {  	_ =	shalt  }
0x86: {  	_ =	shalt  }
0x87: {  	_ =	shalt  }
.Lfunc_end0:
.L_simem_size_0:
called_computation.1_lowered:
.L_overlay_start_0:
0x88: {  	s2 =	sld [smem:$0x3FD9]  }
0x89: {  	s3 =	sld [smem:$0x3FFE];
	_ =	sdelay $0x1  }
0x8a: {  	s1 =	srdreg.scid  }
0x8b: {  	s0 =	sand.u32 $0x1, s1  }
0x8c: {  	s17 =	sshll.u32 s0, $0xA;
	s2 =	sadd.s32 s3, s2  }
0x8d: {  	s2 =	sadd.s32 s2, s17  }
0x8e: {  	[smem:$0x3FC2] =	sst s2  }
0x8f: {  	_ = 	snop  }
0x90: {  	s2 =	sld [smem:$0x3FD0];
	(tm) =	ssettm $0x1  }
0x91: {  	s18 =	sld [smem:$0x3FFB];
	_ =	sdelay $0x3  }
0x92: {  	_ =	strace s18  }
0x93: {  	s3 =	sld [smem:$0x3FFC];
	_ =	sdelay $0x3  }
0x94: {  	_ =	strace s3  }
0x95: {  	s3 =	sld [smem:$0x3FFD];
	_ =	sdelay $0x3  }
0x96: {  	_ =	strace s3  }
0x97: {  	_ =	strace $0x8FFFFFFF  }
0x98: {  	s19 =	sld [smem:$0x3FDB];
	_ =	sdelay $0x1  }
0x99: {  	s4 =	simm.s32 $_scs_section_size  }
0x9a: {  	s5 =	simm.s32 $_size__tile_overlayer_lowered;
	s6 =	simm.s32 $_tile_overlayer_lowered  }
0x9b: {  	s22 =	simm.s32 $0x1BFF;
	s21 =	sshll.u32 s6, $0x1;
	s3 =	sadd.s32 s4, s19  }
0x9c: {  	s7 =	simm.s32 $0x0;
	s20 =	sshll.u32 s5, $0x1;
	s5 =	sadd.s32 s21, s3  }
0x9d: {  	[timem:s7], [sflag:s22] =	dma.local [hbm:s5], s20  }
0x9e: {  	_ =	swait.ge [sflag:s22], s20  }
0x9f: {  	s4 =	ssub.s32 $0x0, s20;
	[sflag:s22] =	ssyncset.done $0x0  }
0xa0: {  	[sflag:s22] =	ssyncadd.s32 s4;
	_ =	sdelay $0x1  }
0xa1: {  	s23 =	simm.s32 $0x1B8B  }
0xa2: {  	_ =	swait.ge [sflag:s23], $0x1  }
0xa3: {  	[sflag:s23] =	ssyncset.done $0x0  }
0xa4: {  	s25 =	simm.s32 $0x1B8E;
	s24 =	sld [smem:$0x3FFE];
	[sflag:s23] =	ssyncadd.s32 $0xFFFFFFFF  }
0xa5: {  	s26 =	simm.s32 $execute0_lowered;
	[smem:$0x3FD2] =	sst s25  }
0xa6: {  	s5 =	sshll.u32 s26, $0x1;
	_ =	strace $0x80000049;
	[dreg:$0x1] =	wrdreg $0xFFFFFFFF  }
0xa7: {  	s28 =	simm.s32 $_size_execute0_lowered;
	s3 =	sadd.s32 s3, s5;
	[dreg:$0x0] =	wrdreg $0x0  }
0xa8: {  	s5 =	sshll.u32 s28, $0x1;
	[dreg:$0x2] =	wrdreg s3  }
0xa9: {  	[dreg:$0x3] =	wrdreg s5  }
0xaa: {  	[dreg:$0x4] =	wrdreg $0xC0  }
0xab: {  	_ =	task [dreg:s7], $0x5FFFF  }
0xac: {  	[dreg:$0x1] =	wrdreg $0xFFFFFFFF  }
0xad: {  	[dreg:$0x0] =	wrdreg $0x60  }
0xae: {  	[dreg:$0x2] =	wrdreg s24  }
0xaf: {  	[dreg:$0x3] =	wrdreg s2  }
0xb0: {  	[dreg:$0x4] =	wrdreg $0x0  }
0xb1: {  	[dreg:$0x5] =	wrdreg $0x9  }
0xb2: {  	_ =	task.clear_ibuf [dreg:s7], $0x6FFFF;
	_ =	strace $0x90000049  }
0xb3: {  	s29 =	simm.s32 $0x9;
	_ =	strace $0x8000004B  }
0xb4: {  	_ =	swait.ge [sflag:s29], $0x1  }
0xb5: {  	[sflag:s29] =	ssyncadd.s32 $0xFFFFFFFF  }
0xb6: {  	_ =	strace $0x9000004B  }
0xb7: {  	_ =	sfence  }
0xb8: {  	s30 =	sld [smem:$0x0];
	_ =	sdelay $0x2  }
0xb9: {  	s31 =	sshll.u32 s1, $0xD;
	s1 =	sshrl.u32 s1, $0x2  }
0xba: {  	s3 =	sand.u32 $0x4000, s31;
	s1 =	sadd.s32 s1, s30  }
0xbb: {  	s0 =	sor.u32 s3, s0;
	s1 =	sshll.u32 s1, $0x11  }
0xbc: {  	s0 =	sor.u32 s1, s0  }
0xbd: {  	s0 =	sadd.s32 $0x8F2B, s0  }
0xbe: {  	[sflag:s0] =	ssyncadd.remote.s32 $0x1  }
0xbf: {  	_ =	sfence.sel $0xFFFF  }
0xc0: {  	[dreg:$0x0] =	wrdreg $0xFFFFFFFF;
	(pc) =	sbr.abs _section_cstart, $3  }
0xc1: {  	[dreg:$0x1] =	wrdreg $0xFFFFFFFF  }
0xc2: {  	_ =	task.clear_ibuf [dreg:s7], $0x2FFFF;
	_ =	strace $0x9FFFFFFF  }
0xc3: {  	(tm) =	ssettm $0x7FFFFFFF  }
tec
execute0_lowered:
.L_overlay_start_1:
0x0: {  	(tag) =	ssettag $0x1  }
0x1: {  	s0 =	rddreg [dreg:$0x0]  }
0x2: {  	s9 =	rddreg [dreg:$0x1]  }
0x3: {  	s1 =	srdreg.scid;
	s2 =	rddreg [dreg:$0x2];
	s3 =	simm.s32 $0x0  }
0x4: {  	s17 =	stileid.u32;
	s15 =	simm.s32 $0x14880;
	[smem:$0x7FF] =	sst s3  }
0x5: {  	s16 =	simm.s32 $0x14200;
	_ =	strace $0x8000004A;
	[dreg:$0x9] =	wrdreg s15  }
0x6: {  	s18 =	simm.s32 $0x14900;
	s19 =	simm.s32 $0x14280;
	[dreg:$0xa] =	wrdreg s16  }
0x7: {  	s21 =	simm.s32 $0x14980;
	s22 =	simm.s32 $0x14300;
	[dreg:$0xb] =	wrdreg s18  }
0x8: {  	s23 =	simm.s32 $0x14A00;
	s28 =	simm.s32 $0x14E00;
	[dreg:$0xc] =	wrdreg s19  }
0x9: {  	s29 =	simm.s32 $0x14780;
	s30 =	simm.s32 $0x14E80;
	[dreg:$0xd] =	wrdreg s21  }
0xa: {  	s31 =	simm.s32 $0x14F00;
	s1 =	sand.u32 $0x1, s1;
	[dreg:$0xe] =	wrdreg s22  }
0xb: {  	s5 =	smul.u32 $0x5000, s17;
	[dreg:$0xf] =	wrdreg s23;
	s15 =	simm.s32 $0x14B00  }
0xc: {  	s8 =	smul.u32 $0x14000, s17;
	s16 =	simm.s32 $0x14480;
	[dreg:$0x13] =	wrdreg s15  }
0xd: {  	s4 =	smul.u32 $0x50000, s1;
	s18 =	simm.s32 $0x14B80;
	[dreg:$0x14] =	wrdreg s16  }
0xe: {  	s6 =	ssub.s32 $0x2, s1;
	s19 =	simm.s32 $0x14500;
	[dreg:$0x15] =	wrdreg s18  }
0xf: {  	s21 =	simm.s32 $0x14580;
	s22 =	simm.s32 $0x14C80;
	[dreg:$0x16] =	wrdreg s19  }
0x10: {  	s12 =	sshrl.u32 s6, $0x1;
	s15 =	sadd.s32 $0xE000, s8;
	[dreg:$0x18] =	wrdreg s21  }
0x11: {  	s16 =	sadd.s32 $0x10000, s8;
	[dreg:$0x19] =	wrdreg s22;
	s5 =	sadd.s32 s5, s4  }
0x12: {  	s4 =	smul.u32 $0x140000, s1;
	s1 =	sor.u32 $0x2000, s8;
	s6 =	ssub.s32 s6, s12  }
0x13: {  	s12 =	simm.s32 $0x14100;
	s10 =	sshrl.u32 s5, $0x3;
	s5 =	sadd.s32 $0x3EE00, s0  }
0x14: {  	[dreg:$0x7] =	wrdreg s12;
	s18 =	smax.u32 s6, $0x1;
	s19 =	sadd.s32 s1, s2  }
0x15: {  	s6 =	simm.s32 $0x15000;
	s11 =	sadd.s32 s10, s0;
	s7 =	sadd.s32 s4, s8  }
0x16: {  	s13 =	sadd.s32 s4, s1;
	s9 =	sadd.s32 s10, s9;
	s23 =	sadd.s32 s4, s15  }
0x17: {  	[smem:$0x7EA] =	sst s18;
	s7 =	sshrl.u32 s7, $0x3;
	s24 =	sshrl.u32 s13, $0x3  }
0x18: {  	[dreg:$0x4] =	wrdreg s9;
	s26 =	sadd.s32 $0x2E00, s11;
	s11 =	simm.s32 $0x14080  }
0x19: {  	s9 =	sadd.s32 $0x6000, s8;
	s13 =	simm.s32 $0x14180;
	[dreg:$0x5] =	wrdreg s26  }
0x1a: {  	s7 =	sadd.s32 s5, s7;
	[dreg:$0x6] =	wrdreg s11;
	s14 =	sadd.s32 s4, s9  }
0x1b: {  	[dreg:$0x8] =	wrdreg s13;
	s26 =	simm.s32 $0x14A80;
	s21 =	sadd.s32 s9, s2  }
0x1c: {  	s9 =	simm.s32 $0x14800;
	[dreg:$0x1c] =	wrdreg s7;
	s7 =	sadd.s32 s5, s24  }
0x1d: {  	s11 =	sshrl.u32 s14, $0x3;
	s24 =	simm.s32 $0x14380;
	[dreg:$0x11] =	wrdreg s26  }
0x1e: {  	s14 =	simm.s32 $0x14400;
	[dreg:$0x1d] =	wrdreg s7;
	s7 =	sadd.s32 $0x4000, s8  }
0x1f: {  	s26 =	simm.s32 $0x14600;
	[dreg:$0x10] =	wrdreg s24;
	s25 =	sadd.s32 s4, s7  }
0x20: {  	s11 =	sadd.s32 s5, s11;
	[dreg:$0x12] =	wrdreg s14;
	s10 =	sshrl.u32 s25, $0x3  }
0x21: {  	s24 =	sadd.s32 s4, s16;
	[dreg:$0x1a] =	wrdreg s26;
	s10 =	sadd.s32 s5, s10  }
0x22: {  	s26 =	sadd.s32 s16, s2;
	[dreg:$0x1e] =	wrdreg s10;
	s10 =	sadd.s32 $0x8000, s8  }
0x23: {  	[dreg:$0x1f] =	wrdreg s11;
	s11 =	sshrl.u32 s24, $0x3;
	s20 =	sadd.s32 s4, s10  }
0x24: {  	s16 =	sshrl.u32 s26, $0x3;
	s11 =	sadd.s32 s5, s11;
	s12 =	sshrl.u32 s20, $0x3  }
0x25: {  	[smem:$0x7F2] =	sst s16;
	s16 =	simm.s32 $0x1B000;
	s12 =	sadd.s32 s5, s12  }
0x26: {  	s20 =	simm.s32 $0x14C00;
	[smem:$0x7E4] =	sst s12;
	s12 =	sadd.s32 $0xA000, s8  }
0x27: {  	[dreg:$0x17] =	wrdreg s20;
	s20 =	sadd.s32 s7, s2;
	s25 =	sadd.s32 s4, s12  }
0x28: {  	[smem:$0x7E8] =	sst s11;
	s1 =	sshrl.u32 s20, $0x3;
	s13 =	sshrl.u32 s25, $0x3  }
0x29: {  	[smem:$0x7EC] =	sst s1;
	s25 =	smul.u32 $0x50000, s17;
	s13 =	sadd.s32 s5, s13  }
0x2a: {  	s22 =	sadd.s32 s10, s2;
	[smem:$0x7E5] =	sst s13;
	s13 =	sadd.s32 $0xC000, s8  }
0x2b: {  	s8 =	sadd.s32 $0x12000, s8;
	s17 =	sshrl.u32 s25, $0x2;
	s25 =	sadd.s32 s15, s2  }
0x2c: {  	s14 =	sadd.s32 s4, s13;
	s4 =	sadd.s32 s4, s8;
	s15 =	sshrl.u32 s25, $0x3  }
0x2d: {  	s11 =	sadd.s32 s17, s2;
	s24 =	sadd.s32 s13, s2;
	[smem:$0x7F1] =	sst s15  }
0x2e: {  	s8 =	sadd.s32 s8, s2;
	s13 =	sshrl.u32 s24, $0x3;
	[smem:$0x7FC] =	sst s11  }
0x2f: {  	s10 =	simm.s32 $0x40;
	s17 =	sshrl.u32 s8, $0x3;
	[smem:$0x7F0] =	sst s13  }
0x30: {  	s7 =	simm.s32 $0x9;
	s18 =	sadd.s32 $0x2000, s11;
	[smem:$0x7F3] =	sst s17  }
0x31: {  	s1 =	simm.s32 $0x14F80;
	s20 =	sadd.s32 $0x6000, s11;
	[smem:$0x7F4] =	sst s18  }
0x32: {  	s14 =	sshrl.u32 s14, $0x3;
	s24 =	sadd.s32 $0xE000, s11;
	[smem:$0x7F6] =	sst s20  }
0x33: {  	s4 =	sshrl.u32 s4, $0x3;
	s25 =	sadd.s32 $0x10000, s11;
	[smem:$0x7FA] =	sst s24  }
0x34: {  	s26 =	sadd.s32 $0x12000, s11;
	s8 =	simm.s32 $0x14000;
	[smem:$0x7FB] =	sst s25  }
0x35: {  	s14 =	sadd.s32 s5, s14;
	s4 =	sadd.s32 s5, s4;
	[smem:$0x7FD] =	sst s26  }
0x36: {  	s13 =	simm.s32 $0x1;
	s17 =	simm.s32 $0x2;
	s18 =	simm.s32 $0x5  }
0x37: {  	s20 =	simm.s32 $0x6;
	s24 =	simm.s32 $0x14680;
	[smem:$0x7E6] =	sst s14  }
0x38: {  	s25 =	simm.s32 $0x14D80;
	[smem:$0x7E9] =	sst s4;
	s4 =	sshrl.u32 s21, $0x3  }
0x39: {  	s14 =	sshrl.u32 s23, $0x3;
	s21 =	sadd.s32 $0x8000, s11;
	[smem:$0x7ED] =	sst s4  }
0x3a: {  	s26 =	simm.s32 $0x14700;
	s14 =	sadd.s32 s5, s14;
	[smem:$0x7F7] =	sst s21  }
0x3b: {  	s23 =	sadd.s32 s12, s2;
	s5 =	sshrl.u32 s22, $0x3;
	[smem:$0x7E7] =	sst s14  }
0x3c: {  	s12 =	sshrl.u32 s23, $0x3;
	s22 =	sadd.s32 $0xA000, s11;
	[smem:$0x7EE] =	sst s5  }
0x3d: {  	s23 =	sadd.s32 $0xC000, s11;
	s21 =	simm.s32 $0x4;
	[smem:$0x7EF] =	sst s12  }
0x3e: {  	s4 =	simm.s32 $0x0;
	s14 =	simm.s32 $0x14D00;
	[smem:$0x7F8] =	sst s22  }
0x3f: {  	[smem:$0x7F9] =	sst s23;
	s12 =	simm.s32 $0x19000;
	s22 =	simm.s32 $0x7  }
0x40: {  	[dreg:$0x1b] =	wrdreg s14;
	s14 =	sadd.s32 $0x16E00, s0;
	s0 =	sshrl.u32 s19, $0x3  }
0x41: {  	s23 =	simm.s32 $0x8;
	s19 =	sadd.s32 $0x4000, s11;
	[smem:$0x7EB] =	sst s0  }
0x42: {  	v0 =	vimm.f32 $0.0e+00;
	s11 =	simm.s32 $0x17000;
	[smem:$0x7F5] =	sst s19;
	s19 =	simm.s32 $0x3  }
.LBB2_1:
0x43: {  	[smem:$0x7E3] =	sst s4;
	s4 =	simm.s32 $0x0;
	s5 =	simm.s32 $0x200  }
.LBB2_2:
0x44: {  	p0 =	sne.s32 s5, $0x7E00;
	[tilespmem:s4+$0x15070] =	vst v0  }
0x45: {  	[tilespmem:s4+$0x15000] =	vst v0  }
0x46: {  	[tilespmem:s4+$0x15010] =	vst v0  }
.Ltmp0:
0x47: {  	[tilespmem:s4+$0x15020] =	vst v0;
	(pc) =	sbr.rel @p0 .LBB2_2-.Ltmp0, $4  }
0x48: {  	[tilespmem:s4+$0x15030] =	vst v0  }
0x49: {  	[tilespmem:s4+$0x15040] =	vst v0  }
0x4a: {  	[tilespmem:s4+$0x15050] =	vst v0  }
0x4b: {  	[tilespmem:s4+$0x15060] =	vst v0;
	s4 =	sshra.s32 s5, $0x2;
	s5 =	sadd.s32 $0x200, s5  }
0x4c: {  	[tilespmem:s4+$0x15070] =	vst v0  }
0x4d: {  	[tilespmem:s4+$0x15000] =	vst v0  }
0x4e: {  	[tilespmem:s4+$0x15010] =	vst v0  }
0x4f: {  	[tilespmem:s4+$0x15020] =	vst v0  }
0x50: {  	[tilespmem:s4+$0x15030] =	vst v0  }
0x51: {  	[tilespmem:s4+$0x15040] =	vst v0;
	s0 =	sld [smem:$0x7FC]  }
0x52: {  	[tilespmem:s4+$0x15050] =	vst v0  }
0x53: {  	[tilespmem:s4+$0x15060] =	vst v0  }
0x54: {  	[spmem:s0] =	stream.linear.scatter [tilespmem:s6], [sflag:$0x9], $0x2000, $0x38;
	[tilespmem:$0x1D000] =	vst v63  }
0x55: {  	_ =	swait.ge [sflag:s7], $0x2000  }
0x56: {  	s5 =	sld [smem:$0x7F4]  }
0x57: {  	[sflag:s7] =	ssyncset.done $0x0  }
0x58: {  	[sflag:s7] =	ssyncadd.s32 $0xFFFFE000  }
0x59: {  	[spmem:s5] =	stream.linear.scatter [tilespmem:s6], [sflag:$0x9], $0x2000, $0x38;
	[tilespmem:$0x1D000] =	vst v63  }
0x5a: {  	_ =	swait.ge [sflag:s7], $0x2000  }
0x5b: {  	s15 =	sld [smem:$0x7F5]  }
0x5c: {  	[sflag:s7] =	ssyncset.done $0x0  }
0x5d: {  	[sflag:s7] =	ssyncadd.s32 $0xFFFFE000  }
0x5e: {  	[spmem:s15] =	stream.linear.scatter [tilespmem:s6], [sflag:$0x9], $0x2000, $0x38;
	[tilespmem:$0x1D000] =	vst v63  }
0x5f: {  	_ =	swait.ge [sflag:s7], $0x2000  }
0x60: {  	s4 =	sld [smem:$0x7F6]  }
0x61: {  	[sflag:s7] =	ssyncset.done $0x0  }
0x62: {  	[sflag:s7] =	ssyncadd.s32 $0xFFFFE000  }
0x63: {  	[spmem:s4] =	stream.linear.scatter [tilespmem:s6], [sflag:$0x9], $0x2000, $0x38;
	[tilespmem:$0x1D000] =	vst v63  }
0x64: {  	_ =	swait.ge [sflag:s7], $0x2000  }
0x65: {  	s5 =	sld [smem:$0x7F7]  }
0x66: {  	[sflag:s7] =	ssyncset.done $0x0  }
0x67: {  	[sflag:s7] =	ssyncadd.s32 $0xFFFFE000  }
0x68: {  	[spmem:s5] =	stream.linear.scatter [tilespmem:s6], [sflag:$0x9], $0x2000, $0x38;
	[tilespmem:$0x1D000] =	vst v63  }
0x69: {  	_ =	swait.ge [sflag:s7], $0x2000  }
0x6a: {  	s15 =	sld [smem:$0x7F8]  }
0x6b: {  	[sflag:s7] =	ssyncset.done $0x0  }
0x6c: {  	[sflag:s7] =	ssyncadd.s32 $0xFFFFE000  }
0x6d: {  	[spmem:s15] =	stream.linear.scatter [tilespmem:s6], [sflag:$0x9], $0x2000, $0x38;
	[tilespmem:$0x1D000] =	vst v63  }
0x6e: {  	_ =	swait.ge [sflag:s7], $0x2000  }
0x6f: {  	s4 =	sld [smem:$0x7F9]  }
0x70: {  	[sflag:s7] =	ssyncset.done $0x0  }
0x71: {  	[sflag:s7] =	ssyncadd.s32 $0xFFFFE000  }
0x72: {  	[spmem:s4] =	stream.linear.scatter [tilespmem:s6], [sflag:$0x9], $0x2000, $0x38;
	[tilespmem:$0x1D000] =	vst v63  }
0x73: {  	_ =	swait.ge [sflag:s7], $0x2000  }
0x74: {  	s5 =	sld [smem:$0x7FA]  }
0x75: {  	[sflag:s7] =	ssyncset.done $0x0  }
0x76: {  	[sflag:s7] =	ssyncadd.s32 $0xFFFFE000  }
0x77: {  	[spmem:s5] =	stream.linear.scatter [tilespmem:s6], [sflag:$0x9], $0x2000, $0x38;
	[tilespmem:$0x1D000] =	vst v63  }
0x78: {  	_ =	swait.ge [sflag:s7], $0x2000  }
0x79: {  	s15 =	sld [smem:$0x7FB]  }
0x7a: {  	[sflag:s7] =	ssyncset.done $0x0  }
0x7b: {  	[sflag:s7] =	ssyncadd.s32 $0xFFFFE000  }
0x7c: {  	[spmem:s15] =	stream.linear.scatter [tilespmem:s6], [sflag:$0x9], $0x2000, $0x38;
	[tilespmem:$0x1D000] =	vst v63  }
0x7d: {  	_ =	swait.ge [sflag:s7], $0x2000  }
0x7e: {  	s4 =	sld [smem:$0x7FD]  }
0x7f: {  	[sflag:s7] =	ssyncset.done $0x0  }
0x80: {  	[sflag:s7] =	ssyncadd.s32 $0xFFFFE000  }
0x81: {  	[spmem:s4] =	stream.linear.scatter [tilespmem:s6], [sflag:$0x9], $0x2000, $0x38;
	[tilespmem:$0x1D000] =	vst v63  }
0x82: {  	_ =	swait.ge [sflag:s7], $0x2000  }
0x83: {  	[sflag:s7] =	ssyncset.done $0x0  }
0x84: {  	[sflag:s7] =	ssyncadd.s32 $0xFFFFE000  }
0x85: {  	[bflag:$0x0] =	sbarrier.arrive $0xFFFF  }
0x86: {  	s5 =	rddreg [dreg:$0x5]  }
0x87: {  	s4 =	sadd.s32 $0x0, s5  }
0x88: {  	[tilespmem:s8], [sflag:$0x9] =	stream.linear.gather [hbm4b:s4+s3], $0x800, $0x38;
	[tilespmem:$0x1D000] =	vst v63  }
0x89: {  	_ =	swait.ge [sflag:s7], $0x800  }
0x8a: {  	s15 =	rddreg [dreg:$0x4];
	[sflag:s7] =	ssyncset.done $0x0  }
0x8b: {  	[sflag:s7] =	ssyncadd.s32 $0xFFFFF800;
	s4 =	sadd.s32 $0x0, s15  }
0x8c: {  	[tilespmem:s9], [sflag:$0x9] =	stream.linear.gather [hbm4b:s4+s3], $0x800, $0x38;
	[tilespmem:$0x1D000] =	vst v63  }
0x8d: {  	_ =	swait.ge [sflag:s7], $0x800  }
0x8e: {  	[sflag:s7] =	ssyncset.done $0x0  }
0x8f: {  	[sflag:s7] =	ssyncadd.s32 $0xFFFFF800  }
0x90: {  	[tilespmem:s6], [sflag:$0x1] =	stream.indirect.gather [hbm4b:s14+s10], $0x80, s8, s10, $0xb8;
	[tilespmem:$0x1D000] =	vst v63  }
0x91: {  	s0 =	rddreg [dreg:$0x6]  }
0x92: {  	[tilespmem:s11], [sflag:$0x2] =	stream.indirect.gather [hbm4b:s14+s10], $0x80, s0, s10, $0xb8;
	[tilespmem:$0x1D000] =	vst v63  }
0x93: {  	s5 =	rddreg [dreg:$0x7]  }
0x94: {  	[tilespmem:s12], [sflag:$0x3] =	stream.indirect.gather [hbm4b:s14+s10], $0x80, s5, s10, $0xb8;
	[tilespmem:$0x1D000] =	vst v63  }
0x95: {  	_ =	swait.ge [sflag:s13], $0x2000  }
0x96: {  	[sflag:s13] =	ssyncset.done $0x0  }
0x97: {  	[sflag:s13] =	ssyncadd.s32 $0xFFFFE000  }
0x98: {  	[spmem:s2] =	stream.indirect.scatter.add.f32 [tilespmem:s6], [sflag:$0x5], $0x80, s9, s10, $0xb8;
	[tilespmem:$0x1D000] =	vst v63  }
0x99: {  	s5 =	rddreg [dreg:$0x8]  }
0x9a: {  	[tilespmem:s16], [sflag:$0x4] =	stream.indirect.gather [hbm4b:s14+s10], $0x80, s5, s10, $0xb8;
	[tilespmem:$0x1D000] =	vst v63  }
0x9b: {  	_ =	swait.ge [sflag:s17], $0x2000  }
0x9c: {  	[sflag:s17] =	ssyncset.done $0x0  }
0x9d: {  	s15 =	rddreg [dreg:$0x9];
	[sflag:s17] =	ssyncadd.s32 $0xFFFFE000  }
0x9e: {  	[spmem:s2] =	stream.indirect.scatter.add.f32 [tilespmem:s11], [sflag:$0x6], $0x80, s15, s10, $0xb8;
	[tilespmem:$0x1D000] =	vst v63  }
0x9f: {  	_ =	swait.ge [sflag:s18], $0x2000  }
0xa0: {  	[sflag:s18] =	ssyncset.done $0x0  }
0xa1: {  	s0 =	rddreg [dreg:$0xa];
	[sflag:s18] =	ssyncadd.s32 $0xFFFFE000  }
0xa2: {  	[tilespmem:s6], [sflag:$0x1] =	stream.indirect.gather [hbm4b:s14+s10], $0x80, s0, s10, $0xb8;
	[tilespmem:$0x1D000] =	vst v63  }
0xa3: {  	_ =	swait.ge [sflag:s19], $0x2000  }
0xa4: {  	[sflag:s19] =	ssyncset.done $0x0  }
0xa5: {  	s5 =	rddreg [dreg:$0xb];
	[sflag:s19] =	ssyncadd.s32 $0xFFFFE000  }
0xa6: {  	[spmem:s2] =	stream.indirect.scatter.add.f32 [tilespmem:s12], [sflag:$0x7], $0x80, s5, s10, $0xb8;
	[tilespmem:$0x1D000] =	vst v63  }
0xa7: {  	_ =	swait.ge [sflag:s20], $0x2000  }
0xa8: {  	[sflag:s20] =	ssyncset.done $0x0  }
0xa9: {  	s15 =	rddreg [dreg:$0xc];
	[sflag:s20] =	ssyncadd.s32 $0xFFFFE000  }
0xaa: {  	[tilespmem:s11], [sflag:$0x2] =	stream.indirect.gather [hbm4b:s14+s10], $0x80, s15, s10, $0xb8;
	[tilespmem:$0x1D000] =	vst v63  }
0xab: {  	_ =	swait.ge [sflag:s21], $0x2000  }
0xac: {  	[sflag:s21] =	ssyncset.done $0x0  }
0xad: {  	s0 =	rddreg [dreg:$0xd];
	[sflag:s21] =	ssyncadd.s32 $0xFFFFE000  }
0xae: {  	[spmem:s2] =	stream.indirect.scatter.add.f32 [tilespmem:s16], [sflag:$0x8], $0x80, s0, s10, $0xb8;
	[tilespmem:$0x1D000] =	vst v63  }
0xaf: {  	_ =	swait.ge [sflag:s22], $0x2000  }
0xb0: {  	[sflag:s22] =	ssyncset.done $0x0  }
0xb1: {  	s5 =	rddreg [dreg:$0xe];
	[sflag:s22] =	ssyncadd.s32 $0xFFFFE000  }
0xb2: {  	[tilespmem:s12], [sflag:$0x3] =	stream.indirect.gather [hbm4b:s14+s10], $0x80, s5, s10, $0xb8;
	[tilespmem:$0x1D000] =	vst v63  }
0xb3: {  	_ =	swait.ge [sflag:s13], $0x2000  }
0xb4: {  	[sflag:s13] =	ssyncset.done $0x0  }
0xb5: {  	s15 =	rddreg [dreg:$0xf];
	[sflag:s13] =	ssyncadd.s32 $0xFFFFE000  }
0xb6: {  	[spmem:s2] =	stream.indirect.scatter.add.f32 [tilespmem:s6], [sflag:$0x5], $0x80, s15, s10, $0xb8;
	[tilespmem:$0x1D000] =	vst v63  }
0xb7: {  	_ =	swait.ge [sflag:s23], $0x2000  }
0xb8: {  	[sflag:s23] =	ssyncset.done $0x0  }
0xb9: {  	s0 =	rddreg [dreg:$0x10];
	[sflag:s23] =	ssyncadd.s32 $0xFFFFE000  }
0xba: {  	[tilespmem:s16], [sflag:$0x4] =	stream.indirect.gather [hbm4b:s14+s10], $0x80, s0, s10, $0xb8;
	[tilespmem:$0x1D000] =	vst v63  }
0xbb: {  	_ =	swait.ge [sflag:s17], $0x2000  }
0xbc: {  	[sflag:s17] =	ssyncset.done $0x0  }
0xbd: {  	s5 =	rddreg [dreg:$0x11];
	[sflag:s17] =	ssyncadd.s32 $0xFFFFE000  }
0xbe: {  	[spmem:s2] =	stream.indirect.scatter.add.f32 [tilespmem:s11], [sflag:$0x6], $0x80, s5, s10, $0xb8;
	[tilespmem:$0x1D000] =	vst v63  }
0xbf: {  	_ =	swait.ge [sflag:s18], $0x2000  }
0xc0: {  	[sflag:s18] =	ssyncset.done $0x0  }
0xc1: {  	s15 =	rddreg [dreg:$0x12];
	[sflag:s18] =	ssyncadd.s32 $0xFFFFE000  }
0xc2: {  	[tilespmem:s6], [sflag:$0x1] =	stream.indirect.gather [hbm4b:s14+s10], $0x80, s15, s10, $0xb8;
	[tilespmem:$0x1D000] =	vst v63  }
0xc3: {  	_ =	swait.ge [sflag:s19], $0x2000  }
0xc4: {  	[sflag:s19] =	ssyncset.done $0x0  }
0xc5: {  	s0 =	rddreg [dreg:$0x13];
	[sflag:s19] =	ssyncadd.s32 $0xFFFFE000  }
0xc6: {  	[spmem:s2] =	stream.indirect.scatter.add.f32 [tilespmem:s12], [sflag:$0x7], $0x80, s0, s10, $0xb8;
	[tilespmem:$0x1D000] =	vst v63  }
0xc7: {  	_ =	swait.ge [sflag:s20], $0x2000  }
0xc8: {  	[sflag:s20] =	ssyncset.done $0x0  }
0xc9: {  	s5 =	rddreg [dreg:$0x14];
	[sflag:s20] =	ssyncadd.s32 $0xFFFFE000  }
0xca: {  	[tilespmem:s11], [sflag:$0x2] =	stream.indirect.gather [hbm4b:s14+s10], $0x80, s5, s10, $0xb8;
	[tilespmem:$0x1D000] =	vst v63  }
0xcb: {  	_ =	swait.ge [sflag:s21], $0x2000  }
0xcc: {  	[sflag:s21] =	ssyncset.done $0x0  }
0xcd: {  	s15 =	rddreg [dreg:$0x15];
	[sflag:s21] =	ssyncadd.s32 $0xFFFFE000  }
0xce: {  	[spmem:s2] =	stream.indirect.scatter.add.f32 [tilespmem:s16], [sflag:$0x8], $0x80, s15, s10, $0xb8;
	[tilespmem:$0x1D000] =	vst v63  }
0xcf: {  	_ =	swait.ge [sflag:s22], $0x2000  }
0xd0: {  	[sflag:s22] =	ssyncset.done $0x0  }
0xd1: {  	s0 =	rddreg [dreg:$0x16];
	[sflag:s22] =	ssyncadd.s32 $0xFFFFE000  }
0xd2: {  	[tilespmem:s12], [sflag:$0x3] =	stream.indirect.gather [hbm4b:s14+s10], $0x80, s0, s10, $0xb8;
	[tilespmem:$0x1D000] =	vst v63  }
0xd3: {  	_ =	swait.ge [sflag:s13], $0x2000  }
0xd4: {  	[sflag:s13] =	ssyncset.done $0x0  }
0xd5: {  	s5 =	rddreg [dreg:$0x17];
	[sflag:s13] =	ssyncadd.s32 $0xFFFFE000  }
0xd6: {  	[spmem:s2] =	stream.indirect.scatter.add.f32 [tilespmem:s6], [sflag:$0x5], $0x80, s5, s10, $0xb8;
	[tilespmem:$0x1D000] =	vst v63  }
0xd7: {  	_ =	swait.ge [sflag:s23], $0x2000  }
0xd8: {  	[sflag:s23] =	ssyncset.done $0x0  }
0xd9: {  	s15 =	rddreg [dreg:$0x18];
	[sflag:s23] =	ssyncadd.s32 $0xFFFFE000  }
0xda: {  	[tilespmem:s16], [sflag:$0x4] =	stream.indirect.gather [hbm4b:s14+s10], $0x80, s15, s10, $0xb8;
	[tilespmem:$0x1D000] =	vst v63  }
0xdb: {  	_ =	swait.ge [sflag:s17], $0x2000  }
0xdc: {  	[sflag:s17] =	ssyncset.done $0x0  }
0xdd: {  	s0 =	rddreg [dreg:$0x19];
	[sflag:s17] =	ssyncadd.s32 $0xFFFFE000  }
0xde: {  	[spmem:s2] =	stream.indirect.scatter.add.f32 [tilespmem:s11], [sflag:$0x6], $0x80, s0, s10, $0xb8;
	[tilespmem:$0x1D000] =	vst v63  }
0xdf: {  	_ =	swait.ge [sflag:s18], $0x2000  }
0xe0: {  	[sflag:s18] =	ssyncset.done $0x0  }
0xe1: {  	s5 =	rddreg [dreg:$0x1a];
	[sflag:s18] =	ssyncadd.s32 $0xFFFFE000  }
0xe2: {  	[tilespmem:s6], [sflag:$0x1] =	stream.indirect.gather [hbm4b:s14+s10], $0x80, s5, s10, $0xb8;
	[tilespmem:$0x1D000] =	vst v63  }
0xe3: {  	_ =	swait.ge [sflag:s19], $0x2000  }
0xe4: {  	[sflag:s19] =	ssyncset.done $0x0  }
0xe5: {  	s15 =	rddreg [dreg:$0x1b];
	[sflag:s19] =	ssyncadd.s32 $0xFFFFE000  }
0xe6: {  	[spmem:s2] =	stream.indirect.scatter.add.f32 [tilespmem:s12], [sflag:$0x7], $0x80, s15, s10, $0xb8;
	[tilespmem:$0x1D000] =	vst v63  }
0xe7: {  	_ =	swait.ge [sflag:s20], $0x2000  }
0xe8: {  	[sflag:s20] =	ssyncset.done $0x0  }
0xe9: {  	[sflag:s20] =	ssyncadd.s32 $0xFFFFE000  }
0xea: {  	[tilespmem:s11], [sflag:$0x2] =	stream.indirect.gather [hbm4b:s14+s10], $0x80, s24, s10, $0xb8;
	[tilespmem:$0x1D000] =	vst v63  }
0xeb: {  	_ =	swait.ge [sflag:s21], $0x2000  }
0xec: {  	[sflag:s21] =	ssyncset.done $0x0  }
0xed: {  	[sflag:s21] =	ssyncadd.s32 $0xFFFFE000  }
0xee: {  	[spmem:s2] =	stream.indirect.scatter.add.f32 [tilespmem:s16], [sflag:$0x8], $0x80, s25, s10, $0xb8;
	[tilespmem:$0x1D000] =	vst v63  }
0xef: {  	_ =	swait.ge [sflag:s22], $0x2000  }
0xf0: {  	[sflag:s22] =	ssyncset.done $0x0  }
0xf1: {  	[sflag:s22] =	ssyncadd.s32 $0xFFFFE000  }
0xf2: {  	[tilespmem:s12], [sflag:$0x3] =	stream.indirect.gather [hbm4b:s14+s10], $0x80, s26, s10, $0xb8;
	[tilespmem:$0x1D000] =	vst v63  }
0xf3: {  	_ =	swait.ge [sflag:s13], $0x2000  }
0xf4: {  	[sflag:s13] =	ssyncset.done $0x0  }
0xf5: {  	[sflag:s13] =	ssyncadd.s32 $0xFFFFE000  }
0xf6: {  	[spmem:s2] =	stream.indirect.scatter.add.f32 [tilespmem:s6], [sflag:$0x5], $0x80, s28, s10, $0xb8;
	[tilespmem:$0x1D000] =	vst v63  }
0xf7: {  	_ =	swait.ge [sflag:s23], $0x2000  }
0xf8: {  	[sflag:s23] =	ssyncset.done $0x0  }
0xf9: {  	[sflag:s23] =	ssyncadd.s32 $0xFFFFE000  }
0xfa: {  	[tilespmem:s16], [sflag:$0x4] =	stream.indirect.gather [hbm4b:s14+s10], $0x80, s29, s10, $0xb8;
	[tilespmem:$0x1D000] =	vst v63  }
0xfb: {  	_ =	swait.ge [sflag:s17], $0x2000  }
0xfc: {  	[sflag:s17] =	ssyncset.done $0x0  }
0xfd: {  	[sflag:s17] =	ssyncadd.s32 $0xFFFFE000  }
0xfe: {  	[spmem:s2] =	stream.indirect.scatter.add.f32 [tilespmem:s11], [sflag:$0x6], $0x80, s30, s10, $0xb8;
	[tilespmem:$0x1D000] =	vst v63  }
0xff: {  	_ =	swait.ge [sflag:s19], $0x2000  }
0x100: {  	[sflag:s19] =	ssyncset.done $0x0  }
0x101: {  	[sflag:s19] =	ssyncadd.s32 $0xFFFFE000  }
0x102: {  	[spmem:s2] =	stream.indirect.scatter.add.f32 [tilespmem:s12], [sflag:$0x7], $0x80, s31, s10, $0xb8;
	[tilespmem:$0x1D000] =	vst v63  }
0x103: {  	_ =	swait.ge [sflag:s21], $0x2000  }
0x104: {  	[sflag:s21] =	ssyncset.done $0x0  }
0x105: {  	[sflag:s21] =	ssyncadd.s32 $0xFFFFE000  }
0x106: {  	[spmem:s2] =	stream.indirect.scatter.add.f32 [tilespmem:s16], [sflag:$0x8], $0x80, s1, s10, $0xb8;
	[tilespmem:$0x1D000] =	vst v63  }
0x107: {  	_ =	swait.ge [sflag:s18], $0x2000  }
0x108: {  	[sflag:s18] =	ssyncset.done $0x0  }
0x109: {  	[sflag:s18] =	ssyncadd.s32 $0xFFFFE000  }
0x10a: {  	_ =	swait.ge [sflag:s20], $0x2000  }
0x10b: {  	[sflag:s20] =	ssyncset.done $0x0  }
0x10c: {  	[sflag:s20] =	ssyncadd.s32 $0xFFFFE000  }
0x10d: {  	_ =	swait.ge [sflag:s22], $0x2000  }
0x10e: {  	[sflag:s22] =	ssyncset.done $0x0  }
0x10f: {  	[sflag:s22] =	ssyncadd.s32 $0xFFFFE000  }
0x110: {  	s4 =	simm.s32 $0x100;
	_ =	swait.ge [sflag:s23], $0x2000  }
0x111: {  	s5 =	simm.s32 $0x200;
	s15 =	rddreg [dreg:$0x5];
	[sflag:s23] =	ssyncset.done $0x0  }
.LBB2_4:
0x112: {  	[sflag:s23] =	ssyncadd.s32 $0xFFFFE000;
	s15 =	sadd.s32 s4, s15  }
0x113: {  	[tilespmem:s8], [sflag:$0x9] =	stream.linear.gather [hbm4b:s15+s3], $0x800, $0x38;
	[tilespmem:$0x1D000] =	vst v63  }
0x114: {  	_ =	swait.ge [sflag:s7], $0x800  }
0x115: {  	s15 =	rddreg [dreg:$0x4];
	[sflag:s7] =	ssyncset.done $0x0  }
0x116: {  	[sflag:s7] =	ssyncadd.s32 $0xFFFFF800;
	s15 =	sadd.s32 s4, s15  }
0x117: {  	[tilespmem:s9], [sflag:$0x9] =	stream.linear.gather [hbm4b:s15+s3], $0x800, $0x38;
	[tilespmem:$0x1D000] =	vst v63  }
0x118: {  	_ =	swait.ge [sflag:s7], $0x800  }
0x119: {  	[sflag:s7] =	ssyncset.done $0x0  }
0x11a: {  	s0 =	smov.u32 s5;
	[sflag:s7] =	ssyncadd.s32 $0xFFFFF800  }
0x11b: {  	[tilespmem:s6], [sflag:$0x1] =	stream.indirect.gather [hbm4b:s14+s10], $0x80, s8, s10, $0xb8;
	[tilespmem:$0x1D000] =	vst v63  }
0x11c: {  	s4 =	smov.u32 s0;
	s0 =	rddreg [dreg:$0x6]  }
0x11d: {  	[tilespmem:s11], [sflag:$0x2] =	stream.indirect.gather [hbm4b:s14+s10], $0x80, s0, s10, $0xb8;
	[tilespmem:$0x1D000] =	vst v63  }
0x11e: {  	s15 =	rddreg [dreg:$0x7]  }
0x11f: {  	[tilespmem:s12], [sflag:$0x3] =	stream.indirect.gather [hbm4b:s14+s10], $0x80, s15, s10, $0xb8;
	[tilespmem:$0x1D000] =	vst v63  }
0x120: {  	_ =	swait.ge [sflag:s13], $0x2000  }
0x121: {  	[sflag:s13] =	ssyncset.done $0x0  }
0x122: {  	[sflag:s13] =	ssyncadd.s32 $0xFFFFE000  }
0x123: {  	[spmem:s2] =	stream.indirect.scatter.add.f32 [tilespmem:s6], [sflag:$0x5], $0x80, s9, s10, $0xb8;
	[tilespmem:$0x1D000] =	vst v63  }
0x124: {  	s15 =	rddreg [dreg:$0x8]  }
0x125: {  	[tilespmem:s16], [sflag:$0x4] =	stream.indirect.gather [hbm4b:s14+s10], $0x80, s15, s10, $0xb8;
	[tilespmem:$0x1D000] =	vst v63  }
0x126: {  	_ =	swait.ge [sflag:s17], $0x2000  }
0x127: {  	[sflag:s17] =	ssyncset.done $0x0  }
0x128: {  	s15 =	rddreg [dreg:$0x9];
	[sflag:s17] =	ssyncadd.s32 $0xFFFFE000  }
0x129: {  	[spmem:s2] =	stream.indirect.scatter.add.f32 [tilespmem:s11], [sflag:$0x6], $0x80, s15, s10, $0xb8;
	[tilespmem:$0x1D000] =	vst v63  }
0x12a: {  	_ =	swait.ge [sflag:s18], $0x2000  }
0x12b: {  	[sflag:s18] =	ssyncset.done $0x0  }
0x12c: {  	s15 =	rddreg [dreg:$0xa];
	[sflag:s18] =	ssyncadd.s32 $0xFFFFE000  }
0x12d: {  	[tilespmem:s6], [sflag:$0x1] =	stream.indirect.gather [hbm4b:s14+s10], $0x80, s15, s10, $0xb8;
	[tilespmem:$0x1D000] =	vst v63  }
0x12e: {  	_ =	swait.ge [sflag:s19], $0x2000  }
0x12f: {  	[sflag:s19] =	ssyncset.done $0x0  }
0x130: {  	s15 =	rddreg [dreg:$0xb];
	[sflag:s19] =	ssyncadd.s32 $0xFFFFE000  }
0x131: {  	[spmem:s2] =	stream.indirect.scatter.add.f32 [tilespmem:s12], [sflag:$0x7], $0x80, s15, s10, $0xb8;
	[tilespmem:$0x1D000] =	vst v63  }
0x132: {  	_ =	swait.ge [sflag:s20], $0x2000  }
0x133: {  	[sflag:s20] =	ssyncset.done $0x0  }
0x134: {  	s15 =	rddreg [dreg:$0xc];
	[sflag:s20] =	ssyncadd.s32 $0xFFFFE000  }
0x135: {  	[tilespmem:s11], [sflag:$0x2] =	stream.indirect.gather [hbm4b:s14+s10], $0x80, s15, s10, $0xb8;
	[tilespmem:$0x1D000] =	vst v63  }
0x136: {  	_ =	swait.ge [sflag:s21], $0x2000  }
0x137: {  	[sflag:s21] =	ssyncset.done $0x0  }
0x138: {  	s15 =	rddreg [dreg:$0xd];
	[sflag:s21] =	ssyncadd.s32 $0xFFFFE000  }
0x139: {  	[spmem:s2] =	stream.indirect.scatter.add.f32 [tilespmem:s16], [sflag:$0x8], $0x80, s15, s10, $0xb8;
	[tilespmem:$0x1D000] =	vst v63  }
0x13a: {  	_ =	swait.ge [sflag:s22], $0x2000  }
0x13b: {  	[sflag:s22] =	ssyncset.done $0x0  }
0x13c: {  	s15 =	rddreg [dreg:$0xe];
	[sflag:s22] =	ssyncadd.s32 $0xFFFFE000  }
0x13d: {  	[tilespmem:s12], [sflag:$0x3] =	stream.indirect.gather [hbm4b:s14+s10], $0x80, s15, s10, $0xb8;
	[tilespmem:$0x1D000] =	vst v63  }
0x13e: {  	_ =	swait.ge [sflag:s13], $0x2000  }
0x13f: {  	[sflag:s13] =	ssyncset.done $0x0  }
0x140: {  	s15 =	rddreg [dreg:$0xf];
	[sflag:s13] =	ssyncadd.s32 $0xFFFFE000  }
0x141: {  	[spmem:s2] =	stream.indirect.scatter.add.f32 [tilespmem:s6], [sflag:$0x5], $0x80, s15, s10, $0xb8;
	[tilespmem:$0x1D000] =	vst v63  }
0x142: {  	_ =	swait.ge [sflag:s23], $0x2000  }
0x143: {  	[sflag:s23] =	ssyncset.done $0x0  }
0x144: {  	s15 =	rddreg [dreg:$0x10];
	[sflag:s23] =	ssyncadd.s32 $0xFFFFE000  }
0x145: {  	[tilespmem:s16], [sflag:$0x4] =	stream.indirect.gather [hbm4b:s14+s10], $0x80, s15, s10, $0xb8;
	[tilespmem:$0x1D000] =	vst v63  }
0x146: {  	_ =	swait.ge [sflag:s17], $0x2000  }
0x147: {  	[sflag:s17] =	ssyncset.done $0x0  }
0x148: {  	s15 =	rddreg [dreg:$0x11];
	[sflag:s17] =	ssyncadd.s32 $0xFFFFE000  }
0x149: {  	[spmem:s2] =	stream.indirect.scatter.add.f32 [tilespmem:s11], [sflag:$0x6], $0x80, s15, s10, $0xb8;
	[tilespmem:$0x1D000] =	vst v63  }
0x14a: {  	_ =	swait.ge [sflag:s18], $0x2000  }
0x14b: {  	[sflag:s18] =	ssyncset.done $0x0  }
0x14c: {  	s15 =	rddreg [dreg:$0x12];
	[sflag:s18] =	ssyncadd.s32 $0xFFFFE000  }
0x14d: {  	[tilespmem:s6], [sflag:$0x1] =	stream.indirect.gather [hbm4b:s14+s10], $0x80, s15, s10, $0xb8;
	[tilespmem:$0x1D000] =	vst v63  }
0x14e: {  	_ =	swait.ge [sflag:s19], $0x2000  }
0x14f: {  	[sflag:s19] =	ssyncset.done $0x0  }
0x150: {  	s15 =	rddreg [dreg:$0x13];
	[sflag:s19] =	ssyncadd.s32 $0xFFFFE000  }
0x151: {  	[spmem:s2] =	stream.indirect.scatter.add.f32 [tilespmem:s12], [sflag:$0x7], $0x80, s15, s10, $0xb8;
	[tilespmem:$0x1D000] =	vst v63  }
0x152: {  	_ =	swait.ge [sflag:s20], $0x2000  }
0x153: {  	[sflag:s20] =	ssyncset.done $0x0  }
0x154: {  	s15 =	rddreg [dreg:$0x14];
	[sflag:s20] =	ssyncadd.s32 $0xFFFFE000  }
0x155: {  	[tilespmem:s11], [sflag:$0x2] =	stream.indirect.gather [hbm4b:s14+s10], $0x80, s15, s10, $0xb8;
	[tilespmem:$0x1D000] =	vst v63  }
0x156: {  	_ =	swait.ge [sflag:s21], $0x2000  }
0x157: {  	[sflag:s21] =	ssyncset.done $0x0  }
0x158: {  	s15 =	rddreg [dreg:$0x15];
	[sflag:s21] =	ssyncadd.s32 $0xFFFFE000  }
0x159: {  	[spmem:s2] =	stream.indirect.scatter.add.f32 [tilespmem:s16], [sflag:$0x8], $0x80, s15, s10, $0xb8;
	[tilespmem:$0x1D000] =	vst v63  }
0x15a: {  	_ =	swait.ge [sflag:s22], $0x2000  }
0x15b: {  	[sflag:s22] =	ssyncset.done $0x0  }
0x15c: {  	s15 =	rddreg [dreg:$0x16];
	[sflag:s22] =	ssyncadd.s32 $0xFFFFE000  }
0x15d: {  	[tilespmem:s12], [sflag:$0x3] =	stream.indirect.gather [hbm4b:s14+s10], $0x80, s15, s10, $0xb8;
	[tilespmem:$0x1D000] =	vst v63  }
0x15e: {  	_ =	swait.ge [sflag:s13], $0x2000  }
0x15f: {  	[sflag:s13] =	ssyncset.done $0x0  }
0x160: {  	s15 =	rddreg [dreg:$0x17];
	[sflag:s13] =	ssyncadd.s32 $0xFFFFE000  }
0x161: {  	[spmem:s2] =	stream.indirect.scatter.add.f32 [tilespmem:s6], [sflag:$0x5], $0x80, s15, s10, $0xb8;
	[tilespmem:$0x1D000] =	vst v63  }
0x162: {  	_ =	swait.ge [sflag:s23], $0x2000  }
0x163: {  	[sflag:s23] =	ssyncset.done $0x0  }
0x164: {  	s15 =	rddreg [dreg:$0x18];
	[sflag:s23] =	ssyncadd.s32 $0xFFFFE000  }
0x165: {  	[tilespmem:s16], [sflag:$0x4] =	stream.indirect.gather [hbm4b:s14+s10], $0x80, s15, s10, $0xb8;
	[tilespmem:$0x1D000] =	vst v63  }
0x166: {  	_ =	swait.ge [sflag:s17], $0x2000  }
0x167: {  	[sflag:s17] =	ssyncset.done $0x0  }
0x168: {  	s15 =	rddreg [dreg:$0x19];
	[sflag:s17] =	ssyncadd.s32 $0xFFFFE000  }
0x169: {  	[spmem:s2] =	stream.indirect.scatter.add.f32 [tilespmem:s11], [sflag:$0x6], $0x80, s15, s10, $0xb8;
	[tilespmem:$0x1D000] =	vst v63  }
0x16a: {  	_ =	swait.ge [sflag:s18], $0x2000  }
0x16b: {  	[sflag:s18] =	ssyncset.done $0x0  }
0x16c: {  	s15 =	rddreg [dreg:$0x1a];
	[sflag:s18] =	ssyncadd.s32 $0xFFFFE000  }
0x16d: {  	[tilespmem:s6], [sflag:$0x1] =	stream.indirect.gather [hbm4b:s14+s10], $0x80, s15, s10, $0xb8;
	[tilespmem:$0x1D000] =	vst v63  }
0x16e: {  	_ =	swait.ge [sflag:s19], $0x2000  }
0x16f: {  	[sflag:s19] =	ssyncset.done $0x0  }
0x170: {  	s15 =	rddreg [dreg:$0x1b];
	[sflag:s19] =	ssyncadd.s32 $0xFFFFE000  }
0x171: {  	[spmem:s2] =	stream.indirect.scatter.add.f32 [tilespmem:s12], [sflag:$0x7], $0x80, s15, s10, $0xb8;
	[tilespmem:$0x1D000] =	vst v63  }
0x172: {  	_ =	swait.ge [sflag:s20], $0x2000  }
0x173: {  	[sflag:s20] =	ssyncset.done $0x0  }
0x174: {  	[sflag:s20] =	ssyncadd.s32 $0xFFFFE000  }
0x175: {  	[tilespmem:s11], [sflag:$0x2] =	stream.indirect.gather [hbm4b:s14+s10], $0x80, s24, s10, $0xb8;
	[tilespmem:$0x1D000] =	vst v63  }
0x176: {  	_ =	swait.ge [sflag:s21], $0x2000  }
0x177: {  	[sflag:s21] =	ssyncset.done $0x0  }
0x178: {  	[sflag:s21] =	ssyncadd.s32 $0xFFFFE000  }
0x179: {  	[spmem:s2] =	stream.indirect.scatter.add.f32 [tilespmem:s16], [sflag:$0x8], $0x80, s25, s10, $0xb8;
	[tilespmem:$0x1D000] =	vst v63  }
0x17a: {  	_ =	swait.ge [sflag:s22], $0x2000  }
0x17b: {  	[sflag:s22] =	ssyncset.done $0x0  }
0x17c: {  	[sflag:s22] =	ssyncadd.s32 $0xFFFFE000  }
0x17d: {  	[tilespmem:s12], [sflag:$0x3] =	stream.indirect.gather [hbm4b:s14+s10], $0x80, s26, s10, $0xb8;
	[tilespmem:$0x1D000] =	vst v63  }
0x17e: {  	_ =	swait.ge [sflag:s13], $0x2000  }
0x17f: {  	[sflag:s13] =	ssyncset.done $0x0  }
0x180: {  	[sflag:s13] =	ssyncadd.s32 $0xFFFFE000  }
0x181: {  	[spmem:s2] =	stream.indirect.scatter.add.f32 [tilespmem:s6], [sflag:$0x5], $0x80, s28, s10, $0xb8;
	[tilespmem:$0x1D000] =	vst v63  }
0x182: {  	_ =	swait.ge [sflag:s23], $0x2000  }
0x183: {  	[sflag:s23] =	ssyncset.done $0x0  }
0x184: {  	[sflag:s23] =	ssyncadd.s32 $0xFFFFE000  }
0x185: {  	[tilespmem:s16], [sflag:$0x4] =	stream.indirect.gather [hbm4b:s14+s10], $0x80, s29, s10, $0xb8;
	[tilespmem:$0x1D000] =	vst v63  }
0x186: {  	_ =	swait.ge [sflag:s17], $0x2000  }
0x187: {  	[sflag:s17] =	ssyncset.done $0x0  }
0x188: {  	[sflag:s17] =	ssyncadd.s32 $0xFFFFE000  }
0x189: {  	[spmem:s2] =	stream.indirect.scatter.add.f32 [tilespmem:s11], [sflag:$0x6], $0x80, s30, s10, $0xb8;
	[tilespmem:$0x1D000] =	vst v63  }
0x18a: {  	_ =	swait.ge [sflag:s19], $0x2000  }
0x18b: {  	[sflag:s19] =	ssyncset.done $0x0  }
0x18c: {  	[sflag:s19] =	ssyncadd.s32 $0xFFFFE000  }
0x18d: {  	[spmem:s2] =	stream.indirect.scatter.add.f32 [tilespmem:s12], [sflag:$0x7], $0x80, s31, s10, $0xb8;
	[tilespmem:$0x1D000] =	vst v63  }
0x18e: {  	_ =	swait.ge [sflag:s21], $0x2000  }
0x18f: {  	[sflag:s21] =	ssyncset.done $0x0  }
0x190: {  	[sflag:s21] =	ssyncadd.s32 $0xFFFFE000  }
0x191: {  	[spmem:s2] =	stream.indirect.scatter.add.f32 [tilespmem:s16], [sflag:$0x8], $0x80, s1, s10, $0xb8;
	[tilespmem:$0x1D000] =	vst v63  }
0x192: {  	_ =	swait.ge [sflag:s18], $0x2000  }
0x193: {  	[sflag:s18] =	ssyncset.done $0x0  }
0x194: {  	[sflag:s18] =	ssyncadd.s32 $0xFFFFE000  }
0x195: {  	_ =	swait.ge [sflag:s20], $0x2000  }
0x196: {  	[sflag:s20] =	ssyncset.done $0x0  }
0x197: {  	p0 =	sne.s32 s5, $0x900;
	[sflag:s20] =	ssyncadd.s32 $0xFFFFE000  }
.Ltmp1:
0x198: {  	_ =	swait.ge [sflag:s22], $0x2000;
	(pc) =	sbr.rel @p0 .LBB2_4-.Ltmp1, $4  }
0x199: {  	[sflag:s22] =	ssyncset.done $0x0  }
0x19a: {  	[sflag:s22] =	ssyncadd.s32 $0xFFFFE000  }
0x19b: {  	_ =	swait.ge [sflag:s23], $0x2000  }
0x19c: {  	s5 =	sadd.s32 $0x100, s5;
	s15 =	rddreg [dreg:$0x5];
	[sflag:s23] =	ssyncset.done $0x0  }
0x19d: {  	[sflag:s23] =	ssyncadd.s32 $0xFFFFE000;
	s0 =	sadd.s32 s4, s15  }
0x19e: {  	[tilespmem:s8], [sflag:$0x9] =	stream.linear.gather [hbm4b:s0+s3], $0x800, $0x38;
	[tilespmem:$0x1D000] =	vst v63  }
0x19f: {  	_ =	swait.ge [sflag:s7], $0x800  }
0x1a0: {  	s15 =	rddreg [dreg:$0x4];
	[sflag:s7] =	ssyncset.done $0x0  }
0x1a1: {  	[sflag:s7] =	ssyncadd.s32 $0xFFFFF800;
	s0 =	sadd.s32 s4, s15  }
0x1a2: {  	[tilespmem:s9], [sflag:$0x9] =	stream.linear.gather [hbm4b:s0+s3], $0x800, $0x38;
	[tilespmem:$0x1D000] =	vst v63  }
0x1a3: {  	_ =	swait.ge [sflag:s7], $0x800  }
0x1a4: {  	[sflag:s7] =	ssyncset.done $0x0  }
0x1a5: {  	[sflag:s7] =	ssyncadd.s32 $0xFFFFF800  }
0x1a6: {  	[tilespmem:s6], [sflag:$0x1] =	stream.indirect.gather [hbm4b:s14+s10], $0x80, s8, s10, $0xb8;
	[tilespmem:$0x1D000] =	vst v63  }
0x1a7: {  	s4 =	rddreg [dreg:$0x6]  }
0x1a8: {  	[tilespmem:s11], [sflag:$0x2] =	stream.indirect.gather [hbm4b:s14+s10], $0x80, s4, s10, $0xb8;
	[tilespmem:$0x1D000] =	vst v63  }
0x1a9: {  	s5 =	rddreg [dreg:$0x7]  }
0x1aa: {  	[tilespmem:s12], [sflag:$0x3] =	stream.indirect.gather [hbm4b:s14+s10], $0x80, s5, s10, $0xb8;
	[tilespmem:$0x1D000] =	vst v63  }
0x1ab: {  	_ =	swait.ge [sflag:s13], $0x2000  }
0x1ac: {  	[sflag:s13] =	ssyncset.done $0x0  }
0x1ad: {  	[sflag:s13] =	ssyncadd.s32 $0xFFFFE000  }
0x1ae: {  	[spmem:s2] =	stream.indirect.scatter.add.f32 [tilespmem:s6], [sflag:$0x5], $0x80, s9, s10, $0xb8;
	[tilespmem:$0x1D000] =	vst v63  }
0x1af: {  	s15 =	rddreg [dreg:$0x8]  }
0x1b0: {  	[tilespmem:s16], [sflag:$0x4] =	stream.indirect.gather [hbm4b:s14+s10], $0x80, s15, s10, $0xb8;
	[tilespmem:$0x1D000] =	vst v63  }
0x1b1: {  	_ =	swait.ge [sflag:s17], $0x2000  }
0x1b2: {  	[sflag:s17] =	ssyncset.done $0x0  }
0x1b3: {  	s4 =	rddreg [dreg:$0x9];
	[sflag:s17] =	ssyncadd.s32 $0xFFFFE000  }
0x1b4: {  	[spmem:s2] =	stream.indirect.scatter.add.f32 [tilespmem:s11], [sflag:$0x6], $0x80, s4, s10, $0xb8;
	[tilespmem:$0x1D000] =	vst v63  }
0x1b5: {  	_ =	swait.ge [sflag:s18], $0x2000  }
0x1b6: {  	[sflag:s18] =	ssyncset.done $0x0  }
0x1b7: {  	s5 =	rddreg [dreg:$0xa];
	[sflag:s18] =	ssyncadd.s32 $0xFFFFE000  }
0x1b8: {  	[tilespmem:s6], [sflag:$0x1] =	stream.indirect.gather [hbm4b:s14+s10], $0x80, s5, s10, $0xb8;
	[tilespmem:$0x1D000] =	vst v63  }
0x1b9: {  	_ =	swait.ge [sflag:s19], $0x2000  }
0x1ba: {  	[sflag:s19] =	ssyncset.done $0x0  }
0x1bb: {  	s15 =	rddreg [dreg:$0xb];
	[sflag:s19] =	ssyncadd.s32 $0xFFFFE000  }
0x1bc: {  	[spmem:s2] =	stream.indirect.scatter.add.f32 [tilespmem:s12], [sflag:$0x7], $0x80, s15, s10, $0xb8;
	[tilespmem:$0x1D000] =	vst v63  }
0x1bd: {  	_ =	swait.ge [sflag:s20], $0x2000  }
0x1be: {  	[sflag:s20] =	ssyncset.done $0x0  }
0x1bf: {  	s4 =	rddreg [dreg:$0xc];
	[sflag:s20] =	ssyncadd.s32 $0xFFFFE000  }
0x1c0: {  	[tilespmem:s11], [sflag:$0x2] =	stream.indirect.gather [hbm4b:s14+s10], $0x80, s4, s10, $0xb8;
	[tilespmem:$0x1D000] =	vst v63  }
0x1c1: {  	_ =	swait.ge [sflag:s21], $0x2000  }
0x1c2: {  	[sflag:s21] =	ssyncset.done $0x0  }
0x1c3: {  	s5 =	rddreg [dreg:$0xd];
	[sflag:s21] =	ssyncadd.s32 $0xFFFFE000  }
0x1c4: {  	[spmem:s2] =	stream.indirect.scatter.add.f32 [tilespmem:s16], [sflag:$0x8], $0x80, s5, s10, $0xb8;
	[tilespmem:$0x1D000] =	vst v63  }
0x1c5: {  	_ =	swait.ge [sflag:s22], $0x2000  }
0x1c6: {  	[sflag:s22] =	ssyncset.done $0x0  }
0x1c7: {  	s15 =	rddreg [dreg:$0xe];
	[sflag:s22] =	ssyncadd.s32 $0xFFFFE000  }
0x1c8: {  	[tilespmem:s12], [sflag:$0x3] =	stream.indirect.gather [hbm4b:s14+s10], $0x80, s15, s10, $0xb8;
	[tilespmem:$0x1D000] =	vst v63  }
0x1c9: {  	_ =	swait.ge [sflag:s13], $0x2000  }
0x1ca: {  	[sflag:s13] =	ssyncset.done $0x0  }
0x1cb: {  	s4 =	rddreg [dreg:$0xf];
	[sflag:s13] =	ssyncadd.s32 $0xFFFFE000  }
0x1cc: {  	[spmem:s2] =	stream.indirect.scatter.add.f32 [tilespmem:s6], [sflag:$0x5], $0x80, s4, s10, $0xb8;
	[tilespmem:$0x1D000] =	vst v63  }
0x1cd: {  	_ =	swait.ge [sflag:s23], $0x2000  }
0x1ce: {  	[sflag:s23] =	ssyncset.done $0x0  }
0x1cf: {  	s5 =	rddreg [dreg:$0x10];
	[sflag:s23] =	ssyncadd.s32 $0xFFFFE000  }
0x1d0: {  	[tilespmem:s16], [sflag:$0x4] =	stream.indirect.gather [hbm4b:s14+s10], $0x80, s5, s10, $0xb8;
	[tilespmem:$0x1D000] =	vst v63  }
0x1d1: {  	_ =	swait.ge [sflag:s17], $0x2000  }
0x1d2: {  	[sflag:s17] =	ssyncset.done $0x0  }
0x1d3: {  	s15 =	rddreg [dreg:$0x11];
	[sflag:s17] =	ssyncadd.s32 $0xFFFFE000  }
0x1d4: {  	[spmem:s2] =	stream.indirect.scatter.add.f32 [tilespmem:s11], [sflag:$0x6], $0x80, s15, s10, $0xb8;
	[tilespmem:$0x1D000] =	vst v63  }
0x1d5: {  	_ =	swait.ge [sflag:s18], $0x2000  }
0x1d6: {  	[sflag:s18] =	ssyncset.done $0x0  }
0x1d7: {  	s4 =	rddreg [dreg:$0x12];
	[sflag:s18] =	ssyncadd.s32 $0xFFFFE000  }
0x1d8: {  	[tilespmem:s6], [sflag:$0x1] =	stream.indirect.gather [hbm4b:s14+s10], $0x80, s4, s10, $0xb8;
	[tilespmem:$0x1D000] =	vst v63  }
0x1d9: {  	_ =	swait.ge [sflag:s19], $0x2000  }
0x1da: {  	[sflag:s19] =	ssyncset.done $0x0  }
0x1db: {  	s5 =	rddreg [dreg:$0x13];
	[sflag:s19] =	ssyncadd.s32 $0xFFFFE000  }
0x1dc: {  	[spmem:s2] =	stream.indirect.scatter.add.f32 [tilespmem:s12], [sflag:$0x7], $0x80, s5, s10, $0xb8;
	[tilespmem:$0x1D000] =	vst v63  }
0x1dd: {  	_ =	swait.ge [sflag:s20], $0x2000  }
0x1de: {  	[sflag:s20] =	ssyncset.done $0x0  }
0x1df: {  	s15 =	rddreg [dreg:$0x14];
	[sflag:s20] =	ssyncadd.s32 $0xFFFFE000  }
0x1e0: {  	[tilespmem:s11], [sflag:$0x2] =	stream.indirect.gather [hbm4b:s14+s10], $0x80, s15, s10, $0xb8;
	[tilespmem:$0x1D000] =	vst v63  }
0x1e1: {  	_ =	swait.ge [sflag:s21], $0x2000  }
0x1e2: {  	[sflag:s21] =	ssyncset.done $0x0  }
0x1e3: {  	s4 =	rddreg [dreg:$0x15];
	[sflag:s21] =	ssyncadd.s32 $0xFFFFE000  }
0x1e4: {  	[spmem:s2] =	stream.indirect.scatter.add.f32 [tilespmem:s16], [sflag:$0x8], $0x80, s4, s10, $0xb8;
	[tilespmem:$0x1D000] =	vst v63  }
0x1e5: {  	_ =	swait.ge [sflag:s22], $0x2000  }
0x1e6: {  	[sflag:s22] =	ssyncset.done $0x0  }
0x1e7: {  	s5 =	rddreg [dreg:$0x16];
	[sflag:s22] =	ssyncadd.s32 $0xFFFFE000  }
0x1e8: {  	[tilespmem:s12], [sflag:$0x3] =	stream.indirect.gather [hbm4b:s14+s10], $0x80, s5, s10, $0xb8;
	[tilespmem:$0x1D000] =	vst v63  }
0x1e9: {  	_ =	swait.ge [sflag:s13], $0x2000  }
0x1ea: {  	[sflag:s13] =	ssyncset.done $0x0  }
0x1eb: {  	s15 =	rddreg [dreg:$0x17];
	[sflag:s13] =	ssyncadd.s32 $0xFFFFE000  }
0x1ec: {  	[spmem:s2] =	stream.indirect.scatter.add.f32 [tilespmem:s6], [sflag:$0x5], $0x80, s15, s10, $0xb8;
	[tilespmem:$0x1D000] =	vst v63  }
0x1ed: {  	_ =	swait.ge [sflag:s23], $0x2000  }
0x1ee: {  	[sflag:s23] =	ssyncset.done $0x0  }
0x1ef: {  	s4 =	rddreg [dreg:$0x18];
	[sflag:s23] =	ssyncadd.s32 $0xFFFFE000  }
0x1f0: {  	[tilespmem:s16], [sflag:$0x4] =	stream.indirect.gather [hbm4b:s14+s10], $0x80, s4, s10, $0xb8;
	[tilespmem:$0x1D000] =	vst v63  }
0x1f1: {  	_ =	swait.ge [sflag:s17], $0x2000  }
0x1f2: {  	[sflag:s17] =	ssyncset.done $0x0  }
0x1f3: {  	s5 =	rddreg [dreg:$0x19];
	[sflag:s17] =	ssyncadd.s32 $0xFFFFE000  }
0x1f4: {  	[spmem:s2] =	stream.indirect.scatter.add.f32 [tilespmem:s11], [sflag:$0x6], $0x80, s5, s10, $0xb8;
	[tilespmem:$0x1D000] =	vst v63  }
0x1f5: {  	_ =	swait.ge [sflag:s18], $0x2000  }
0x1f6: {  	[sflag:s18] =	ssyncset.done $0x0  }
0x1f7: {  	s15 =	rddreg [dreg:$0x1a];
	[sflag:s18] =	ssyncadd.s32 $0xFFFFE000  }
0x1f8: {  	[tilespmem:s6], [sflag:$0x1] =	stream.indirect.gather [hbm4b:s14+s10], $0x80, s15, s10, $0xb8;
	[tilespmem:$0x1D000] =	vst v63  }
0x1f9: {  	_ =	swait.ge [sflag:s19], $0x2000  }
0x1fa: {  	[sflag:s19] =	ssyncset.done $0x0  }
0x1fb: {  	s4 =	rddreg [dreg:$0x1b];
	[sflag:s19] =	ssyncadd.s32 $0xFFFFE000  }
0x1fc: {  	[spmem:s2] =	stream.indirect.scatter.add.f32 [tilespmem:s12], [sflag:$0x7], $0x80, s4, s10, $0xb8;
	[tilespmem:$0x1D000] =	vst v63  }
0x1fd: {  	_ =	swait.ge [sflag:s20], $0x2000  }
0x1fe: {  	[sflag:s20] =	ssyncset.done $0x0  }
0x1ff: {  	[sflag:s20] =	ssyncadd.s32 $0xFFFFE000  }
0x200: {  	[tilespmem:s11], [sflag:$0x2] =	stream.indirect.gather [hbm4b:s14+s10], $0x80, s24, s10, $0xb8;
	[tilespmem:$0x1D000] =	vst v63  }
0x201: {  	_ =	swait.ge [sflag:s21], $0x2000  }
0x202: {  	[sflag:s21] =	ssyncset.done $0x0  }
0x203: {  	[sflag:s21] =	ssyncadd.s32 $0xFFFFE000  }
0x204: {  	[spmem:s2] =	stream.indirect.scatter.add.f32 [tilespmem:s16], [sflag:$0x8], $0x80, s25, s10, $0xb8;
	[tilespmem:$0x1D000] =	vst v63  }
0x205: {  	_ =	swait.ge [sflag:s22], $0x2000  }
0x206: {  	[sflag:s22] =	ssyncset.done $0x0  }
0x207: {  	[sflag:s22] =	ssyncadd.s32 $0xFFFFE000  }
0x208: {  	[tilespmem:s12], [sflag:$0x3] =	stream.indirect.gather [hbm4b:s14+s10], $0x80, s26, s10, $0xb8;
	[tilespmem:$0x1D000] =	vst v63  }
0x209: {  	_ =	swait.ge [sflag:s13], $0x2000  }
0x20a: {  	[sflag:s13] =	ssyncset.done $0x0  }
0x20b: {  	[sflag:s13] =	ssyncadd.s32 $0xFFFFE000  }
0x20c: {  	[spmem:s2] =	stream.indirect.scatter.add.f32 [tilespmem:s6], [sflag:$0x5], $0x80, s28, s10, $0xb8;
	[tilespmem:$0x1D000] =	vst v63  }
0x20d: {  	_ =	swait.ge [sflag:s23], $0x2000  }
0x20e: {  	[sflag:s23] =	ssyncset.done $0x0  }
0x20f: {  	[sflag:s23] =	ssyncadd.s32 $0xFFFFE000  }
0x210: {  	[tilespmem:s16], [sflag:$0x4] =	stream.indirect.gather [hbm4b:s14+s10], $0x80, s29, s10, $0xb8;
	[tilespmem:$0x1D000] =	vst v63  }
0x211: {  	_ =	swait.ge [sflag:s17], $0x2000  }
0x212: {  	[sflag:s17] =	ssyncset.done $0x0  }
0x213: {  	[sflag:s17] =	ssyncadd.s32 $0xFFFFE000  }
0x214: {  	[spmem:s2] =	stream.indirect.scatter.add.f32 [tilespmem:s11], [sflag:$0x6], $0x80, s30, s10, $0xb8;
	[tilespmem:$0x1D000] =	vst v63  }
0x215: {  	_ =	swait.ge [sflag:s19], $0x2000  }
0x216: {  	[sflag:s19] =	ssyncset.done $0x0  }
0x217: {  	[sflag:s19] =	ssyncadd.s32 $0xFFFFE000  }
0x218: {  	[spmem:s2] =	stream.indirect.scatter.add.f32 [tilespmem:s12], [sflag:$0x7], $0x80, s31, s10, $0xb8;
	[tilespmem:$0x1D000] =	vst v63  }
0x219: {  	_ =	swait.ge [sflag:s21], $0x2000  }
0x21a: {  	[sflag:s21] =	ssyncset.done $0x0  }
0x21b: {  	[sflag:s21] =	ssyncadd.s32 $0xFFFFE000  }
0x21c: {  	[spmem:s2] =	stream.indirect.scatter.add.f32 [tilespmem:s16], [sflag:$0x8], $0x80, s1, s10, $0xb8;
	[tilespmem:$0x1D000] =	vst v63  }
0x21d: {  	_ =	swait.ge [sflag:s18], $0x2000  }
0x21e: {  	[sflag:s18] =	ssyncset.done $0x0  }
0x21f: {  	[sflag:s18] =	ssyncadd.s32 $0xFFFFE000  }
0x220: {  	_ =	swait.ge [sflag:s20], $0x2000  }
0x221: {  	[sflag:s20] =	ssyncset.done $0x0  }
0x222: {  	[sflag:s20] =	ssyncadd.s32 $0xFFFFE000  }
0x223: {  	_ =	swait.ge [sflag:s22], $0x2000  }
0x224: {  	[sflag:s22] =	ssyncset.done $0x0  }
0x225: {  	[sflag:s22] =	ssyncadd.s32 $0xFFFFE000  }
0x226: {  	_ =	swait.ge [sflag:s23], $0x2000  }
0x227: {  	[sflag:s23] =	ssyncset.done $0x0  }
0x228: {  	[sflag:s23] =	ssyncadd.s32 $0xFFFFE000  }
0x229: {  	[bflag:$0x0] =	sbarrier.arrive $0xFFFF  }
0x22a: {  	s15 =	sld [smem:$0x7FC]  }
0x22b: {  	s5 =	stileid.u32  }
0x22c: {  	s0 =	sshll.u32 s5, $0x6  }
0x22d: {  	s0 =	sor.u32 $0x1C09, s0;
	s5 =	rddreg [dreg:$0x1c];
	s4 =	sshrl.u32 s15, $0x3  }
0x22e: {  	[hbm:s5], [sflag:s0] =	dma.local [spmem:s4], $0x400  }
0x22f: {  	_ =	swait.ge [sflag:s7], $0x400  }
0x230: {  	s15 =	sld [smem:$0x7EB]  }
0x231: {  	[sflag:s7] =	ssyncset.done $0x0  }
0x232: {  	s5 =	rddreg [dreg:$0x1d];
	[sflag:s7] =	ssyncadd.s32 $0xFFFFFC00  }
0x233: {  	[hbm:s5], [sflag:s0] =	dma.local [spmem:s15], $0x400  }
0x234: {  	_ =	swait.ge [sflag:s7], $0x400  }
0x235: {  	s15 =	sld [smem:$0x7EC]  }
0x236: {  	[sflag:s7] =	ssyncset.done $0x0  }
0x237: {  	s5 =	rddreg [dreg:$0x1e];
	[sflag:s7] =	ssyncadd.s32 $0xFFFFFC00  }
0x238: {  	[hbm:s5], [sflag:s0] =	dma.local [spmem:s15], $0x400  }
0x239: {  	_ =	swait.ge [sflag:s7], $0x400  }
0x23a: {  	s15 =	sld [smem:$0x7ED]  }
0x23b: {  	[sflag:s7] =	ssyncset.done $0x0  }
0x23c: {  	s5 =	rddreg [dreg:$0x1f];
	[sflag:s7] =	ssyncadd.s32 $0xFFFFFC00  }
0x23d: {  	[hbm:s5], [sflag:s0] =	dma.local [spmem:s15], $0x400  }
0x23e: {  	_ =	swait.ge [sflag:s7], $0x400  }
0x23f: {  	s5 =	sld [smem:$0x7E4]  }
0x240: {  	s15 =	sld [smem:$0x7EE]  }
0x241: {  	[sflag:s7] =	ssyncset.done $0x0  }
0x242: {  	[sflag:s7] =	ssyncadd.s32 $0xFFFFFC00  }
0x243: {  	[hbm:s5], [sflag:s0] =	dma.local [spmem:s15], $0x400  }
0x244: {  	_ =	swait.ge [sflag:s7], $0x400  }
0x245: {  	s5 =	sld [smem:$0x7E5]  }
0x246: {  	s15 =	sld [smem:$0x7EF]  }
0x247: {  	[sflag:s7] =	ssyncset.done $0x0  }
0x248: {  	[sflag:s7] =	ssyncadd.s32 $0xFFFFFC00  }
0x249: {  	[hbm:s5], [sflag:s0] =	dma.local [spmem:s15], $0x400  }
0x24a: {  	_ =	swait.ge [sflag:s7], $0x400  }
0x24b: {  	s5 =	sld [smem:$0x7E6]  }
0x24c: {  	s15 =	sld [smem:$0x7F0]  }
0x24d: {  	[sflag:s7] =	ssyncset.done $0x0  }
0x24e: {  	[sflag:s7] =	ssyncadd.s32 $0xFFFFFC00  }
0x24f: {  	[hbm:s5], [sflag:s0] =	dma.local [spmem:s15], $0x400  }
0x250: {  	_ =	swait.ge [sflag:s7], $0x400  }
0x251: {  	s5 =	sld [smem:$0x7E7]  }
0x252: {  	s15 =	sld [smem:$0x7F1]  }
0x253: {  	[sflag:s7] =	ssyncset.done $0x0  }
0x254: {  	[sflag:s7] =	ssyncadd.s32 $0xFFFFFC00  }
0x255: {  	[hbm:s5], [sflag:s0] =	dma.local [spmem:s15], $0x400  }
0x256: {  	_ =	swait.ge [sflag:s7], $0x400  }
0x257: {  	s5 =	sld [smem:$0x7E8]  }
0x258: {  	s15 =	sld [smem:$0x7F2]  }
0x259: {  	[sflag:s7] =	ssyncset.done $0x0  }
0x25a: {  	[sflag:s7] =	ssyncadd.s32 $0xFFFFFC00  }
0x25b: {  	[hbm:s5], [sflag:s0] =	dma.local [spmem:s15], $0x400  }
0x25c: {  	_ =	swait.ge [sflag:s7], $0x400  }
0x25d: {  	s5 =	sld [smem:$0x7E9]  }
0x25e: {  	s15 =	sld [smem:$0x7F3]  }
0x25f: {  	[sflag:s7] =	ssyncset.done $0x0  }
0x260: {  	[sflag:s7] =	ssyncadd.s32 $0xFFFFFC00  }
0x261: {  	[hbm:s5], [sflag:s0] =	dma.local [spmem:s15], $0x400  }
0x262: {  	_ =	swait.ge [sflag:s7], $0x400  }
0x263: {  	s5 =	sld [smem:$0x7E3]  }
0x264: {  	s15 =	sld [smem:$0x7EA];
	_ =	sdelay $0x1  }
0x265: {  	s4 =	sadd.s32 $0x1, s5  }
0x266: {  	p0 =	sne.s32 s4, s15  }
.Ltmp2:
0x267: {  	_ = 	snop;
	(pc) =	sbr.rel @p0 .LBB2_1-.Ltmp2, $3  }
0x268: {  	_ =	sdelay $0x1  }
0x269: {  	[sflag:s7] =	ssyncset.done $0x0  }
0x26a: {  	[sflag:s7] =	ssyncadd.s32 $0xFFFFFC00  }
0x26b: {  	_ =	sfence.sel $0x180000  }
0x26c: {  	[bflag:$0x0] =	sbarrier.arrive $0xFFFF  }
0x26d: {  	_ =	strace $0x9000004A  }
0x26e: {  	s0 =	stileid.u32;
	[bflag:$0x2] =	sbarrier.arrive $0xFFFF  }
0x26f: {  	p0 =	sne.s32 s0, $0x0;
	s0 =	rddreg [dreg:$0x3]  }
0x270: {  	s0 =	sadd.s32 @!p0 $0x100000, s0  }
0x271: {  	[sflag:s0] =	ssyncadd.tile.s32 @!p0 $0x1;
	_ =	shalt  }
.Lfunc_end2:
_tile_overlayer_lowered:
.L_overlay_start_2:
0x272: {  	(tag) =	ssettag $0x2  }
0x273: {  	s0 =	rddreg [dreg:$0x0];
	s2 =	stileid.u32  }
0x274: {  	s1 =	rddreg [dreg:$0x1];
	p0 =	sne.s32 s2, $0x0  }
0x275: {  	s3 =	rddreg [dreg:$0x2];
	[bflag:$0x3] =	sbarrier.arrive $0xFFFF;
	s2 =	simm.s32 @!p0 $0x1C09  }
0x276: {  	[timem:s3], [sflag:s2] =	dma.local @!p0 [hbm:s0], s1  }
0x277: {  	s0 =	simm.s32 @!p0 $0x9  }
0x278: {  	_ =	swait.ge @!p0 [sflag:s0], s1  }
0x279: {  	s1 =	ssub.s32 @!p0 $0x0, s1;
	[sflag:s0] =	ssyncset.done @!p0 $0x0  }
0x27a: {  	[sflag:s0] =	ssyncadd.s32 @!p0 s1  }
0x27b: {  	[bflag:$0x3] =	sbarrier.arrive $0xFFFF  }
0x27c: {  	_ =	shalt  }

// kernel: kernel.14.cloned.1.call-start
scs
__scs_entry_jumppad:
0x0: {  	(pc) =	sbr.rel $0x88, $3  }
0x1: {  	(tag) =	ssettag $0x0;
	lr =	simm.s32 $0x1  }
0x2: {  	[smem:$0x3F9B] =	sst lr;
	_ =	strace $0xD0000000  }
0x3: {  	_ = 	snop  }
0x4: {  	_ = 	snop  }
0x5: {  	_ = 	snop  }
0x6: {  	_ = 	snop  }
0x7: {  	_ = 	snop  }
__scs_overlays_trampoline_lowered:
0x8: {  	[smem:$0x3FAA] =	sst s0  }
0x9: {  	[smem:$0x3FAB] =	sst s1  }
0xa: {  	[smem:$0x3FAC] =	sst s2  }
0xb: {  	[smem:$0x3FAD] =	sst s3  }
0xc: {  	[smem:$0x3FAE] =	sst s4  }
0xd: {  	[smem:$0x3FAF] =	sst s5  }
0xe: {  	[smem:$0x3FB0] =	sst s6  }
0xf: {  	[smem:$0x3FB1] =	sst s7  }
0x10: {  	[smem:$0x3FB2] =	sst s8  }
0x11: {  	[smem:$0x3FB3] =	sst s9;
	s0 =	simm.s32 @!p0 $0x0  }
0x12: {  	s1 =	sld [smem:$0x3F99];
	s0 =	simm.s32 @p0 $0x1  }
0x13: {  	[smem:$0x3FB4] =	sst s0;
	s0 =	simm.s32 @!p1 $0x0  }
0x14: {  	s2 =	sld [smem:$0x3F98];
	s0 =	simm.s32 @p1 $0x1  }
0x15: {  	[smem:$0x3FB5] =	sst s0;
	s0 =	simm.s32 @!p2 $0x0  }
0x16: {  	s3 =	sld [smem:$0x3FDB];
	s0 =	simm.s32 @p2 $0x1  }
0x17: {  	s4 =	simm.s32 $0x1BF5;
	[smem:$0x3FB7] =	sst s0  }
0x18: {  	s0 =	sld [smem:$0x3F9A];
	_ =	swait.ge [sflag:s4], $0x0  }
0x19: {  	s7 =	sld [smem:$0x3F9B]  }
0x1a: {  	s8 =	sadd.s32 $0xFFFFE003, lr  }
0x1b: {  	s9 =	sadd.s32 $0xFFFFFEF7, lr;
	s5 =	simm.s32 $0xFFFFFFFF;
	p2 =	slt.u32 s8, $0xFFFFF086  }
0x1c: {  	p1 =	slt.u32 s9, $0xF7A;
	s5 =	simm.s32 @!p2 $0x0  }
0x1d: {  	s5 =	simm.s32 @p1 $0x1;
	p0 =	seq.s32 s7, s2  }
0x1e: {  	s7 =	smul.u32 @!p0 $0xF7A, s2;
	p2 =	seq.s32 @!p0 s5, $0x0  }
0x1f: {  	s9 =	smul.u32 $0xF7A, s1;
	s8 =	simm.s32 @!p0 $0x1BF5;
	p2 =	por !p2, p0  }
0x20: {  	[sflag:s8] =	ssyncset.s32 @!p0 $0xFFFFF086;
	s6 =	sadd.s32 @!p0 s3, s7;
	s7 =	simm.s32 @!p0 $0x108  }
0x21: {  	s3 =	sadd.s32 s3, s9;
	s6 =	sadd.s32 @!p0 $0x88, s6;
	s7 =	simm.s32 @p2 $0x1082  }
0x22: {  	[simem:s7], [sflag:s8] =	dma.local @!p0 [hbm:s6], $0xF7A  }
0x23: {  	s9 =	sor.u32 $0xD0000000, s2;
	s6 =	simm.s32 $0x108;
	_ =	swait.ge @!p0 [sflag:s8], $0x0  }
0x24: {  	s3 =	sadd.s32 $0x88, s3;
	s6 =	simm.s32 @!p1 $0x1082;
	[sflag:s4] =	ssyncset.s32 $0xFFFFF086  }
0x25: {  	[simem:s6], [sflag:s4] =	dma.local [hbm:s3], $0xF7A  }
0x26: {  	[smem:$0x3F9B] =	sst s1;
	(tag) =	ssettag s2;
	_ =	strace s9  }
0x27: {  	s1 =	sld [smem:$0x3FAB]  }
0x28: {  	s2 =	sld [smem:$0x3FAC]  }
0x29: {  	s4 =	sld [smem:$0x3FAE]  }
0x2a: {  	p0 =	seq.s32 s5, $0x0;
	s5 =	sld [smem:$0x3FAF]  }
0x2b: {  	s6 =	sld [smem:$0x3FB0]  }
0x2c: {  	s7 =	sld [smem:$0x3FB1]  }
0x2d: {  	s3 =	simm.s32 $0x108;
	s8 =	sld [smem:$0x3FB2]  }
0x2e: {  	s3 =	simm.s32 @!p0 $0x1082;
	s9 =	sld [smem:$0x3FB3]  }
0x2f: {  	lr =	sadd.s32 s0, s3;
	s0 =	sld [smem:$0x3FAA]  }
0x30: {  	s3 =	sld [smem:$0x3FAD]  }
0x31: {  	[smem:$0x3FB6] =	sst s10  }
0x32: {  	s10 =	sld [smem:$0x3FB4];
	_ =	sdelay $0x3  }
0x33: {  	p0 =	seq.s32 s10, $0x1;
	s10 =	sld [smem:$0x3FB6];
	_ =	sdelay $0x3  }
0x34: {  	[smem:$0x3FB6] =	sst s10  }
0x35: {  	s10 =	sld [smem:$0x3FB5];
	_ =	sdelay $0x3  }
0x36: {  	p1 =	seq.s32 s10, $0x1;
	s10 =	sld [smem:$0x3FB6];
	_ =	sdelay $0x3  }
0x37: {  	[smem:$0x3FB6] =	sst s10  }
0x38: {  	s10 =	sld [smem:$0x3FB7]  }
0x39: {  	_ = 	snop;
	(pc) =	sbr.ind lr, $3  }
0x3a: {  	_ = 	snop  }
0x3b: {  	_ = 	snop  }
0x3c: {  	p2 =	seq.s32 s10, $0x1;
	s10 =	sld [smem:$0x3FB6]  }
0x3d: {  	_ =	shalt  }
0x3e: {  	_ =	shalt  }
0x3f: {  	_ =	shalt  }
0x40: {  	_ =	shalt  }
0x41: {  	_ =	shalt  }
0x42: {  	_ =	shalt  }
0x43: {  	_ =	shalt  }
0x44: {  	_ =	shalt  }
0x45: {  	_ =	shalt  }
0x46: {  	_ =	shalt  }
0x47: {  	_ =	shalt  }
0x48: {  	_ =	shalt  }
0x49: {  	_ =	shalt  }
0x4a: {  	_ =	shalt  }
0x4b: {  	_ =	shalt  }
0x4c: {  	_ =	shalt  }
0x4d: {  	_ =	shalt  }
0x4e: {  	_ =	shalt  }
0x4f: {  	_ =	shalt  }
0x50: {  	_ =	shalt  }
0x51: {  	_ =	shalt  }
0x52: {  	_ =	shalt  }
0x53: {  	_ =	shalt  }
0x54: {  	_ =	shalt  }
0x55: {  	_ =	shalt  }
0x56: {  	_ =	shalt  }
0x57: {  	_ =	shalt  }
0x58: {  	_ =	shalt  }
0x59: {  	_ =	shalt  }
0x5a: {  	_ =	shalt  }
0x5b: {  	_ =	shalt  }
0x5c: {  	_ =	shalt  }
0x5d: {  	_ =	shalt  }
0x5e: {  	_ =	shalt  }
0x5f: {  	_ =	shalt  }
0x60: {  	_ =	shalt  }
0x61: {  	_ =	shalt  }
0x62: {  	_ =	shalt  }
0x63: {  	_ =	shalt  }
0x64: {  	_ =	shalt  }
0x65: {  	_ =	shalt  }
0x66: {  	_ =	shalt  }
0x67: {  	_ =	shalt  }
0x68: {  	_ =	shalt  }
0x69: {  	_ =	shalt  }
0x6a: {  	_ =	shalt  }
0x6b: {  	_ =	shalt  }
0x6c: {  	_ =	shalt  }
0x6d: {  	_ =	shalt  }
0x6e: {  	_ =	shalt  }
0x6f: {  	_ =	shalt  }
0x70: {  	_ =	shalt  }
0x71: {  	_ =	shalt  }
0x72: {  	_ =	shalt  }
0x73: {  	_ =	shalt  }
0x74: {  	_ =	shalt  }
0x75: {  	_ =	shalt  }
0x76: {  	_ =	shalt  }
0x77: {  	_ =	shalt  }
0x78: {  	_ =	shalt  }
0x79: {  	_ =	shalt  }
0x7a: {  	_ =	shalt  }
0x7b: {  	_ =	shalt  }
0x7c: {  	_ =	shalt  }
0x7d: {  	_ =	shalt  }
0x7e: {  	_ =	shalt  }
0x7f: {  	_ =	shalt  }
0x80: {  	_ =	shalt  }
0x81: {  	_ =	shalt  }
0x82: {  	_ =	shalt  }
0x83: {  	_ =	shalt  }
0x84: {  	_ =	shalt  }
0x85: {  	_ =	shalt  }
0x86: {  	_ =	shalt  }
0x87: {  	_ =	shalt  }
.Lfunc_end0:
.L_simem_size_0:
called_computation.2_lowered:
.L_overlay_start_0:
0x88: {  	s2 =	sld [smem:$0x3FD9]  }
0x89: {  	s3 =	sld [smem:$0x3FFE];
	_ =	sdelay $0x1  }
0x8a: {  	s1 =	srdreg.scid  }
0x8b: {  	s0 =	sand.u32 $0x1, s1  }
0x8c: {  	s17 =	sshll.u32 s0, $0xA;
	s2 =	sadd.s32 s3, s2  }
0x8d: {  	s2 =	sadd.s32 s2, s17  }
0x8e: {  	[smem:$0x3FC2] =	sst s2  }
0x8f: {  	_ = 	snop  }
0x90: {  	s2 =	sld [smem:$0x3FD0];
	(tm) =	ssettm $0x1  }
0x91: {  	s18 =	sld [smem:$0x3FFB];
	_ =	sdelay $0x3  }
0x92: {  	_ =	strace s18  }
0x93: {  	s3 =	sld [smem:$0x3FFC];
	_ =	sdelay $0x3  }
0x94: {  	_ =	strace s3  }
0x95: {  	s3 =	sld [smem:$0x3FFD];
	_ =	sdelay $0x3  }
0x96: {  	_ =	strace s3  }
0x97: {  	_ =	strace $0x8FFFFFFF  }
0x98: {  	s19 =	sld [smem:$0x3FDB];
	_ =	sdelay $0x1  }
0x99: {  	s4 =	simm.s32 $_scs_section_size  }
0x9a: {  	s5 =	simm.s32 $_size__tile_overlayer_lowered;
	s6 =	simm.s32 $_tile_overlayer_lowered  }
0x9b: {  	s22 =	simm.s32 $0x1BFF;
	s21 =	sshll.u32 s6, $0x1;
	s3 =	sadd.s32 s4, s19  }
0x9c: {  	s7 =	simm.s32 $0x0;
	s20 =	sshll.u32 s5, $0x1;
	s5 =	sadd.s32 s21, s3  }
0x9d: {  	[timem:s7], [sflag:s22] =	dma.local [hbm:s5], s20  }
0x9e: {  	_ =	swait.ge [sflag:s22], s20  }
0x9f: {  	s4 =	ssub.s32 $0x0, s20;
	[sflag:s22] =	ssyncset.done $0x0  }
0xa0: {  	[sflag:s22] =	ssyncadd.s32 s4;
	_ =	sdelay $0x1  }
0xa1: {  	s23 =	simm.s32 $0x1B8B  }
0xa2: {  	_ =	swait.ge [sflag:s23], $0x1  }
0xa3: {  	[sflag:s23] =	ssyncset.done $0x0  }
0xa4: {  	s25 =	simm.s32 $0x1B8E;
	s24 =	sld [smem:$0x3FFE];
	[sflag:s23] =	ssyncadd.s32 $0xFFFFFFFF  }
0xa5: {  	s26 =	simm.s32 $execute0_lowered;
	[smem:$0x3FD2] =	sst s25  }
0xa6: {  	s5 =	sshll.u32 s26, $0x1;
	_ =	strace $0x8000004C;
	[dreg:$0x1] =	wrdreg $0xFFFFFFFF  }
0xa7: {  	s28 =	simm.s32 $_size_execute0_lowered;
	s3 =	sadd.s32 s3, s5;
	[dreg:$0x0] =	wrdreg $0x0  }
0xa8: {  	s5 =	sshll.u32 s28, $0x1;
	[dreg:$0x2] =	wrdreg s3  }
0xa9: {  	[dreg:$0x3] =	wrdreg s5  }
0xaa: {  	[dreg:$0x4] =	wrdreg $0xC0  }
0xab: {  	_ =	task [dreg:s7], $0x5FFFF  }
0xac: {  	[dreg:$0x1] =	wrdreg $0xFFFFFFFF  }
0xad: {  	[dreg:$0x0] =	wrdreg $0x60  }
0xae: {  	[dreg:$0x2] =	wrdreg s24  }
0xaf: {  	[dreg:$0x3] =	wrdreg s2  }
0xb0: {  	[dreg:$0x4] =	wrdreg $0x0  }
0xb1: {  	[dreg:$0x5] =	wrdreg $0x9  }
0xb2: {  	_ =	task.clear_ibuf [dreg:s7], $0x6FFFF;
	_ =	strace $0x9000004C  }
0xb3: {  	s29 =	simm.s32 $0x9;
	_ =	strace $0x8000004E  }
0xb4: {  	_ =	swait.ge [sflag:s29], $0x1  }
0xb5: {  	[sflag:s29] =	ssyncadd.s32 $0xFFFFFFFF  }
0xb6: {  	_ =	strace $0x9000004E  }
0xb7: {  	_ =	sfence  }
0xb8: {  	s30 =	sld [smem:$0x0];
	_ =	sdelay $0x2  }
0xb9: {  	s31 =	sshll.u32 s1, $0xD;
	s1 =	sshrl.u32 s1, $0x2  }
0xba: {  	s3 =	sand.u32 $0x4000, s31;
	s1 =	sadd.s32 s1, s30  }
0xbb: {  	s0 =	sor.u32 s3, s0;
	s1 =	sshll.u32 s1, $0x11  }
0xbc: {  	s0 =	sor.u32 s1, s0  }
0xbd: {  	s0 =	sadd.s32 $0x8F2B, s0  }
0xbe: {  	[sflag:s0] =	ssyncadd.remote.s32 $0x1  }
0xbf: {  	_ =	sfence.sel $0xFFFF  }
0xc0: {  	[dreg:$0x0] =	wrdreg $0xFFFFFFFF;
	(pc) =	sbr.abs _section_cstart, $3  }
0xc1: {  	[dreg:$0x1] =	wrdreg $0xFFFFFFFF  }
0xc2: {  	_ =	task.clear_ibuf [dreg:s7], $0x2FFFF;
	_ =	strace $0x9FFFFFFF  }
0xc3: {  	(tm) =	ssettm $0x7FFFFFFF  }
tec
execute0_lowered:
.L_overlay_start_1:
0x0: {  	(tag) =	ssettag $0x1  }
0x1: {  	s0 =	rddreg [dreg:$0x0]  }
0x2: {  	s9 =	rddreg [dreg:$0x1]  }
0x3: {  	s1 =	srdreg.scid;
	s2 =	rddreg [dreg:$0x2];
	s3 =	simm.s32 $0x0  }
0x4: {  	s17 =	stileid.u32;
	s15 =	simm.s32 $0x14880;
	[smem:$0x7FF] =	sst s3  }
0x5: {  	s16 =	simm.s32 $0x14200;
	_ =	strace $0x8000004D;
	[dreg:$0x9] =	wrdreg s15  }
0x6: {  	s18 =	simm.s32 $0x14900;
	s19 =	simm.s32 $0x14280;
	[dreg:$0xa] =	wrdreg s16  }
0x7: {  	s21 =	simm.s32 $0x14980;
	s22 =	simm.s32 $0x14300;
	[dreg:$0xb] =	wrdreg s18  }
0x8: {  	s23 =	simm.s32 $0x14A00;
	s28 =	simm.s32 $0x14E00;
	[dreg:$0xc] =	wrdreg s19  }
0x9: {  	s29 =	simm.s32 $0x14780;
	s30 =	simm.s32 $0x14E80;
	[dreg:$0xd] =	wrdreg s21  }
0xa: {  	s31 =	simm.s32 $0x14F00;
	s1 =	sand.u32 $0x1, s1;
	[dreg:$0xe] =	wrdreg s22  }
0xb: {  	s5 =	smul.u32 $0x5000, s17;
	[dreg:$0xf] =	wrdreg s23;
	s15 =	simm.s32 $0x14B00  }
0xc: {  	s8 =	smul.u32 $0x14000, s17;
	s16 =	simm.s32 $0x14480;
	[dreg:$0x13] =	wrdreg s15  }
0xd: {  	s4 =	smul.u32 $0x50000, s1;
	s18 =	simm.s32 $0x14B80;
	[dreg:$0x14] =	wrdreg s16  }
0xe: {  	s6 =	ssub.s32 $0x2, s1;
	s19 =	simm.s32 $0x14500;
	[dreg:$0x15] =	wrdreg s18  }
0xf: {  	s21 =	simm.s32 $0x14580;
	s22 =	simm.s32 $0x14C80;
	[dreg:$0x16] =	wrdreg s19  }
0x10: {  	s12 =	sshrl.u32 s6, $0x1;
	s15 =	sadd.s32 $0xE000, s8;
	[dreg:$0x18] =	wrdreg s21  }
0x11: {  	s16 =	sadd.s32 $0x10000, s8;
	[dreg:$0x19] =	wrdreg s22;
	s5 =	sadd.s32 s5, s4  }
0x12: {  	s4 =	smul.u32 $0x140000, s1;
	s1 =	sor.u32 $0x2000, s8;
	s6 =	ssub.s32 s6, s12  }
0x13: {  	s12 =	simm.s32 $0x14100;
	s10 =	sshrl.u32 s5, $0x3;
	s5 =	sadd.s32 $0x3EE00, s0  }
0x14: {  	[dreg:$0x7] =	wrdreg s12;
	s18 =	smax.u32 s6, $0x1;
	s19 =	sadd.s32 s1, s2  }
0x15: {  	s6 =	simm.s32 $0x15000;
	s11 =	sadd.s32 s10, s0;
	s7 =	sadd.s32 s4, s8  }
0x16: {  	s13 =	sadd.s32 s4, s1;
	s9 =	sadd.s32 s10, s9;
	s23 =	sadd.s32 s4, s15  }
0x17: {  	[smem:$0x7EA] =	sst s18;
	s7 =	sshrl.u32 s7, $0x3;
	s24 =	sshrl.u32 s13, $0x3  }
0x18: {  	[dreg:$0x4] =	wrdreg s9;
	s26 =	sadd.s32 $0x2E00, s11;
	s11 =	simm.s32 $0x14080  }
0x19: {  	s9 =	sadd.s32 $0x6000, s8;
	s13 =	simm.s32 $0x14180;
	[dreg:$0x5] =	wrdreg s26  }
0x1a: {  	s7 =	sadd.s32 s5, s7;
	[dreg:$0x6] =	wrdreg s11;
	s14 =	sadd.s32 s4, s9  }
0x1b: {  	[dreg:$0x8] =	wrdreg s13;
	s26 =	simm.s32 $0x14A80;
	s21 =	sadd.s32 s9, s2  }
0x1c: {  	s9 =	simm.s32 $0x14800;
	[dreg:$0x1c] =	wrdreg s7;
	s7 =	sadd.s32 s5, s24  }
0x1d: {  	s11 =	sshrl.u32 s14, $0x3;
	s24 =	simm.s32 $0x14380;
	[dreg:$0x11] =	wrdreg s26  }
0x1e: {  	s14 =	simm.s32 $0x14400;
	[dreg:$0x1d] =	wrdreg s7;
	s7 =	sadd.s32 $0x4000, s8  }
0x1f: {  	s26 =	simm.s32 $0x14600;
	[dreg:$0x10] =	wrdreg s24;
	s25 =	sadd.s32 s4, s7  }
0x20: {  	s11 =	sadd.s32 s5, s11;
	[dreg:$0x12] =	wrdreg s14;
	s10 =	sshrl.u32 s25, $0x3  }
0x21: {  	s24 =	sadd.s32 s4, s16;
	[dreg:$0x1a] =	wrdreg s26;
	s10 =	sadd.s32 s5, s10  }
0x22: {  	s26 =	sadd.s32 s16, s2;
	[dreg:$0x1e] =	wrdreg s10;
	s10 =	sadd.s32 $0x8000, s8  }
0x23: {  	[dreg:$0x1f] =	wrdreg s11;
	s11 =	sshrl.u32 s24, $0x3;
	s20 =	sadd.s32 s4, s10  }
0x24: {  	s16 =	sshrl.u32 s26, $0x3;
	s11 =	sadd.s32 s5, s11;
	s12 =	sshrl.u32 s20, $0x3  }
0x25: {  	[smem:$0x7F2] =	sst s16;
	s16 =	simm.s32 $0x1B000;
	s12 =	sadd.s32 s5, s12  }
0x26: {  	s20 =	simm.s32 $0x14C00;
	[smem:$0x7E4] =	sst s12;
	s12 =	sadd.s32 $0xA000, s8  }
0x27: {  	[dreg:$0x17] =	wrdreg s20;
	s20 =	sadd.s32 s7, s2;
	s25 =	sadd.s32 s4, s12  }
0x28: {  	[smem:$0x7E8] =	sst s11;
	s1 =	sshrl.u32 s20, $0x3;
	s13 =	sshrl.u32 s25, $0x3  }
0x29: {  	[smem:$0x7EC] =	sst s1;
	s25 =	smul.u32 $0x50000, s17;
	s13 =	sadd.s32 s5, s13  }
0x2a: {  	s22 =	sadd.s32 s10, s2;
	[smem:$0x7E5] =	sst s13;
	s13 =	sadd.s32 $0xC000, s8  }
0x2b: {  	s8 =	sadd.s32 $0x12000, s8;
	s17 =	sshrl.u32 s25, $0x2;
	s25 =	sadd.s32 s15, s2  }
0x2c: {  	s14 =	sadd.s32 s4, s13;
	s4 =	sadd.s32 s4, s8;
	s15 =	sshrl.u32 s25, $0x3  }
0x2d: {  	s11 =	sadd.s32 s17, s2;
	s24 =	sadd.s32 s13, s2;
	[smem:$0x7F1] =	sst s15  }
0x2e: {  	s8 =	sadd.s32 s8, s2;
	s13 =	sshrl.u32 s24, $0x3;
	[smem:$0x7FC] =	sst s11  }
0x2f: {  	s10 =	simm.s32 $0x40;
	s17 =	sshrl.u32 s8, $0x3;
	[smem:$0x7F0] =	sst s13  }
0x30: {  	s7 =	simm.s32 $0x9;
	s18 =	sadd.s32 $0x2000, s11;
	[smem:$0x7F3] =	sst s17  }
0x31: {  	s1 =	simm.s32 $0x14F80;
	s20 =	sadd.s32 $0x6000, s11;
	[smem:$0x7F4] =	sst s18  }
0x32: {  	s14 =	sshrl.u32 s14, $0x3;
	s24 =	sadd.s32 $0xE000, s11;
	[smem:$0x7F6] =	sst s20  }
0x33: {  	s4 =	sshrl.u32 s4, $0x3;
	s25 =	sadd.s32 $0x10000, s11;
	[smem:$0x7FA] =	sst s24  }
0x34: {  	s26 =	sadd.s32 $0x12000, s11;
	s8 =	simm.s32 $0x14000;
	[smem:$0x7FB] =	sst s25  }
0x35: {  	s14 =	sadd.s32 s5, s14;
	s4 =	sadd.s32 s5, s4;
	[smem:$0x7FD] =	sst s26  }
0x36: {  	s13 =	simm.s32 $0x1;
	s17 =	simm.s32 $0x2;
	s18 =	simm.s32 $0x5  }
0x37: {  	s20 =	simm.s32 $0x6;
	s24 =	simm.s32 $0x14680;
	[smem:$0x7E6] =	sst s14  }
0x38: {  	s25 =	simm.s32 $0x14D80;
	[smem:$0x7E9] =	sst s4;
	s4 =	sshrl.u32 s21, $0x3  }
0x39: {  	s14 =	sshrl.u32 s23, $0x3;
	s21 =	sadd.s32 $0x8000, s11;
	[smem:$0x7ED] =	sst s4  }
0x3a: {  	s26 =	simm.s32 $0x14700;
	s14 =	sadd.s32 s5, s14;
	[smem:$0x7F7] =	sst s21  }
0x3b: {  	s23 =	sadd.s32 s12, s2;
	s5 =	sshrl.u32 s22, $0x3;
	[smem:$0x7E7] =	sst s14  }
0x3c: {  	s12 =	sshrl.u32 s23, $0x3;
	s22 =	sadd.s32 $0xA000, s11;
	[smem:$0x7EE] =	sst s5  }
0x3d: {  	s23 =	sadd.s32 $0xC000, s11;
	s21 =	simm.s32 $0x4;
	[smem:$0x7EF] =	sst s12  }
0x3e: {  	s4 =	simm.s32 $0x0;
	s14 =	simm.s32 $0x14D00;
	[smem:$0x7F8] =	sst s22  }
0x3f: {  	[smem:$0x7F9] =	sst s23;
	s12 =	simm.s32 $0x19000;
	s22 =	simm.s32 $0x7  }
0x40: {  	[dreg:$0x1b] =	wrdreg s14;
	s14 =	sadd.s32 $0x16E00, s0;
	s0 =	sshrl.u32 s19, $0x3  }
0x41: {  	s23 =	simm.s32 $0x8;
	s19 =	sadd.s32 $0x4000, s11;
	[smem:$0x7EB] =	sst s0  }
0x42: {  	v0 =	vimm.f32 $0.0e+00;
	s11 =	simm.s32 $0x17000;
	[smem:$0x7F5] =	sst s19;
	s19 =	simm.s32 $0x3  }
.LBB2_1:
0x43: {  	[smem:$0x7E3] =	sst s4;
	s4 =	simm.s32 $0x0;
	s5 =	simm.s32 $0x200  }
.LBB2_2:
0x44: {  	p0 =	sne.s32 s5, $0x7E00;
	[tilespmem:s4+$0x15070] =	vst v0  }
0x45: {  	[tilespmem:s4+$0x15000] =	vst v0  }
0x46: {  	[tilespmem:s4+$0x15010] =	vst v0  }
.Ltmp0:
0x47: {  	[tilespmem:s4+$0x15020] =	vst v0;
	(pc) =	sbr.rel @p0 .LBB2_2-.Ltmp0, $4  }
0x48: {  	[tilespmem:s4+$0x15030] =	vst v0  }
0x49: {  	[tilespmem:s4+$0x15040] =	vst v0  }
0x4a: {  	[tilespmem:s4+$0x15050] =	vst v0  }
0x4b: {  	[tilespmem:s4+$0x15060] =	vst v0;
	s4 =	sshra.s32 s5, $0x2;
	s5 =	sadd.s32 $0x200, s5  }
0x4c: {  	[tilespmem:s4+$0x15070] =	vst v0  }
0x4d: {  	[tilespmem:s4+$0x15000] =	vst v0  }
0x4e: {  	[tilespmem:s4+$0x15010] =	vst v0  }
0x4f: {  	[tilespmem:s4+$0x15020] =	vst v0  }
0x50: {  	[tilespmem:s4+$0x15030] =	vst v0  }
0x51: {  	[tilespmem:s4+$0x15040] =	vst v0;
	s0 =	sld [smem:$0x7FC]  }
0x52: {  	[tilespmem:s4+$0x15050] =	vst v0  }
0x53: {  	[tilespmem:s4+$0x15060] =	vst v0  }
0x54: {  	[spmem:s0] =	stream.linear.scatter [tilespmem:s6], [sflag:$0x9], $0x2000, $0x38;
	[tilespmem:$0x1D000] =	vst v63  }
0x55: {  	_ =	swait.ge [sflag:s7], $0x2000  }
0x56: {  	s5 =	sld [smem:$0x7F4]  }
0x57: {  	[sflag:s7] =	ssyncset.done $0x0  }
0x58: {  	[sflag:s7] =	ssyncadd.s32 $0xFFFFE000  }
0x59: {  	[spmem:s5] =	stream.linear.scatter [tilespmem:s6], [sflag:$0x9], $0x2000, $0x38;
	[tilespmem:$0x1D000] =	vst v63  }
0x5a: {  	_ =	swait.ge [sflag:s7], $0x2000  }
0x5b: {  	s15 =	sld [smem:$0x7F5]  }
0x5c: {  	[sflag:s7] =	ssyncset.done $0x0  }
0x5d: {  	[sflag:s7] =	ssyncadd.s32 $0xFFFFE000  }
0x5e: {  	[spmem:s15] =	stream.linear.scatter [tilespmem:s6], [sflag:$0x9], $0x2000, $0x38;
	[tilespmem:$0x1D000] =	vst v63  }
0x5f: {  	_ =	swait.ge [sflag:s7], $0x2000  }
0x60: {  	s4 =	sld [smem:$0x7F6]  }
0x61: {  	[sflag:s7] =	ssyncset.done $0x0  }
0x62: {  	[sflag:s7] =	ssyncadd.s32 $0xFFFFE000  }
0x63: {  	[spmem:s4] =	stream.linear.scatter [tilespmem:s6], [sflag:$0x9], $0x2000, $0x38;
	[tilespmem:$0x1D000] =	vst v63  }
0x64: {  	_ =	swait.ge [sflag:s7], $0x2000  }
0x65: {  	s5 =	sld [smem:$0x7F7]  }
0x66: {  	[sflag:s7] =	ssyncset.done $0x0  }
0x67: {  	[sflag:s7] =	ssyncadd.s32 $0xFFFFE000  }
0x68: {  	[spmem:s5] =	stream.linear.scatter [tilespmem:s6], [sflag:$0x9], $0x2000, $0x38;
	[tilespmem:$0x1D000] =	vst v63  }
0x69: {  	_ =	swait.ge [sflag:s7], $0x2000  }
0x6a: {  	s15 =	sld [smem:$0x7F8]  }
0x6b: {  	[sflag:s7] =	ssyncset.done $0x0  }
0x6c: {  	[sflag:s7] =	ssyncadd.s32 $0xFFFFE000  }
0x6d: {  	[spmem:s15] =	stream.linear.scatter [tilespmem:s6], [sflag:$0x9], $0x2000, $0x38;
	[tilespmem:$0x1D000] =	vst v63  }
0x6e: {  	_ =	swait.ge [sflag:s7], $0x2000  }
0x6f: {  	s4 =	sld [smem:$0x7F9]  }
0x70: {  	[sflag:s7] =	ssyncset.done $0x0  }
0x71: {  	[sflag:s7] =	ssyncadd.s32 $0xFFFFE000  }
0x72: {  	[spmem:s4] =	stream.linear.scatter [tilespmem:s6], [sflag:$0x9], $0x2000, $0x38;
	[tilespmem:$0x1D000] =	vst v63  }
0x73: {  	_ =	swait.ge [sflag:s7], $0x2000  }
0x74: {  	s5 =	sld [smem:$0x7FA]  }
0x75: {  	[sflag:s7] =	ssyncset.done $0x0  }
0x76: {  	[sflag:s7] =	ssyncadd.s32 $0xFFFFE000  }
0x77: {  	[spmem:s5] =	stream.linear.scatter [tilespmem:s6], [sflag:$0x9], $0x2000, $0x38;
	[tilespmem:$0x1D000] =	vst v63  }
0x78: {  	_ =	swait.ge [sflag:s7], $0x2000  }
0x79: {  	s15 =	sld [smem:$0x7FB]  }
0x7a: {  	[sflag:s7] =	ssyncset.done $0x0  }
0x7b: {  	[sflag:s7] =	ssyncadd.s32 $0xFFFFE000  }
0x7c: {  	[spmem:s15] =	stream.linear.scatter [tilespmem:s6], [sflag:$0x9], $0x2000, $0x38;
	[tilespmem:$0x1D000] =	vst v63  }
0x7d: {  	_ =	swait.ge [sflag:s7], $0x2000  }
0x7e: {  	s4 =	sld [smem:$0x7FD]  }
0x7f: {  	[sflag:s7] =	ssyncset.done $0x0  }
0x80: {  	[sflag:s7] =	ssyncadd.s32 $0xFFFFE000  }
0x81: {  	[spmem:s4] =	stream.linear.scatter [tilespmem:s6], [sflag:$0x9], $0x2000, $0x38;
	[tilespmem:$0x1D000] =	vst v63  }
0x82: {  	_ =	swait.ge [sflag:s7], $0x2000  }
0x83: {  	[sflag:s7] =	ssyncset.done $0x0  }
0x84: {  	[sflag:s7] =	ssyncadd.s32 $0xFFFFE000  }
0x85: {  	[bflag:$0x0] =	sbarrier.arrive $0xFFFF  }
0x86: {  	s5 =	rddreg [dreg:$0x5]  }
0x87: {  	s4 =	sadd.s32 $0x0, s5  }
0x88: {  	[tilespmem:s8], [sflag:$0x9] =	stream.linear.gather [hbm4b:s4+s3], $0x800, $0x38;
	[tilespmem:$0x1D000] =	vst v63  }
0x89: {  	_ =	swait.ge [sflag:s7], $0x800  }
0x8a: {  	s15 =	rddreg [dreg:$0x4];
	[sflag:s7] =	ssyncset.done $0x0  }
0x8b: {  	[sflag:s7] =	ssyncadd.s32 $0xFFFFF800;
	s4 =	sadd.s32 $0x0, s15  }
0x8c: {  	[tilespmem:s9], [sflag:$0x9] =	stream.linear.gather [hbm4b:s4+s3], $0x800, $0x38;
	[tilespmem:$0x1D000] =	vst v63  }
0x8d: {  	_ =	swait.ge [sflag:s7], $0x800  }
0x8e: {  	[sflag:s7] =	ssyncset.done $0x0  }
0x8f: {  	[sflag:s7] =	ssyncadd.s32 $0xFFFFF800  }
0x90: {  	[tilespmem:s6], [sflag:$0x1] =	stream.indirect.gather [hbm4b:s14+s10], $0x80, s8, s10, $0xb8;
	[tilespmem:$0x1D000] =	vst v63  }
0x91: {  	s0 =	rddreg [dreg:$0x6]  }
0x92: {  	[tilespmem:s11], [sflag:$0x2] =	stream.indirect.gather [hbm4b:s14+s10], $0x80, s0, s10, $0xb8;
	[tilespmem:$0x1D000] =	vst v63  }
0x93: {  	s5 =	rddreg [dreg:$0x7]  }
0x94: {  	[tilespmem:s12], [sflag:$0x3] =	stream.indirect.gather [hbm4b:s14+s10], $0x80, s5, s10, $0xb8;
	[tilespmem:$0x1D000] =	vst v63  }
0x95: {  	_ =	swait.ge [sflag:s13], $0x2000  }
0x96: {  	[sflag:s13] =	ssyncset.done $0x0  }
0x97: {  	[sflag:s13] =	ssyncadd.s32 $0xFFFFE000  }
0x98: {  	[spmem:s2] =	stream.indirect.scatter.add.f32 [tilespmem:s6], [sflag:$0x5], $0x80, s9, s10, $0xb8;
	[tilespmem:$0x1D000] =	vst v63  }
0x99: {  	s5 =	rddreg [dreg:$0x8]  }
0x9a: {  	[tilespmem:s16], [sflag:$0x4] =	stream.indirect.gather [hbm4b:s14+s10], $0x80, s5, s10, $0xb8;
	[tilespmem:$0x1D000] =	vst v63  }
0x9b: {  	_ =	swait.ge [sflag:s17], $0x2000  }
0x9c: {  	[sflag:s17] =	ssyncset.done $0x0  }
0x9d: {  	s15 =	rddreg [dreg:$0x9];
	[sflag:s17] =	ssyncadd.s32 $0xFFFFE000  }
0x9e: {  	[spmem:s2] =	stream.indirect.scatter.add.f32 [tilespmem:s11], [sflag:$0x6], $0x80, s15, s10, $0xb8;
	[tilespmem:$0x1D000] =	vst v63  }
0x9f: {  	_ =	swait.ge [sflag:s18], $0x2000  }
0xa0: {  	[sflag:s18] =	ssyncset.done $0x0  }
0xa1: {  	s0 =	rddreg [dreg:$0xa];
	[sflag:s18] =	ssyncadd.s32 $0xFFFFE000  }
0xa2: {  	[tilespmem:s6], [sflag:$0x1] =	stream.indirect.gather [hbm4b:s14+s10], $0x80, s0, s10, $0xb8;
	[tilespmem:$0x1D000] =	vst v63  }
0xa3: {  	_ =	swait.ge [sflag:s19], $0x2000  }
0xa4: {  	[sflag:s19] =	ssyncset.done $0x0  }
0xa5: {  	s5 =	rddreg [dreg:$0xb];
	[sflag:s19] =	ssyncadd.s32 $0xFFFFE000  }
0xa6: {  	[spmem:s2] =	stream.indirect.scatter.add.f32 [tilespmem:s12], [sflag:$0x7], $0x80, s5, s10, $0xb8;
	[tilespmem:$0x1D000] =	vst v63  }
0xa7: {  	_ =	swait.ge [sflag:s20], $0x2000  }
0xa8: {  	[sflag:s20] =	ssyncset.done $0x0  }
0xa9: {  	s15 =	rddreg [dreg:$0xc];
	[sflag:s20] =	ssyncadd.s32 $0xFFFFE000  }
0xaa: {  	[tilespmem:s11], [sflag:$0x2] =	stream.indirect.gather [hbm4b:s14+s10], $0x80, s15, s10, $0xb8;
	[tilespmem:$0x1D000] =	vst v63  }
0xab: {  	_ =	swait.ge [sflag:s21], $0x2000  }
0xac: {  	[sflag:s21] =	ssyncset.done $0x0  }
0xad: {  	s0 =	rddreg [dreg:$0xd];
	[sflag:s21] =	ssyncadd.s32 $0xFFFFE000  }
0xae: {  	[spmem:s2] =	stream.indirect.scatter.add.f32 [tilespmem:s16], [sflag:$0x8], $0x80, s0, s10, $0xb8;
	[tilespmem:$0x1D000] =	vst v63  }
0xaf: {  	_ =	swait.ge [sflag:s22], $0x2000  }
0xb0: {  	[sflag:s22] =	ssyncset.done $0x0  }
0xb1: {  	s5 =	rddreg [dreg:$0xe];
	[sflag:s22] =	ssyncadd.s32 $0xFFFFE000  }
0xb2: {  	[tilespmem:s12], [sflag:$0x3] =	stream.indirect.gather [hbm4b:s14+s10], $0x80, s5, s10, $0xb8;
	[tilespmem:$0x1D000] =	vst v63  }
0xb3: {  	_ =	swait.ge [sflag:s13], $0x2000  }
0xb4: {  	[sflag:s13] =	ssyncset.done $0x0  }
0xb5: {  	s15 =	rddreg [dreg:$0xf];
	[sflag:s13] =	ssyncadd.s32 $0xFFFFE000  }
0xb6: {  	[spmem:s2] =	stream.indirect.scatter.add.f32 [tilespmem:s6], [sflag:$0x5], $0x80, s15, s10, $0xb8;
	[tilespmem:$0x1D000] =	vst v63  }
0xb7: {  	_ =	swait.ge [sflag:s23], $0x2000  }
0xb8: {  	[sflag:s23] =	ssyncset.done $0x0  }
0xb9: {  	s0 =	rddreg [dreg:$0x10];
	[sflag:s23] =	ssyncadd.s32 $0xFFFFE000  }
0xba: {  	[tilespmem:s16], [sflag:$0x4] =	stream.indirect.gather [hbm4b:s14+s10], $0x80, s0, s10, $0xb8;
	[tilespmem:$0x1D000] =	vst v63  }
0xbb: {  	_ =	swait.ge [sflag:s17], $0x2000  }
0xbc: {  	[sflag:s17] =	ssyncset.done $0x0  }
0xbd: {  	s5 =	rddreg [dreg:$0x11];
	[sflag:s17] =	ssyncadd.s32 $0xFFFFE000  }
0xbe: {  	[spmem:s2] =	stream.indirect.scatter.add.f32 [tilespmem:s11], [sflag:$0x6], $0x80, s5, s10, $0xb8;
	[tilespmem:$0x1D000] =	vst v63  }
0xbf: {  	_ =	swait.ge [sflag:s18], $0x2000  }
0xc0: {  	[sflag:s18] =	ssyncset.done $0x0  }
0xc1: {  	s15 =	rddreg [dreg:$0x12];
	[sflag:s18] =	ssyncadd.s32 $0xFFFFE000  }
0xc2: {  	[tilespmem:s6], [sflag:$0x1] =	stream.indirect.gather [hbm4b:s14+s10], $0x80, s15, s10, $0xb8;
	[tilespmem:$0x1D000] =	vst v63  }
0xc3: {  	_ =	swait.ge [sflag:s19], $0x2000  }
0xc4: {  	[sflag:s19] =	ssyncset.done $0x0  }
0xc5: {  	s0 =	rddreg [dreg:$0x13];
	[sflag:s19] =	ssyncadd.s32 $0xFFFFE000  }
0xc6: {  	[spmem:s2] =	stream.indirect.scatter.add.f32 [tilespmem:s12], [sflag:$0x7], $0x80, s0, s10, $0xb8;
	[tilespmem:$0x1D000] =	vst v63  }
0xc7: {  	_ =	swait.ge [sflag:s20], $0x2000  }
0xc8: {  	[sflag:s20] =	ssyncset.done $0x0  }
0xc9: {  	s5 =	rddreg [dreg:$0x14];
	[sflag:s20] =	ssyncadd.s32 $0xFFFFE000  }
0xca: {  	[tilespmem:s11], [sflag:$0x2] =	stream.indirect.gather [hbm4b:s14+s10], $0x80, s5, s10, $0xb8;
	[tilespmem:$0x1D000] =	vst v63  }
0xcb: {  	_ =	swait.ge [sflag:s21], $0x2000  }
0xcc: {  	[sflag:s21] =	ssyncset.done $0x0  }
0xcd: {  	s15 =	rddreg [dreg:$0x15];
	[sflag:s21] =	ssyncadd.s32 $0xFFFFE000  }
0xce: {  	[spmem:s2] =	stream.indirect.scatter.add.f32 [tilespmem:s16], [sflag:$0x8], $0x80, s15, s10, $0xb8;
	[tilespmem:$0x1D000] =	vst v63  }
0xcf: {  	_ =	swait.ge [sflag:s22], $0x2000  }
0xd0: {  	[sflag:s22] =	ssyncset.done $0x0  }
0xd1: {  	s0 =	rddreg [dreg:$0x16];
	[sflag:s22] =	ssyncadd.s32 $0xFFFFE000  }
0xd2: {  	[tilespmem:s12], [sflag:$0x3] =	stream.indirect.gather [hbm4b:s14+s10], $0x80, s0, s10, $0xb8;
	[tilespmem:$0x1D000] =	vst v63  }
0xd3: {  	_ =	swait.ge [sflag:s13], $0x2000  }
0xd4: {  	[sflag:s13] =	ssyncset.done $0x0  }
0xd5: {  	s5 =	rddreg [dreg:$0x17];
	[sflag:s13] =	ssyncadd.s32 $0xFFFFE000  }
0xd6: {  	[spmem:s2] =	stream.indirect.scatter.add.f32 [tilespmem:s6], [sflag:$0x5], $0x80, s5, s10, $0xb8;
	[tilespmem:$0x1D000] =	vst v63  }
0xd7: {  	_ =	swait.ge [sflag:s23], $0x2000  }
0xd8: {  	[sflag:s23] =	ssyncset.done $0x0  }
0xd9: {  	s15 =	rddreg [dreg:$0x18];
	[sflag:s23] =	ssyncadd.s32 $0xFFFFE000  }
0xda: {  	[tilespmem:s16], [sflag:$0x4] =	stream.indirect.gather [hbm4b:s14+s10], $0x80, s15, s10, $0xb8;
	[tilespmem:$0x1D000] =	vst v63  }
0xdb: {  	_ =	swait.ge [sflag:s17], $0x2000  }
0xdc: {  	[sflag:s17] =	ssyncset.done $0x0  }
0xdd: {  	s0 =	rddreg [dreg:$0x19];
	[sflag:s17] =	ssyncadd.s32 $0xFFFFE000  }
0xde: {  	[spmem:s2] =	stream.indirect.scatter.add.f32 [tilespmem:s11], [sflag:$0x6], $0x80, s0, s10, $0xb8;
	[tilespmem:$0x1D000] =	vst v63  }
0xdf: {  	_ =	swait.ge [sflag:s18], $0x2000  }
0xe0: {  	[sflag:s18] =	ssyncset.done $0x0  }
0xe1: {  	s5 =	rddreg [dreg:$0x1a];
	[sflag:s18] =	ssyncadd.s32 $0xFFFFE000  }
0xe2: {  	[tilespmem:s6], [sflag:$0x1] =	stream.indirect.gather [hbm4b:s14+s10], $0x80, s5, s10, $0xb8;
	[tilespmem:$0x1D000] =	vst v63  }
0xe3: {  	_ =	swait.ge [sflag:s19], $0x2000  }
0xe4: {  	[sflag:s19] =	ssyncset.done $0x0  }
0xe5: {  	s15 =	rddreg [dreg:$0x1b];
	[sflag:s19] =	ssyncadd.s32 $0xFFFFE000  }
0xe6: {  	[spmem:s2] =	stream.indirect.scatter.add.f32 [tilespmem:s12], [sflag:$0x7], $0x80, s15, s10, $0xb8;
	[tilespmem:$0x1D000] =	vst v63  }
0xe7: {  	_ =	swait.ge [sflag:s20], $0x2000  }
0xe8: {  	[sflag:s20] =	ssyncset.done $0x0  }
0xe9: {  	[sflag:s20] =	ssyncadd.s32 $0xFFFFE000  }
0xea: {  	[tilespmem:s11], [sflag:$0x2] =	stream.indirect.gather [hbm4b:s14+s10], $0x80, s24, s10, $0xb8;
	[tilespmem:$0x1D000] =	vst v63  }
0xeb: {  	_ =	swait.ge [sflag:s21], $0x2000  }
0xec: {  	[sflag:s21] =	ssyncset.done $0x0  }
0xed: {  	[sflag:s21] =	ssyncadd.s32 $0xFFFFE000  }
0xee: {  	[spmem:s2] =	stream.indirect.scatter.add.f32 [tilespmem:s16], [sflag:$0x8], $0x80, s25, s10, $0xb8;
	[tilespmem:$0x1D000] =	vst v63  }
0xef: {  	_ =	swait.ge [sflag:s22], $0x2000  }
0xf0: {  	[sflag:s22] =	ssyncset.done $0x0  }
0xf1: {  	[sflag:s22] =	ssyncadd.s32 $0xFFFFE000  }
0xf2: {  	[tilespmem:s12], [sflag:$0x3] =	stream.indirect.gather [hbm4b:s14+s10], $0x80, s26, s10, $0xb8;
	[tilespmem:$0x1D000] =	vst v63  }
0xf3: {  	_ =	swait.ge [sflag:s13], $0x2000  }
0xf4: {  	[sflag:s13] =	ssyncset.done $0x0  }
0xf5: {  	[sflag:s13] =	ssyncadd.s32 $0xFFFFE000  }
0xf6: {  	[spmem:s2] =	stream.indirect.scatter.add.f32 [tilespmem:s6], [sflag:$0x5], $0x80, s28, s10, $0xb8;
	[tilespmem:$0x1D000] =	vst v63  }
0xf7: {  	_ =	swait.ge [sflag:s23], $0x2000  }
0xf8: {  	[sflag:s23] =	ssyncset.done $0x0  }
0xf9: {  	[sflag:s23] =	ssyncadd.s32 $0xFFFFE000  }
0xfa: {  	[tilespmem:s16], [sflag:$0x4] =	stream.indirect.gather [hbm4b:s14+s10], $0x80, s29, s10, $0xb8;
	[tilespmem:$0x1D000] =	vst v63  }
0xfb: {  	_ =	swait.ge [sflag:s17], $0x2000  }
0xfc: {  	[sflag:s17] =	ssyncset.done $0x0  }
0xfd: {  	[sflag:s17] =	ssyncadd.s32 $0xFFFFE000  }
0xfe: {  	[spmem:s2] =	stream.indirect.scatter.add.f32 [tilespmem:s11], [sflag:$0x6], $0x80, s30, s10, $0xb8;
	[tilespmem:$0x1D000] =	vst v63  }
0xff: {  	_ =	swait.ge [sflag:s19], $0x2000  }
0x100: {  	[sflag:s19] =	ssyncset.done $0x0  }
0x101: {  	[sflag:s19] =	ssyncadd.s32 $0xFFFFE000  }
0x102: {  	[spmem:s2] =	stream.indirect.scatter.add.f32 [tilespmem:s12], [sflag:$0x7], $0x80, s31, s10, $0xb8;
	[tilespmem:$0x1D000] =	vst v63  }
0x103: {  	_ =	swait.ge [sflag:s21], $0x2000  }
0x104: {  	[sflag:s21] =	ssyncset.done $0x0  }
0x105: {  	[sflag:s21] =	ssyncadd.s32 $0xFFFFE000  }
0x106: {  	[spmem:s2] =	stream.indirect.scatter.add.f32 [tilespmem:s16], [sflag:$0x8], $0x80, s1, s10, $0xb8;
	[tilespmem:$0x1D000] =	vst v63  }
0x107: {  	_ =	swait.ge [sflag:s18], $0x2000  }
0x108: {  	[sflag:s18] =	ssyncset.done $0x0  }
0x109: {  	[sflag:s18] =	ssyncadd.s32 $0xFFFFE000  }
0x10a: {  	_ =	swait.ge [sflag:s20], $0x2000  }
0x10b: {  	[sflag:s20] =	ssyncset.done $0x0  }
0x10c: {  	[sflag:s20] =	ssyncadd.s32 $0xFFFFE000  }
0x10d: {  	_ =	swait.ge [sflag:s22], $0x2000  }
0x10e: {  	[sflag:s22] =	ssyncset.done $0x0  }
0x10f: {  	[sflag:s22] =	ssyncadd.s32 $0xFFFFE000  }
0x110: {  	s4 =	simm.s32 $0x100;
	_ =	swait.ge [sflag:s23], $0x2000  }
0x111: {  	s5 =	simm.s32 $0x200;
	s15 =	rddreg [dreg:$0x5];
	[sflag:s23] =	ssyncset.done $0x0  }
.LBB2_4:
0x112: {  	[sflag:s23] =	ssyncadd.s32 $0xFFFFE000;
	s15 =	sadd.s32 s4, s15  }
0x113: {  	[tilespmem:s8], [sflag:$0x9] =	stream.linear.gather [hbm4b:s15+s3], $0x800, $0x38;
	[tilespmem:$0x1D000] =	vst v63  }
0x114: {  	_ =	swait.ge [sflag:s7], $0x800  }
0x115: {  	s15 =	rddreg [dreg:$0x4];
	[sflag:s7] =	ssyncset.done $0x0  }
0x116: {  	[sflag:s7] =	ssyncadd.s32 $0xFFFFF800;
	s15 =	sadd.s32 s4, s15  }
0x117: {  	[tilespmem:s9], [sflag:$0x9] =	stream.linear.gather [hbm4b:s15+s3], $0x800, $0x38;
	[tilespmem:$0x1D000] =	vst v63  }
0x118: {  	_ =	swait.ge [sflag:s7], $0x800  }
0x119: {  	[sflag:s7] =	ssyncset.done $0x0  }
0x11a: {  	s0 =	smov.u32 s5;
	[sflag:s7] =	ssyncadd.s32 $0xFFFFF800  }
0x11b: {  	[tilespmem:s6], [sflag:$0x1] =	stream.indirect.gather [hbm4b:s14+s10], $0x80, s8, s10, $0xb8;
	[tilespmem:$0x1D000] =	vst v63  }
0x11c: {  	s4 =	smov.u32 s0;
	s0 =	rddreg [dreg:$0x6]  }
0x11d: {  	[tilespmem:s11], [sflag:$0x2] =	stream.indirect.gather [hbm4b:s14+s10], $0x80, s0, s10, $0xb8;
	[tilespmem:$0x1D000] =	vst v63  }
0x11e: {  	s15 =	rddreg [dreg:$0x7]  }
0x11f: {  	[tilespmem:s12], [sflag:$0x3] =	stream.indirect.gather [hbm4b:s14+s10], $0x80, s15, s10, $0xb8;
	[tilespmem:$0x1D000] =	vst v63  }
0x120: {  	_ =	swait.ge [sflag:s13], $0x2000  }
0x121: {  	[sflag:s13] =	ssyncset.done $0x0  }
0x122: {  	[sflag:s13] =	ssyncadd.s32 $0xFFFFE000  }
0x123: {  	[spmem:s2] =	stream.indirect.scatter.add.f32 [tilespmem:s6], [sflag:$0x5], $0x80, s9, s10, $0xb8;
	[tilespmem:$0x1D000] =	vst v63  }
0x124: {  	s15 =	rddreg [dreg:$0x8]  }
0x125: {  	[tilespmem:s16], [sflag:$0x4] =	stream.indirect.gather [hbm4b:s14+s10], $0x80, s15, s10, $0xb8;
	[tilespmem:$0x1D000] =	vst v63  }
0x126: {  	_ =	swait.ge [sflag:s17], $0x2000  }
0x127: {  	[sflag:s17] =	ssyncset.done $0x0  }
0x128: {  	s15 =	rddreg [dreg:$0x9];
	[sflag:s17] =	ssyncadd.s32 $0xFFFFE000  }
0x129: {  	[spmem:s2] =	stream.indirect.scatter.add.f32 [tilespmem:s11], [sflag:$0x6], $0x80, s15, s10, $0xb8;
	[tilespmem:$0x1D000] =	vst v63  }
0x12a: {  	_ =	swait.ge [sflag:s18], $0x2000  }
0x12b: {  	[sflag:s18] =	ssyncset.done $0x0  }
0x12c: {  	s15 =	rddreg [dreg:$0xa];
	[sflag:s18] =	ssyncadd.s32 $0xFFFFE000  }
0x12d: {  	[tilespmem:s6], [sflag:$0x1] =	stream.indirect.gather [hbm4b:s14+s10], $0x80, s15, s10, $0xb8;
	[tilespmem:$0x1D000] =	vst v63  }
0x12e: {  	_ =	swait.ge [sflag:s19], $0x2000  }
0x12f: {  	[sflag:s19] =	ssyncset.done $0x0  }
0x130: {  	s15 =	rddreg [dreg:$0xb];
	[sflag:s19] =	ssyncadd.s32 $0xFFFFE000  }
0x131: {  	[spmem:s2] =	stream.indirect.scatter.add.f32 [tilespmem:s12], [sflag:$0x7], $0x80, s15, s10, $0xb8;
	[tilespmem:$0x1D000] =	vst v63  }
0x132: {  	_ =	swait.ge [sflag:s20], $0x2000  }
0x133: {  	[sflag:s20] =	ssyncset.done $0x0  }
0x134: {  	s15 =	rddreg [dreg:$0xc];
	[sflag:s20] =	ssyncadd.s32 $0xFFFFE000  }
0x135: {  	[tilespmem:s11], [sflag:$0x2] =	stream.indirect.gather [hbm4b:s14+s10], $0x80, s15, s10, $0xb8;
	[tilespmem:$0x1D000] =	vst v63  }
0x136: {  	_ =	swait.ge [sflag:s21], $0x2000  }
0x137: {  	[sflag:s21] =	ssyncset.done $0x0  }
0x138: {  	s15 =	rddreg [dreg:$0xd];
	[sflag:s21] =	ssyncadd.s32 $0xFFFFE000  }
0x139: {  	[spmem:s2] =	stream.indirect.scatter.add.f32 [tilespmem:s16], [sflag:$0x8], $0x80, s15, s10, $0xb8;
	[tilespmem:$0x1D000] =	vst v63  }
0x13a: {  	_ =	swait.ge [sflag:s22], $0x2000  }
0x13b: {  	[sflag:s22] =	ssyncset.done $0x0  }
0x13c: {  	s15 =	rddreg [dreg:$0xe];
	[sflag:s22] =	ssyncadd.s32 $0xFFFFE000  }
0x13d: {  	[tilespmem:s12], [sflag:$0x3] =	stream.indirect.gather [hbm4b:s14+s10], $0x80, s15, s10, $0xb8;
	[tilespmem:$0x1D000] =	vst v63  }
0x13e: {  	_ =	swait.ge [sflag:s13], $0x2000  }
0x13f: {  	[sflag:s13] =	ssyncset.done $0x0  }
0x140: {  	s15 =	rddreg [dreg:$0xf];
	[sflag:s13] =	ssyncadd.s32 $0xFFFFE000  }
0x141: {  	[spmem:s2] =	stream.indirect.scatter.add.f32 [tilespmem:s6], [sflag:$0x5], $0x80, s15, s10, $0xb8;
	[tilespmem:$0x1D000] =	vst v63  }
0x142: {  	_ =	swait.ge [sflag:s23], $0x2000  }
0x143: {  	[sflag:s23] =	ssyncset.done $0x0  }
0x144: {  	s15 =	rddreg [dreg:$0x10];
	[sflag:s23] =	ssyncadd.s32 $0xFFFFE000  }
0x145: {  	[tilespmem:s16], [sflag:$0x4] =	stream.indirect.gather [hbm4b:s14+s10], $0x80, s15, s10, $0xb8;
	[tilespmem:$0x1D000] =	vst v63  }
0x146: {  	_ =	swait.ge [sflag:s17], $0x2000  }
0x147: {  	[sflag:s17] =	ssyncset.done $0x0  }
0x148: {  	s15 =	rddreg [dreg:$0x11];
	[sflag:s17] =	ssyncadd.s32 $0xFFFFE000  }
0x149: {  	[spmem:s2] =	stream.indirect.scatter.add.f32 [tilespmem:s11], [sflag:$0x6], $0x80, s15, s10, $0xb8;
	[tilespmem:$0x1D000] =	vst v63  }
0x14a: {  	_ =	swait.ge [sflag:s18], $0x2000  }
0x14b: {  	[sflag:s18] =	ssyncset.done $0x0  }
0x14c: {  	s15 =	rddreg [dreg:$0x12];
	[sflag:s18] =	ssyncadd.s32 $0xFFFFE000  }
0x14d: {  	[tilespmem:s6], [sflag:$0x1] =	stream.indirect.gather [hbm4b:s14+s10], $0x80, s15, s10, $0xb8;
	[tilespmem:$0x1D000] =	vst v63  }
0x14e: {  	_ =	swait.ge [sflag:s19], $0x2000  }
0x14f: {  	[sflag:s19] =	ssyncset.done $0x0  }
0x150: {  	s15 =	rddreg [dreg:$0x13];
	[sflag:s19] =	ssyncadd.s32 $0xFFFFE000  }
0x151: {  	[spmem:s2] =	stream.indirect.scatter.add.f32 [tilespmem:s12], [sflag:$0x7], $0x80, s15, s10, $0xb8;
	[tilespmem:$0x1D000] =	vst v63  }
0x152: {  	_ =	swait.ge [sflag:s20], $0x2000  }
0x153: {  	[sflag:s20] =	ssyncset.done $0x0  }
0x154: {  	s15 =	rddreg [dreg:$0x14];
	[sflag:s20] =	ssyncadd.s32 $0xFFFFE000  }
0x155: {  	[tilespmem:s11], [sflag:$0x2] =	stream.indirect.gather [hbm4b:s14+s10], $0x80, s15, s10, $0xb8;
	[tilespmem:$0x1D000] =	vst v63  }
0x156: {  	_ =	swait.ge [sflag:s21], $0x2000  }
0x157: {  	[sflag:s21] =	ssyncset.done $0x0  }
0x158: {  	s15 =	rddreg [dreg:$0x15];
	[sflag:s21] =	ssyncadd.s32 $0xFFFFE000  }
0x159: {  	[spmem:s2] =	stream.indirect.scatter.add.f32 [tilespmem:s16], [sflag:$0x8], $0x80, s15, s10, $0xb8;
	[tilespmem:$0x1D000] =	vst v63  }
0x15a: {  	_ =	swait.ge [sflag:s22], $0x2000  }
0x15b: {  	[sflag:s22] =	ssyncset.done $0x0  }
0x15c: {  	s15 =	rddreg [dreg:$0x16];
	[sflag:s22] =	ssyncadd.s32 $0xFFFFE000  }
0x15d: {  	[tilespmem:s12], [sflag:$0x3] =	stream.indirect.gather [hbm4b:s14+s10], $0x80, s15, s10, $0xb8;
	[tilespmem:$0x1D000] =	vst v63  }
0x15e: {  	_ =	swait.ge [sflag:s13], $0x2000  }
0x15f: {  	[sflag:s13] =	ssyncset.done $0x0  }
0x160: {  	s15 =	rddreg [dreg:$0x17];
	[sflag:s13] =	ssyncadd.s32 $0xFFFFE000  }
0x161: {  	[spmem:s2] =	stream.indirect.scatter.add.f32 [tilespmem:s6], [sflag:$0x5], $0x80, s15, s10, $0xb8;
	[tilespmem:$0x1D000] =	vst v63  }
0x162: {  	_ =	swait.ge [sflag:s23], $0x2000  }
0x163: {  	[sflag:s23] =	ssyncset.done $0x0  }
0x164: {  	s15 =	rddreg [dreg:$0x18];
	[sflag:s23] =	ssyncadd.s32 $0xFFFFE000  }
0x165: {  	[tilespmem:s16], [sflag:$0x4] =	stream.indirect.gather [hbm4b:s14+s10], $0x80, s15, s10, $0xb8;
	[tilespmem:$0x1D000] =	vst v63  }
0x166: {  	_ =	swait.ge [sflag:s17], $0x2000  }
0x167: {  	[sflag:s17] =	ssyncset.done $0x0  }
0x168: {  	s15 =	rddreg [dreg:$0x19];
	[sflag:s17] =	ssyncadd.s32 $0xFFFFE000  }
0x169: {  	[spmem:s2] =	stream.indirect.scatter.add.f32 [tilespmem:s11], [sflag:$0x6], $0x80, s15, s10, $0xb8;
	[tilespmem:$0x1D000] =	vst v63  }
0x16a: {  	_ =	swait.ge [sflag:s18], $0x2000  }
0x16b: {  	[sflag:s18] =	ssyncset.done $0x0  }
0x16c: {  	s15 =	rddreg [dreg:$0x1a];
	[sflag:s18] =	ssyncadd.s32 $0xFFFFE000  }
0x16d: {  	[tilespmem:s6], [sflag:$0x1] =	stream.indirect.gather [hbm4b:s14+s10], $0x80, s15, s10, $0xb8;
	[tilespmem:$0x1D000] =	vst v63  }
0x16e: {  	_ =	swait.ge [sflag:s19], $0x2000  }
0x16f: {  	[sflag:s19] =	ssyncset.done $0x0  }
0x170: {  	s15 =	rddreg [dreg:$0x1b];
	[sflag:s19] =	ssyncadd.s32 $0xFFFFE000  }
0x171: {  	[spmem:s2] =	stream.indirect.scatter.add.f32 [tilespmem:s12], [sflag:$0x7], $0x80, s15, s10, $0xb8;
	[tilespmem:$0x1D000] =	vst v63  }
0x172: {  	_ =	swait.ge [sflag:s20], $0x2000  }
0x173: {  	[sflag:s20] =	ssyncset.done $0x0  }
0x174: {  	[sflag:s20] =	ssyncadd.s32 $0xFFFFE000  }
0x175: {  	[tilespmem:s11], [sflag:$0x2] =	stream.indirect.gather [hbm4b:s14+s10], $0x80, s24, s10, $0xb8;
	[tilespmem:$0x1D000] =	vst v63  }
0x176: {  	_ =	swait.ge [sflag:s21], $0x2000  }
0x177: {  	[sflag:s21] =	ssyncset.done $0x0  }
0x178: {  	[sflag:s21] =	ssyncadd.s32 $0xFFFFE000  }
0x179: {  	[spmem:s2] =	stream.indirect.scatter.add.f32 [tilespmem:s16], [sflag:$0x8], $0x80, s25, s10, $0xb8;
	[tilespmem:$0x1D000] =	vst v63  }
0x17a: {  	_ =	swait.ge [sflag:s22], $0x2000  }
0x17b: {  	[sflag:s22] =	ssyncset.done $0x0  }
0x17c: {  	[sflag:s22] =	ssyncadd.s32 $0xFFFFE000  }
0x17d: {  	[tilespmem:s12], [sflag:$0x3] =	stream.indirect.gather [hbm4b:s14+s10], $0x80, s26, s10, $0xb8;
	[tilespmem:$0x1D000] =	vst v63  }
0x17e: {  	_ =	swait.ge [sflag:s13], $0x2000  }
0x17f: {  	[sflag:s13] =	ssyncset.done $0x0  }
0x180: {  	[sflag:s13] =	ssyncadd.s32 $0xFFFFE000  }
0x181: {  	[spmem:s2] =	stream.indirect.scatter.add.f32 [tilespmem:s6], [sflag:$0x5], $0x80, s28, s10, $0xb8;
	[tilespmem:$0x1D000] =	vst v63  }
0x182: {  	_ =	swait.ge [sflag:s23], $0x2000  }
0x183: {  	[sflag:s23] =	ssyncset.done $0x0  }
0x184: {  	[sflag:s23] =	ssyncadd.s32 $0xFFFFE000  }
0x185: {  	[tilespmem:s16], [sflag:$0x4] =	stream.indirect.gather [hbm4b:s14+s10], $0x80, s29, s10, $0xb8;
	[tilespmem:$0x1D000] =	vst v63  }
0x186: {  	_ =	swait.ge [sflag:s17], $0x2000  }
0x187: {  	[sflag:s17] =	ssyncset.done $0x0  }
0x188: {  	[sflag:s17] =	ssyncadd.s32 $0xFFFFE000  }
0x189: {  	[spmem:s2] =	stream.indirect.scatter.add.f32 [tilespmem:s11], [sflag:$0x6], $0x80, s30, s10, $0xb8;
	[tilespmem:$0x1D000] =	vst v63  }
0x18a: {  	_ =	swait.ge [sflag:s19], $0x2000  }
0x18b: {  	[sflag:s19] =	ssyncset.done $0x0  }
0x18c: {  	[sflag:s19] =	ssyncadd.s32 $0xFFFFE000  }
0x18d: {  	[spmem:s2] =	stream.indirect.scatter.add.f32 [tilespmem:s12], [sflag:$0x7], $0x80, s31, s10, $0xb8;
	[tilespmem:$0x1D000] =	vst v63  }
0x18e: {  	_ =	swait.ge [sflag:s21], $0x2000  }
0x18f: {  	[sflag:s21] =	ssyncset.done $0x0  }
0x190: {  	[sflag:s21] =	ssyncadd.s32 $0xFFFFE000  }
0x191: {  	[spmem:s2] =	stream.indirect.scatter.add.f32 [tilespmem:s16], [sflag:$0x8], $0x80, s1, s10, $0xb8;
	[tilespmem:$0x1D000] =	vst v63  }
0x192: {  	_ =	swait.ge [sflag:s18], $0x2000  }
0x193: {  	[sflag:s18] =	ssyncset.done $0x0  }
0x194: {  	[sflag:s18] =	ssyncadd.s32 $0xFFFFE000  }
0x195: {  	_ =	swait.ge [sflag:s20], $0x2000  }
0x196: {  	[sflag:s20] =	ssyncset.done $0x0  }
0x197: {  	p0 =	sne.s32 s5, $0x900;
	[sflag:s20] =	ssyncadd.s32 $0xFFFFE000  }
.Ltmp1:
0x198: {  	_ =	swait.ge [sflag:s22], $0x2000;
	(pc) =	sbr.rel @p0 .LBB2_4-.Ltmp1, $4  }
0x199: {  	[sflag:s22] =	ssyncset.done $0x0  }
0x19a: {  	[sflag:s22] =	ssyncadd.s32 $0xFFFFE000  }
0x19b: {  	_ =	swait.ge [sflag:s23], $0x2000  }
0x19c: {  	s5 =	sadd.s32 $0x100, s5;
	s15 =	rddreg [dreg:$0x5];
	[sflag:s23] =	ssyncset.done $0x0  }
0x19d: {  	[sflag:s23] =	ssyncadd.s32 $0xFFFFE000;
	s0 =	sadd.s32 s4, s15  }
0x19e: {  	[tilespmem:s8], [sflag:$0x9] =	stream.linear.gather [hbm4b:s0+s3], $0x800, $0x38;
	[tilespmem:$0x1D000] =	vst v63  }
0x19f: {  	_ =	swait.ge [sflag:s7], $0x800  }
0x1a0: {  	s15 =	rddreg [dreg:$0x4];
	[sflag:s7] =	ssyncset.done $0x0  }
0x1a1: {  	[sflag:s7] =	ssyncadd.s32 $0xFFFFF800;
	s0 =	sadd.s32 s4, s15  }
0x1a2: {  	[tilespmem:s9], [sflag:$0x9] =	stream.linear.gather [hbm4b:s0+s3], $0x800, $0x38;
	[tilespmem:$0x1D000] =	vst v63  }
0x1a3: {  	_ =	swait.ge [sflag:s7], $0x800  }
0x1a4: {  	[sflag:s7] =	ssyncset.done $0x0  }
0x1a5: {  	[sflag:s7] =	ssyncadd.s32 $0xFFFFF800  }
0x1a6: {  	[tilespmem:s6], [sflag:$0x1] =	stream.indirect.gather [hbm4b:s14+s10], $0x80, s8, s10, $0xb8;
	[tilespmem:$0x1D000] =	vst v63  }
0x1a7: {  	s4 =	rddreg [dreg:$0x6]  }
0x1a8: {  	[tilespmem:s11], [sflag:$0x2] =	stream.indirect.gather [hbm4b:s14+s10], $0x80, s4, s10, $0xb8;
	[tilespmem:$0x1D000] =	vst v63  }
0x1a9: {  	s5 =	rddreg [dreg:$0x7]  }
0x1aa: {  	[tilespmem:s12], [sflag:$0x3] =	stream.indirect.gather [hbm4b:s14+s10], $0x80, s5, s10, $0xb8;
	[tilespmem:$0x1D000] =	vst v63  }
0x1ab: {  	_ =	swait.ge [sflag:s13], $0x2000  }
0x1ac: {  	[sflag:s13] =	ssyncset.done $0x0  }
0x1ad: {  	[sflag:s13] =	ssyncadd.s32 $0xFFFFE000  }
0x1ae: {  	[spmem:s2] =	stream.indirect.scatter.add.f32 [tilespmem:s6], [sflag:$0x5], $0x80, s9, s10, $0xb8;
	[tilespmem:$0x1D000] =	vst v63  }
0x1af: {  	s15 =	rddreg [dreg:$0x8]  }
0x1b0: {  	[tilespmem:s16], [sflag:$0x4] =	stream.indirect.gather [hbm4b:s14+s10], $0x80, s15, s10, $0xb8;
	[tilespmem:$0x1D000] =	vst v63  }
0x1b1: {  	_ =	swait.ge [sflag:s17], $0x2000  }
0x1b2: {  	[sflag:s17] =	ssyncset.done $0x0  }
0x1b3: {  	s4 =	rddreg [dreg:$0x9];
	[sflag:s17] =	ssyncadd.s32 $0xFFFFE000  }
0x1b4: {  	[spmem:s2] =	stream.indirect.scatter.add.f32 [tilespmem:s11], [sflag:$0x6], $0x80, s4, s10, $0xb8;
	[tilespmem:$0x1D000] =	vst v63  }
0x1b5: {  	_ =	swait.ge [sflag:s18], $0x2000  }
0x1b6: {  	[sflag:s18] =	ssyncset.done $0x0  }
0x1b7: {  	s5 =	rddreg [dreg:$0xa];
	[sflag:s18] =	ssyncadd.s32 $0xFFFFE000  }
0x1b8: {  	[tilespmem:s6], [sflag:$0x1] =	stream.indirect.gather [hbm4b:s14+s10], $0x80, s5, s10, $0xb8;
	[tilespmem:$0x1D000] =	vst v63  }
0x1b9: {  	_ =	swait.ge [sflag:s19], $0x2000  }
0x1ba: {  	[sflag:s19] =	ssyncset.done $0x0  }
0x1bb: {  	s15 =	rddreg [dreg:$0xb];
	[sflag:s19] =	ssyncadd.s32 $0xFFFFE000  }
0x1bc: {  	[spmem:s2] =	stream.indirect.scatter.add.f32 [tilespmem:s12], [sflag:$0x7], $0x80, s15, s10, $0xb8;
	[tilespmem:$0x1D000] =	vst v63  }
0x1bd: {  	_ =	swait.ge [sflag:s20], $0x2000  }
0x1be: {  	[sflag:s20] =	ssyncset.done $0x0  }
0x1bf: {  	s4 =	rddreg [dreg:$0xc];
	[sflag:s20] =	ssyncadd.s32 $0xFFFFE000  }
0x1c0: {  	[tilespmem:s11], [sflag:$0x2] =	stream.indirect.gather [hbm4b:s14+s10], $0x80, s4, s10, $0xb8;
	[tilespmem:$0x1D000] =	vst v63  }
0x1c1: {  	_ =	swait.ge [sflag:s21], $0x2000  }
0x1c2: {  	[sflag:s21] =	ssyncset.done $0x0  }
0x1c3: {  	s5 =	rddreg [dreg:$0xd];
	[sflag:s21] =	ssyncadd.s32 $0xFFFFE000  }
0x1c4: {  	[spmem:s2] =	stream.indirect.scatter.add.f32 [tilespmem:s16], [sflag:$0x8], $0x80, s5, s10, $0xb8;
	[tilespmem:$0x1D000] =	vst v63  }
0x1c5: {  	_ =	swait.ge [sflag:s22], $0x2000  }
0x1c6: {  	[sflag:s22] =	ssyncset.done $0x0  }
0x1c7: {  	s15 =	rddreg [dreg:$0xe];
	[sflag:s22] =	ssyncadd.s32 $0xFFFFE000  }
0x1c8: {  	[tilespmem:s12], [sflag:$0x3] =	stream.indirect.gather [hbm4b:s14+s10], $0x80, s15, s10, $0xb8;
	[tilespmem:$0x1D000] =	vst v63  }
0x1c9: {  	_ =	swait.ge [sflag:s13], $0x2000  }
0x1ca: {  	[sflag:s13] =	ssyncset.done $0x0  }
0x1cb: {  	s4 =	rddreg [dreg:$0xf];
	[sflag:s13] =	ssyncadd.s32 $0xFFFFE000  }
0x1cc: {  	[spmem:s2] =	stream.indirect.scatter.add.f32 [tilespmem:s6], [sflag:$0x5], $0x80, s4, s10, $0xb8;
	[tilespmem:$0x1D000] =	vst v63  }
0x1cd: {  	_ =	swait.ge [sflag:s23], $0x2000  }
0x1ce: {  	[sflag:s23] =	ssyncset.done $0x0  }
0x1cf: {  	s5 =	rddreg [dreg:$0x10];
	[sflag:s23] =	ssyncadd.s32 $0xFFFFE000  }
0x1d0: {  	[tilespmem:s16], [sflag:$0x4] =	stream.indirect.gather [hbm4b:s14+s10], $0x80, s5, s10, $0xb8;
	[tilespmem:$0x1D000] =	vst v63  }
0x1d1: {  	_ =	swait.ge [sflag:s17], $0x2000  }
0x1d2: {  	[sflag:s17] =	ssyncset.done $0x0  }
0x1d3: {  	s15 =	rddreg [dreg:$0x11];
	[sflag:s17] =	ssyncadd.s32 $0xFFFFE000  }
0x1d4: {  	[spmem:s2] =	stream.indirect.scatter.add.f32 [tilespmem:s11], [sflag:$0x6], $0x80, s15, s10, $0xb8;
	[tilespmem:$0x1D000] =	vst v63  }
0x1d5: {  	_ =	swait.ge [sflag:s18], $0x2000  }
0x1d6: {  	[sflag:s18] =	ssyncset.done $0x0  }
0x1d7: {  	s4 =	rddreg [dreg:$0x12];
	[sflag:s18] =	ssyncadd.s32 $0xFFFFE000  }
0x1d8: {  	[tilespmem:s6], [sflag:$0x1] =	stream.indirect.gather [hbm4b:s14+s10], $0x80, s4, s10, $0xb8;
	[tilespmem:$0x1D000] =	vst v63  }
0x1d9: {  	_ =	swait.ge [sflag:s19], $0x2000  }
0x1da: {  	[sflag:s19] =	ssyncset.done $0x0  }
0x1db: {  	s5 =	rddreg [dreg:$0x13];
	[sflag:s19] =	ssyncadd.s32 $0xFFFFE000  }
0x1dc: {  	[spmem:s2] =	stream.indirect.scatter.add.f32 [tilespmem:s12], [sflag:$0x7], $0x80, s5, s10, $0xb8;
	[tilespmem:$0x1D000] =	vst v63  }
0x1dd: {  	_ =	swait.ge [sflag:s20], $0x2000  }
0x1de: {  	[sflag:s20] =	ssyncset.done $0x0  }
0x1df: {  	s15 =	rddreg [dreg:$0x14];
	[sflag:s20] =	ssyncadd.s32 $0xFFFFE000  }
0x1e0: {  	[tilespmem:s11], [sflag:$0x2] =	stream.indirect.gather [hbm4b:s14+s10], $0x80, s15, s10, $0xb8;
	[tilespmem:$0x1D000] =	vst v63  }
0x1e1: {  	_ =	swait.ge [sflag:s21], $0x2000  }
0x1e2: {  	[sflag:s21] =	ssyncset.done $0x0  }
0x1e3: {  	s4 =	rddreg [dreg:$0x15];
	[sflag:s21] =	ssyncadd.s32 $0xFFFFE000  }
0x1e4: {  	[spmem:s2] =	stream.indirect.scatter.add.f32 [tilespmem:s16], [sflag:$0x8], $0x80, s4, s10, $0xb8;
	[tilespmem:$0x1D000] =	vst v63  }
0x1e5: {  	_ =	swait.ge [sflag:s22], $0x2000  }
0x1e6: {  	[sflag:s22] =	ssyncset.done $0x0  }
0x1e7: {  	s5 =	rddreg [dreg:$0x16];
	[sflag:s22] =	ssyncadd.s32 $0xFFFFE000  }
0x1e8: {  	[tilespmem:s12], [sflag:$0x3] =	stream.indirect.gather [hbm4b:s14+s10], $0x80, s5, s10, $0xb8;
	[tilespmem:$0x1D000] =	vst v63  }
0x1e9: {  	_ =	swait.ge [sflag:s13], $0x2000  }
0x1ea: {  	[sflag:s13] =	ssyncset.done $0x0  }
0x1eb: {  	s15 =	rddreg [dreg:$0x17];
	[sflag:s13] =	ssyncadd.s32 $0xFFFFE000  }
0x1ec: {  	[spmem:s2] =	stream.indirect.scatter.add.f32 [tilespmem:s6], [sflag:$0x5], $0x80, s15, s10, $0xb8;
	[tilespmem:$0x1D000] =	vst v63  }
0x1ed: {  	_ =	swait.ge [sflag:s23], $0x2000  }
0x1ee: {  	[sflag:s23] =	ssyncset.done $0x0  }
0x1ef: {  	s4 =	rddreg [dreg:$0x18];
	[sflag:s23] =	ssyncadd.s32 $0xFFFFE000  }
0x1f0: {  	[tilespmem:s16], [sflag:$0x4] =	stream.indirect.gather [hbm4b:s14+s10], $0x80, s4, s10, $0xb8;
	[tilespmem:$0x1D000] =	vst v63  }
0x1f1: {  	_ =	swait.ge [sflag:s17], $0x2000  }
0x1f2: {  	[sflag:s17] =	ssyncset.done $0x0  }
0x1f3: {  	s5 =	rddreg [dreg:$0x19];
	[sflag:s17] =	ssyncadd.s32 $0xFFFFE000  }
0x1f4: {  	[spmem:s2] =	stream.indirect.scatter.add.f32 [tilespmem:s11], [sflag:$0x6], $0x80, s5, s10, $0xb8;
	[tilespmem:$0x1D000] =	vst v63  }
0x1f5: {  	_ =	swait.ge [sflag:s18], $0x2000  }
0x1f6: {  	[sflag:s18] =	ssyncset.done $0x0  }
0x1f7: {  	s15 =	rddreg [dreg:$0x1a];
	[sflag:s18] =	ssyncadd.s32 $0xFFFFE000  }
0x1f8: {  	[tilespmem:s6], [sflag:$0x1] =	stream.indirect.gather [hbm4b:s14+s10], $0x80, s15, s10, $0xb8;
	[tilespmem:$0x1D000] =	vst v63  }
0x1f9: {  	_ =	swait.ge [sflag:s19], $0x2000  }
0x1fa: {  	[sflag:s19] =	ssyncset.done $0x0  }
0x1fb: {  	s4 =	rddreg [dreg:$0x1b];
	[sflag:s19] =	ssyncadd.s32 $0xFFFFE000  }
0x1fc: {  	[spmem:s2] =	stream.indirect.scatter.add.f32 [tilespmem:s12], [sflag:$0x7], $0x80, s4, s10, $0xb8;
	[tilespmem:$0x1D000] =	vst v63  }
0x1fd: {  	_ =	swait.ge [sflag:s20], $0x2000  }
0x1fe: {  	[sflag:s20] =	ssyncset.done $0x0  }
0x1ff: {  	[sflag:s20] =	ssyncadd.s32 $0xFFFFE000  }
0x200: {  	[tilespmem:s11], [sflag:$0x2] =	stream.indirect.gather [hbm4b:s14+s10], $0x80, s24, s10, $0xb8;
	[tilespmem:$0x1D000] =	vst v63  }
0x201: {  	_ =	swait.ge [sflag:s21], $0x2000  }
0x202: {  	[sflag:s21] =	ssyncset.done $0x0  }
0x203: {  	[sflag:s21] =	ssyncadd.s32 $0xFFFFE000  }
0x204: {  	[spmem:s2] =	stream.indirect.scatter.add.f32 [tilespmem:s16], [sflag:$0x8], $0x80, s25, s10, $0xb8;
	[tilespmem:$0x1D000] =	vst v63  }
0x205: {  	_ =	swait.ge [sflag:s22], $0x2000  }
0x206: {  	[sflag:s22] =	ssyncset.done $0x0  }
0x207: {  	[sflag:s22] =	ssyncadd.s32 $0xFFFFE000  }
0x208: {  	[tilespmem:s12], [sflag:$0x3] =	stream.indirect.gather [hbm4b:s14+s10], $0x80, s26, s10, $0xb8;
	[tilespmem:$0x1D000] =	vst v63  }
0x209: {  	_ =	swait.ge [sflag:s13], $0x2000  }
0x20a: {  	[sflag:s13] =	ssyncset.done $0x0  }
0x20b: {  	[sflag:s13] =	ssyncadd.s32 $0xFFFFE000  }
0x20c: {  	[spmem:s2] =	stream.indirect.scatter.add.f32 [tilespmem:s6], [sflag:$0x5], $0x80, s28, s10, $0xb8;
	[tilespmem:$0x1D000] =	vst v63  }
0x20d: {  	_ =	swait.ge [sflag:s23], $0x2000  }
0x20e: {  	[sflag:s23] =	ssyncset.done $0x0  }
0x20f: {  	[sflag:s23] =	ssyncadd.s32 $0xFFFFE000  }
0x210: {  	[tilespmem:s16], [sflag:$0x4] =	stream.indirect.gather [hbm4b:s14+s10], $0x80, s29, s10, $0xb8;
	[tilespmem:$0x1D000] =	vst v63  }
0x211: {  	_ =	swait.ge [sflag:s17], $0x2000  }
0x212: {  	[sflag:s17] =	ssyncset.done $0x0  }
0x213: {  	[sflag:s17] =	ssyncadd.s32 $0xFFFFE000  }
0x214: {  	[spmem:s2] =	stream.indirect.scatter.add.f32 [tilespmem:s11], [sflag:$0x6], $0x80, s30, s10, $0xb8;
	[tilespmem:$0x1D000] =	vst v63  }
0x215: {  	_ =	swait.ge [sflag:s19], $0x2000  }
0x216: {  	[sflag:s19] =	ssyncset.done $0x0  }
0x217: {  	[sflag:s19] =	ssyncadd.s32 $0xFFFFE000  }
0x218: {  	[spmem:s2] =	stream.indirect.scatter.add.f32 [tilespmem:s12], [sflag:$0x7], $0x80, s31, s10, $0xb8;
	[tilespmem:$0x1D000] =	vst v63  }
0x219: {  	_ =	swait.ge [sflag:s21], $0x2000  }
0x21a: {  	[sflag:s21] =	ssyncset.done $0x0  }
0x21b: {  	[sflag:s21] =	ssyncadd.s32 $0xFFFFE000  }
0x21c: {  	[spmem:s2] =	stream.indirect.scatter.add.f32 [tilespmem:s16], [sflag:$0x8], $0x80, s1, s10, $0xb8;
	[tilespmem:$0x1D000] =	vst v63  }
0x21d: {  	_ =	swait.ge [sflag:s18], $0x2000  }
0x21e: {  	[sflag:s18] =	ssyncset.done $0x0  }
0x21f: {  	[sflag:s18] =	ssyncadd.s32 $0xFFFFE000  }
0x220: {  	_ =	swait.ge [sflag:s20], $0x2000  }
0x221: {  	[sflag:s20] =	ssyncset.done $0x0  }
0x222: {  	[sflag:s20] =	ssyncadd.s32 $0xFFFFE000  }
0x223: {  	_ =	swait.ge [sflag:s22], $0x2000  }
0x224: {  	[sflag:s22] =	ssyncset.done $0x0  }
0x225: {  	[sflag:s22] =	ssyncadd.s32 $0xFFFFE000  }
0x226: {  	_ =	swait.ge [sflag:s23], $0x2000  }
0x227: {  	[sflag:s23] =	ssyncset.done $0x0  }
0x228: {  	[sflag:s23] =	ssyncadd.s32 $0xFFFFE000  }
0x229: {  	[bflag:$0x0] =	sbarrier.arrive $0xFFFF  }
0x22a: {  	s15 =	sld [smem:$0x7FC]  }
0x22b: {  	s5 =	stileid.u32  }
0x22c: {  	s0 =	sshll.u32 s5, $0x6  }
0x22d: {  	s0 =	sor.u32 $0x1C09, s0;
	s5 =	rddreg [dreg:$0x1c];
	s4 =	sshrl.u32 s15, $0x3  }
0x22e: {  	[hbm:s5], [sflag:s0] =	dma.local [spmem:s4], $0x400  }
0x22f: {  	_ =	swait.ge [sflag:s7], $0x400  }
0x230: {  	s15 =	sld [smem:$0x7EB]  }
0x231: {  	[sflag:s7] =	ssyncset.done $0x0  }
0x232: {  	s5 =	rddreg [dreg:$0x1d];
	[sflag:s7] =	ssyncadd.s32 $0xFFFFFC00  }
0x233: {  	[hbm:s5], [sflag:s0] =	dma.local [spmem:s15], $0x400  }
0x234: {  	_ =	swait.ge [sflag:s7], $0x400  }
0x235: {  	s15 =	sld [smem:$0x7EC]  }
0x236: {  	[sflag:s7] =	ssyncset.done $0x0  }
0x237: {  	s5 =	rddreg [dreg:$0x1e];
	[sflag:s7] =	ssyncadd.s32 $0xFFFFFC00  }
0x238: {  	[hbm:s5], [sflag:s0] =	dma.local [spmem:s15], $0x400  }
0x239: {  	_ =	swait.ge [sflag:s7], $0x400  }
0x23a: {  	s15 =	sld [smem:$0x7ED]  }
0x23b: {  	[sflag:s7] =	ssyncset.done $0x0  }
0x23c: {  	s5 =	rddreg [dreg:$0x1f];
	[sflag:s7] =	ssyncadd.s32 $0xFFFFFC00  }
0x23d: {  	[hbm:s5], [sflag:s0] =	dma.local [spmem:s15], $0x400  }
0x23e: {  	_ =	swait.ge [sflag:s7], $0x400  }
0x23f: {  	s5 =	sld [smem:$0x7E4]  }
0x240: {  	s15 =	sld [smem:$0x7EE]  }
0x241: {  	[sflag:s7] =	ssyncset.done $0x0  }
0x242: {  	[sflag:s7] =	ssyncadd.s32 $0xFFFFFC00  }
0x243: {  	[hbm:s5], [sflag:s0] =	dma.local [spmem:s15], $0x400  }
0x244: {  	_ =	swait.ge [sflag:s7], $0x400  }
0x245: {  	s5 =	sld [smem:$0x7E5]  }
0x246: {  	s15 =	sld [smem:$0x7EF]  }
0x247: {  	[sflag:s7] =	ssyncset.done $0x0  }
0x248: {  	[sflag:s7] =	ssyncadd.s32 $0xFFFFFC00  }
0x249: {  	[hbm:s5], [sflag:s0] =	dma.local [spmem:s15], $0x400  }
0x24a: {  	_ =	swait.ge [sflag:s7], $0x400  }
0x24b: {  	s5 =	sld [smem:$0x7E6]  }
0x24c: {  	s15 =	sld [smem:$0x7F0]  }
0x24d: {  	[sflag:s7] =	ssyncset.done $0x0  }
0x24e: {  	[sflag:s7] =	ssyncadd.s32 $0xFFFFFC00  }
0x24f: {  	[hbm:s5], [sflag:s0] =	dma.local [spmem:s15], $0x400  }
0x250: {  	_ =	swait.ge [sflag:s7], $0x400  }
0x251: {  	s5 =	sld [smem:$0x7E7]  }
0x252: {  	s15 =	sld [smem:$0x7F1]  }
0x253: {  	[sflag:s7] =	ssyncset.done $0x0  }
0x254: {  	[sflag:s7] =	ssyncadd.s32 $0xFFFFFC00  }
0x255: {  	[hbm:s5], [sflag:s0] =	dma.local [spmem:s15], $0x400  }
0x256: {  	_ =	swait.ge [sflag:s7], $0x400  }
0x257: {  	s5 =	sld [smem:$0x7E8]  }
0x258: {  	s15 =	sld [smem:$0x7F2]  }
0x259: {  	[sflag:s7] =	ssyncset.done $0x0  }
0x25a: {  	[sflag:s7] =	ssyncadd.s32 $0xFFFFFC00  }
0x25b: {  	[hbm:s5], [sflag:s0] =	dma.local [spmem:s15], $0x400  }
0x25c: {  	_ =	swait.ge [sflag:s7], $0x400  }
0x25d: {  	s5 =	sld [smem:$0x7E9]  }
0x25e: {  	s15 =	sld [smem:$0x7F3]  }
0x25f: {  	[sflag:s7] =	ssyncset.done $0x0  }
0x260: {  	[sflag:s7] =	ssyncadd.s32 $0xFFFFFC00  }
0x261: {  	[hbm:s5], [sflag:s0] =	dma.local [spmem:s15], $0x400  }
0x262: {  	_ =	swait.ge [sflag:s7], $0x400  }
0x263: {  	s5 =	sld [smem:$0x7E3]  }
0x264: {  	s15 =	sld [smem:$0x7EA];
	_ =	sdelay $0x1  }
0x265: {  	s4 =	sadd.s32 $0x1, s5  }
0x266: {  	p0 =	sne.s32 s4, s15  }
.Ltmp2:
0x267: {  	_ = 	snop;
	(pc) =	sbr.rel @p0 .LBB2_1-.Ltmp2, $3  }
0x268: {  	_ =	sdelay $0x1  }
0x269: {  	[sflag:s7] =	ssyncset.done $0x0  }
0x26a: {  	[sflag:s7] =	ssyncadd.s32 $0xFFFFFC00  }
0x26b: {  	_ =	sfence.sel $0x180000  }
0x26c: {  	[bflag:$0x0] =	sbarrier.arrive $0xFFFF  }
0x26d: {  	_ =	strace $0x9000004D  }
0x26e: {  	s0 =	stileid.u32;
	[bflag:$0x2] =	sbarrier.arrive $0xFFFF  }
0x26f: {  	p0 =	sne.s32 s0, $0x0;
	s0 =	rddreg [dreg:$0x3]  }
0x270: {  	s0 =	sadd.s32 @!p0 $0x100000, s0  }
0x271: {  	[sflag:s0] =	ssyncadd.tile.s32 @!p0 $0x1;
	_ =	shalt  }
.Lfunc_end2:
_tile_overlayer_lowered:
.L_overlay_start_2:
0x272: {  	(tag) =	ssettag $0x2  }
0x273: {  	s0 =	rddreg [dreg:$0x0];
	s2 =	stileid.u32  }
0x274: {  	s1 =	rddreg [dreg:$0x1];
	p0 =	sne.s32 s2, $0x0  }
0x275: {  	s3 =	rddreg [dreg:$0x2];
	[bflag:$0x3] =	sbarrier.arrive $0xFFFF;
	s2 =	simm.s32 @!p0 $0x1C09  }
0x276: {  	[timem:s3], [sflag:s2] =	dma.local @!p0 [hbm:s0], s1  }
0x277: {  	s0 =	simm.s32 @!p0 $0x9  }
0x278: {  	_ =	swait.ge @!p0 [sflag:s0], s1  }
0x279: {  	s1 =	ssub.s32 @!p0 $0x0, s1;
	[sflag:s0] =	ssyncset.done @!p0 $0x0  }
0x27a: {  	[sflag:s0] =	ssyncadd.s32 @!p0 s1  }
0x27b: {  	[bflag:$0x3] =	sbarrier.arrive $0xFFFF  }
0x27c: {  	_ =	shalt  }

// kernel: kernel.8.cloned.1.call-start
scs
__scs_entry_jumppad:
0x0: {  	(pc) =	sbr.rel $0x88, $3  }
0x1: {  	(tag) =	ssettag $0x0;
	lr =	simm.s32 $0x1  }
0x2: {  	[smem:$0x3F9B] =	sst lr;
	_ =	strace $0xD0000000  }
0x3: {  	_ = 	snop  }
0x4: {  	_ = 	snop  }
0x5: {  	_ = 	snop  }
0x6: {  	_ = 	snop  }
0x7: {  	_ = 	snop  }
__scs_overlays_trampoline_lowered:
0x8: {  	[smem:$0x3FAA] =	sst s0  }
0x9: {  	[smem:$0x3FAB] =	sst s1  }
0xa: {  	[smem:$0x3FAC] =	sst s2  }
0xb: {  	[smem:$0x3FAD] =	sst s3  }
0xc: {  	[smem:$0x3FAE] =	sst s4  }
0xd: {  	[smem:$0x3FAF] =	sst s5  }
0xe: {  	[smem:$0x3FB0] =	sst s6  }
0xf: {  	[smem:$0x3FB1] =	sst s7  }
0x10: {  	[smem:$0x3FB2] =	sst s8  }
0x11: {  	[smem:$0x3FB3] =	sst s9;
	s0 =	simm.s32 @!p0 $0x0  }
0x12: {  	s1 =	sld [smem:$0x3F99];
	s0 =	simm.s32 @p0 $0x1  }
0x13: {  	[smem:$0x3FB4] =	sst s0;
	s0 =	simm.s32 @!p1 $0x0  }
0x14: {  	s2 =	sld [smem:$0x3F98];
	s0 =	simm.s32 @p1 $0x1  }
0x15: {  	[smem:$0x3FB5] =	sst s0;
	s0 =	simm.s32 @!p2 $0x0  }
0x16: {  	s3 =	sld [smem:$0x3FDB];
	s0 =	simm.s32 @p2 $0x1  }
0x17: {  	s4 =	simm.s32 $0x1BF5;
	[smem:$0x3FB7] =	sst s0  }
0x18: {  	s0 =	sld [smem:$0x3F9A];
	_ =	swait.ge [sflag:s4], $0x0  }
0x19: {  	s7 =	sld [smem:$0x3F9B]  }
0x1a: {  	s8 =	sadd.s32 $0xFFFFE003, lr  }
0x1b: {  	s9 =	sadd.s32 $0xFFFFFEF7, lr;
	s5 =	simm.s32 $0xFFFFFFFF;
	p2 =	slt.u32 s8, $0xFFFFF086  }
0x1c: {  	p1 =	slt.u32 s9, $0xF7A;
	s5 =	simm.s32 @!p2 $0x0  }
0x1d: {  	s5 =	simm.s32 @p1 $0x1;
	p0 =	seq.s32 s7, s2  }
0x1e: {  	s7 =	smul.u32 @!p0 $0xF7A, s2;
	p2 =	seq.s32 @!p0 s5, $0x0  }
0x1f: {  	s9 =	smul.u32 $0xF7A, s1;
	s8 =	simm.s32 @!p0 $0x1BF5;
	p2 =	por !p2, p0  }
0x20: {  	[sflag:s8] =	ssyncset.s32 @!p0 $0xFFFFF086;
	s6 =	sadd.s32 @!p0 s3, s7;
	s7 =	simm.s32 @!p0 $0x108  }
0x21: {  	s3 =	sadd.s32 s3, s9;
	s6 =	sadd.s32 @!p0 $0x88, s6;
	s7 =	simm.s32 @p2 $0x1082  }
0x22: {  	[simem:s7], [sflag:s8] =	dma.local @!p0 [hbm:s6], $0xF7A  }
0x23: {  	s9 =	sor.u32 $0xD0000000, s2;
	s6 =	simm.s32 $0x108;
	_ =	swait.ge @!p0 [sflag:s8], $0x0  }
0x24: {  	s3 =	sadd.s32 $0x88, s3;
	s6 =	simm.s32 @!p1 $0x1082;
	[sflag:s4] =	ssyncset.s32 $0xFFFFF086  }
0x25: {  	[simem:s6], [sflag:s4] =	dma.local [hbm:s3], $0xF7A  }
0x26: {  	[smem:$0x3F9B] =	sst s1;
	(tag) =	ssettag s2;
	_ =	strace s9  }
0x27: {  	s1 =	sld [smem:$0x3FAB]  }
0x28: {  	s2 =	sld [smem:$0x3FAC]  }
0x29: {  	s4 =	sld [smem:$0x3FAE]  }
0x2a: {  	p0 =	seq.s32 s5, $0x0;
	s5 =	sld [smem:$0x3FAF]  }
0x2b: {  	s6 =	sld [smem:$0x3FB0]  }
0x2c: {  	s7 =	sld [smem:$0x3FB1]  }
0x2d: {  	s3 =	simm.s32 $0x108;
	s8 =	sld [smem:$0x3FB2]  }
0x2e: {  	s3 =	simm.s32 @!p0 $0x1082;
	s9 =	sld [smem:$0x3FB3]  }
0x2f: {  	lr =	sadd.s32 s0, s3;
	s0 =	sld [smem:$0x3FAA]  }
0x30: {  	s3 =	sld [smem:$0x3FAD]  }
0x31: {  	[smem:$0x3FB6] =	sst s10  }
0x32: {  	s10 =	sld [smem:$0x3FB4];
	_ =	sdelay $0x3  }
0x33: {  	p0 =	seq.s32 s10, $0x1;
	s10 =	sld [smem:$0x3FB6];
	_ =	sdelay $0x3  }
0x34: {  	[smem:$0x3FB6] =	sst s10  }
0x35: {  	s10 =	sld [smem:$0x3FB5];
	_ =	sdelay $0x3  }
0x36: {  	p1 =	seq.s32 s10, $0x1;
	s10 =	sld [smem:$0x3FB6];
	_ =	sdelay $0x3  }
0x37: {  	[smem:$0x3FB6] =	sst s10  }
0x38: {  	s10 =	sld [smem:$0x3FB7]  }
0x39: {  	_ = 	snop;
	(pc) =	sbr.ind lr, $3  }
0x3a: {  	_ = 	snop  }
0x3b: {  	_ = 	snop  }
0x3c: {  	p2 =	seq.s32 s10, $0x1;
	s10 =	sld [smem:$0x3FB6]  }
0x3d: {  	_ =	shalt  }
0x3e: {  	_ =	shalt  }
0x3f: {  	_ =	shalt  }
0x40: {  	_ =	shalt  }
0x41: {  	_ =	shalt  }
0x42: {  	_ =	shalt  }
0x43: {  	_ =	shalt  }
0x44: {  	_ =	shalt  }
0x45: {  	_ =	shalt  }
0x46: {  	_ =	shalt  }
0x47: {  	_ =	shalt  }
0x48: {  	_ =	shalt  }
0x49: {  	_ =	shalt  }
0x4a: {  	_ =	shalt  }
0x4b: {  	_ =	shalt  }
0x4c: {  	_ =	shalt  }
0x4d: {  	_ =	shalt  }
0x4e: {  	_ =	shalt  }
0x4f: {  	_ =	shalt  }
0x50: {  	_ =	shalt  }
0x51: {  	_ =	shalt  }
0x52: {  	_ =	shalt  }
0x53: {  	_ =	shalt  }
0x54: {  	_ =	shalt  }
0x55: {  	_ =	shalt  }
0x56: {  	_ =	shalt  }
0x57: {  	_ =	shalt  }
0x58: {  	_ =	shalt  }
0x59: {  	_ =	shalt  }
0x5a: {  	_ =	shalt  }
0x5b: {  	_ =	shalt  }
0x5c: {  	_ =	shalt  }
0x5d: {  	_ =	shalt  }
0x5e: {  	_ =	shalt  }
0x5f: {  	_ =	shalt  }
0x60: {  	_ =	shalt  }
0x61: {  	_ =	shalt  }
0x62: {  	_ =	shalt  }
0x63: {  	_ =	shalt  }
0x64: {  	_ =	shalt  }
0x65: {  	_ =	shalt  }
0x66: {  	_ =	shalt  }
0x67: {  	_ =	shalt  }
0x68: {  	_ =	shalt  }
0x69: {  	_ =	shalt  }
0x6a: {  	_ =	shalt  }
0x6b: {  	_ =	shalt  }
0x6c: {  	_ =	shalt  }
0x6d: {  	_ =	shalt  }
0x6e: {  	_ =	shalt  }
0x6f: {  	_ =	shalt  }
0x70: {  	_ =	shalt  }
0x71: {  	_ =	shalt  }
0x72: {  	_ =	shalt  }
0x73: {  	_ =	shalt  }
0x74: {  	_ =	shalt  }
0x75: {  	_ =	shalt  }
0x76: {  	_ =	shalt  }
0x77: {  	_ =	shalt  }
0x78: {  	_ =	shalt  }
0x79: {  	_ =	shalt  }
0x7a: {  	_ =	shalt  }
0x7b: {  	_ =	shalt  }
0x7c: {  	_ =	shalt  }
0x7d: {  	_ =	shalt  }
0x7e: {  	_ =	shalt  }
0x7f: {  	_ =	shalt  }
0x80: {  	_ =	shalt  }
0x81: {  	_ =	shalt  }
0x82: {  	_ =	shalt  }
0x83: {  	_ =	shalt  }
0x84: {  	_ =	shalt  }
0x85: {  	_ =	shalt  }
0x86: {  	_ =	shalt  }
0x87: {  	_ =	shalt  }
.Lfunc_end0:
.L_simem_size_0:
called_computation_lowered:
.L_overlay_start_0:
0x88: {  	s2 =	sld [smem:$0x3FD9]  }
0x89: {  	s3 =	sld [smem:$0x3FFE];
	_ =	sdelay $0x1  }
0x8a: {  	s1 =	srdreg.scid  }
0x8b: {  	s0 =	sand.u32 $0x1, s1  }
0x8c: {  	s17 =	sshll.u32 s0, $0xA;
	s2 =	sadd.s32 s3, s2  }
0x8d: {  	s2 =	sadd.s32 s2, s17  }
0x8e: {  	[smem:$0x3FC2] =	sst s2  }
0x8f: {  	_ = 	snop  }
0x90: {  	s2 =	sld [smem:$0x3FD0];
	(tm) =	ssettm $0x1  }
0x91: {  	s18 =	sld [smem:$0x3FFB];
	_ =	sdelay $0x3  }
0x92: {  	_ =	strace s18  }
0x93: {  	s3 =	sld [smem:$0x3FFC];
	_ =	sdelay $0x3  }
0x94: {  	_ =	strace s3  }
0x95: {  	s3 =	sld [smem:$0x3FFD];
	_ =	sdelay $0x3  }
0x96: {  	_ =	strace s3  }
0x97: {  	_ =	strace $0x8FFFFFFF  }
0x98: {  	s19 =	sld [smem:$0x3FDB];
	_ =	sdelay $0x1  }
0x99: {  	s4 =	simm.s32 $_scs_section_size  }
0x9a: {  	s5 =	simm.s32 $_size__tile_overlayer_lowered;
	s6 =	simm.s32 $_tile_overlayer_lowered  }
0x9b: {  	s22 =	simm.s32 $0x1BFF;
	s21 =	sshll.u32 s6, $0x1;
	s3 =	sadd.s32 s4, s19  }
0x9c: {  	s7 =	simm.s32 $0x0;
	s20 =	sshll.u32 s5, $0x1;
	s5 =	sadd.s32 s21, s3  }
0x9d: {  	[timem:s7], [sflag:s22] =	dma.local [hbm:s5], s20  }
0x9e: {  	_ =	swait.ge [sflag:s22], s20  }
0x9f: {  	s4 =	ssub.s32 $0x0, s20;
	[sflag:s22] =	ssyncset.done $0x0  }
0xa0: {  	[sflag:s22] =	ssyncadd.s32 s4;
	_ =	sdelay $0x1  }
0xa1: {  	s23 =	simm.s32 $0x1B8B  }
0xa2: {  	_ =	swait.ge [sflag:s23], $0x1  }
0xa3: {  	[sflag:s23] =	ssyncset.done $0x0  }
0xa4: {  	s25 =	simm.s32 $0x1B8E;
	s24 =	sld [smem:$0x3FFE];
	[sflag:s23] =	ssyncadd.s32 $0xFFFFFFFF  }
0xa5: {  	s26 =	simm.s32 $execute0_lowered;
	[smem:$0x3FD2] =	sst s25  }
0xa6: {  	s5 =	sshll.u32 s26, $0x1;
	_ =	strace $0x80000046;
	[dreg:$0x1] =	wrdreg $0xFFFFFFFF  }
0xa7: {  	s28 =	simm.s32 $_size_execute0_lowered;
	s3 =	sadd.s32 s3, s5;
	[dreg:$0x0] =	wrdreg $0x0  }
0xa8: {  	s5 =	sshll.u32 s28, $0x1;
	[dreg:$0x2] =	wrdreg s3  }
0xa9: {  	[dreg:$0x3] =	wrdreg s5  }
0xaa: {  	[dreg:$0x4] =	wrdreg $0xC0  }
0xab: {  	_ =	task [dreg:s7], $0x5FFFF  }
0xac: {  	[dreg:$0x1] =	wrdreg $0xFFFFFFFF  }
0xad: {  	[dreg:$0x0] =	wrdreg $0x60  }
0xae: {  	[dreg:$0x2] =	wrdreg s2  }
0xaf: {  	[dreg:$0x3] =	wrdreg s24  }
0xb0: {  	[dreg:$0x4] =	wrdreg $0x0  }
0xb1: {  	[dreg:$0x5] =	wrdreg $0x9  }
0xb2: {  	_ =	task.clear_ibuf [dreg:s7], $0x6FFFF;
	_ =	strace $0x90000046  }
0xb3: {  	s29 =	simm.s32 $0x9;
	_ =	strace $0x80000048  }
0xb4: {  	_ =	swait.ge [sflag:s29], $0x1  }
0xb5: {  	[sflag:s29] =	ssyncadd.s32 $0xFFFFFFFF  }
0xb6: {  	_ =	strace $0x90000048  }
0xb7: {  	_ =	sfence  }
0xb8: {  	s30 =	sld [smem:$0x0];
	_ =	sdelay $0x2  }
0xb9: {  	s31 =	sshll.u32 s1, $0xD;
	s1 =	sshrl.u32 s1, $0x2  }
0xba: {  	s3 =	sand.u32 $0x4000, s31;
	s1 =	sadd.s32 s1, s30  }
0xbb: {  	s0 =	sor.u32 s3, s0;
	s1 =	sshll.u32 s1, $0x11  }
0xbc: {  	s0 =	sor.u32 s1, s0  }
0xbd: {  	s0 =	sadd.s32 $0x8F2B, s0  }
0xbe: {  	[sflag:s0] =	ssyncadd.remote.s32 $0x1  }
0xbf: {  	_ =	sfence.sel $0xFFFF  }
0xc0: {  	[dreg:$0x0] =	wrdreg $0xFFFFFFFF;
	(pc) =	sbr.abs _section_cstart, $3  }
0xc1: {  	[dreg:$0x1] =	wrdreg $0xFFFFFFFF  }
0xc2: {  	_ =	task.clear_ibuf [dreg:s7], $0x2FFFF;
	_ =	strace $0x9FFFFFFF  }
0xc3: {  	(tm) =	ssettm $0x7FFFFFFF  }
tec
execute0_lowered:
.L_overlay_start_1:
0x0: {  	(tag) =	ssettag $0x1  }
0x1: {  	s4 =	rddreg [dreg:$0x0]  }
0x2: {  	s5 =	rddreg [dreg:$0x1]  }
0x3: {  	s2 =	rddreg [dreg:$0x2]  }
0x4: {  	s0 =	rddreg [dreg:$0x3];
	s6 =	srdreg.scid  }
0x5: {  	s1 =	stileid.u32;
	s3 =	simm.s32 $0x0;
	s11 =	simm.s32 $0x40  }
0x6: {  	s12 =	simm.s32 $0x5280;
	s15 =	simm.s32 $0x20;
	s16 =	simm.s32 $0x10  }
0x7: {  	s17 =	simm.s32 $0x0;
	s6 =	sand.u32 $0x1, s6;
	s7 =	smul.u32 $0x500, s1  }
0x8: {  	[smem:$0x7FF] =	sst s3;
	s9 =	smul.u32 $0xA00, s1;
	s13 =	sshll.u32 s1, $0x6  }
0x9: {  	s8 =	sshll.u32 s6, $0x7;
	_ =	strace $0x80000047;
	s30 =	sshll.u32 s6, $0x4  }
0xa: {  	s6 =	ssub.s32 $0x2, s6;
	s13 =	sor.u32 $0x1C01, s13;
	s7 =	sor.u32 s8, s7  }
0xb: {  	s8 =	sor.u32 s1, s30;
	s10 =	sshrl.u32 s6, $0x1;
	s31 =	sshrl.u32 s9, $0x2  }
0xc: {  	s9 =	simm.s32 $0x1;
	s7 =	sshrl.u32 s7, $0x3;
	s8 =	smul.u32 $0xA00, s8  }
0xd: {  	s10 =	ssub.s32 s6, s10;
	s7 =	sadd.s32 s7, s5;
	s5 =	sadd.s32 s31, s2  }
0xe: {  	s4 =	sadd.s32 s4, s8;
	s6 =	sadd.s32 $0x2400, s7;
	s7 =	smax.u32 s10, $0x1  }
0xf: {  	v0 =	vimm.f32 $1.000000000e+00;
	v1 =	vimm.f32 $0.0e+00;
	s8 =	simm.s32 $0x280;
	s10 =	simm.s32 $0x5300;
	s14 =	sshrl.u32 s5, $0x3  }
.LBB2_1:
0x10: {  	[tilespmem:s8], [sflag:$0x1] =	stream.linear.gather [hbm4b:s4+s3], $0x5000, $0x38;
	[tilespmem:$0x5580] =	vst v63  }
0x11: {  	_ =	swait.ge [sflag:s9], $0x5000  }
0x12: {  	[sflag:s9] =	ssyncset.done $0x0  }
0x13: {  	[sflag:s9] =	ssyncadd.s32 $0xFFFFB000  }
0x14: {  	[tilespmem:$0x5280] =	vst v0  }
0x15: {  	[tilespmem:$0x5290] =	vst v0  }
0x16: {  	[tilespmem:$0x52A0] =	vst v0  }
0x17: {  	[tilespmem:$0x52B0] =	vst v0  }
0x18: {  	[tilespmem:$0x5300] =	vst v1  }
0x19: {  	[tilespmem:$0x5310] =	vst v1  }
0x1a: {  	[tilespmem:$0x5320] =	vst v1  }
0x1b: {  	[tilespmem:$0x5330] =	vst v1  }
0x1c: {  	[tilespmem:$0x5340] =	vst v1  }
0x1d: {  	[tilespmem:$0x5350] =	vst v1  }
0x1e: {  	[tilespmem:$0x5360] =	vst v1  }
0x1f: {  	[tilespmem:$0x5370] =	vst v1  }
0x20: {  	[tilespmem:$0x5380] =	vst v1  }
0x21: {  	[tilespmem:$0x5390] =	vst v1  }
0x22: {  	[tilespmem:$0x53A0] =	vst v1  }
0x23: {  	[tilespmem:$0x53B0] =	vst v1  }
0x24: {  	[tilespmem:$0x53C0] =	vst v1  }
0x25: {  	[tilespmem:$0x53D0] =	vst v1  }
0x26: {  	[tilespmem:$0x53E0] =	vst v1  }
0x27: {  	[tilespmem:$0x53F0] =	vst v1  }
0x28: {  	[tilespmem:$0x5400] =	vst v1  }
0x29: {  	[tilespmem:$0x5410] =	vst v1  }
0x2a: {  	[tilespmem:$0x5420] =	vst v1  }
0x2b: {  	[tilespmem:$0x5430] =	vst v1  }
0x2c: {  	[tilespmem:$0x5440] =	vst v1  }
0x2d: {  	[tilespmem:$0x5450] =	vst v1  }
0x2e: {  	[tilespmem:$0x5460] =	vst v1  }
0x2f: {  	[tilespmem:$0x5470] =	vst v1  }
0x30: {  	[tilespmem:$0x5480] =	vst v1  }
0x31: {  	[tilespmem:$0x5490] =	vst v1  }
0x32: {  	[tilespmem:$0x54A0] =	vst v1  }
0x33: {  	[tilespmem:$0x54B0] =	vst v1  }
0x34: {  	[tilespmem:$0x54C0] =	vst v1  }
0x35: {  	[tilespmem:$0x54D0] =	vst v1  }
0x36: {  	[tilespmem:$0x54E0] =	vst v1  }
0x37: {  	[tilespmem:$0x54F0] =	vst v1  }
0x38: {  	[tilespmem:$0x5500] =	vst v1  }
0x39: {  	[tilespmem:$0x5510] =	vst v1  }
0x3a: {  	[tilespmem:$0x5520] =	vst v1  }
0x3b: {  	[tilespmem:$0x5530] =	vst v1  }
0x3c: {  	[tilespmem:$0x5540] =	vst v1  }
0x3d: {  	[tilespmem:$0x5550] =	vst v1  }
0x3e: {  	[tilespmem:$0x5560] =	vst v1  }
0x3f: {  	[tilespmem:$0x5570] =	vst v1  }
0x40: {  	[spmem:s5] =	stream.linear.scatter [tilespmem:s10], [sflag:$0x1], $0x280, $0x38;
	[tilespmem:$0x5580] =	vst v63  }
0x41: {  	_ =	swait.ge [sflag:s9], $0x280  }
0x42: {  	[sflag:s9] =	ssyncset.done $0x0  }
0x43: {  	[sflag:s9] =	ssyncadd.s32 $0xFFFFFD80  }
0x44: {  	s18 =	simm.s32 $0x280;
	[bflag:$0x0] =	sbarrier.arrive $0xFFFF  }
0x45: {  	[spmem:s2] =	stream.indirect.scatter.add.f32 [tilespmem:s12], [sflag:$0x1], $0x1, s18, s11, $0xb8;
	[tilespmem:$0x5580] =	vst v63  }
0x46: {  	s18 =	simm.s32 $0x200;
	_ =	swait.ge [sflag:s9], $0x40  }
.LBB2_2:
0x47: {  	s19 =	sshra.s32 s18, $0x2;
	[sflag:s9] =	ssyncset.done $0x0;
	p0 =	sne.s32 s18, $0x13E00  }
.Ltmp0:
0x48: {  	s19 =	sadd.s32 $0x280, s19;
	[sflag:s9] =	ssyncadd.s32 $0xFFFFFFC0;
	(pc) =	sbr.rel @p0 .LBB2_2-.Ltmp0, $3  }
0x49: {  	[spmem:s2] =	stream.indirect.scatter.add.f32 [tilespmem:s12], [sflag:$0x1], $0x1, s19, s11, $0xb8;
	[tilespmem:$0x5580] =	vst v63  }
0x4a: {  	s18 =	sadd.s32 $0x200, s18;
	_ =	sdelay $0x1  }
0x4b: {  	_ =	swait.ge [sflag:s9], $0x40  }
0x4c: {  	[sflag:s9] =	ssyncset.done $0x0;
	s17 =	sadd.s32 $0x1, s17  }
0x4d: {  	[sflag:s9] =	ssyncadd.s32 $0xFFFFFFC0;
	p0 =	sne.s32 s17, s7  }
.Ltmp1:
0x4e: {  	[bflag:$0x0] =	sbarrier.arrive $0xFFFF;
	(pc) =	sbr.rel @p0 .LBB2_1-.Ltmp1, $4  }
0x4f: {  	[hbm:s6@s15], [sflag:s13] =	dma.strided [spmem:s14@s16], $0x50, s9, $0x10   }
0x50: {  	_ =	swait.ge [sflag:s9], $0x50  }
0x51: {  	[sflag:s9] =	ssyncset.done $0x0  }
0x52: {  	[sflag:s9] =	ssyncadd.s32 $0xFFFFFFB0  }
0x53: {  	_ =	sfence.sel $0x180000  }
0x54: {  	[bflag:$0x0] =	sbarrier.arrive $0xFFFF  }
0x55: {  	p0 =	sne.s32 s1, $0x0;
	_ =	strace $0x90000047  }
0x56: {  	s0 =	sadd.s32 @!p0 $0x100000, s0;
	[bflag:$0x2] =	sbarrier.arrive $0xFFFF  }
0x57: {  	[sflag:s0] =	ssyncadd.tile.s32 @!p0 $0x1;
	_ =	shalt  }
.Lfunc_end2:
_tile_overlayer_lowered:
.L_overlay_start_2:
0x58: {  	(tag) =	ssettag $0x2  }
0x59: {  	s0 =	rddreg [dreg:$0x0];
	s2 =	stileid.u32  }
0x5a: {  	s1 =	rddreg [dreg:$0x1];
	p0 =	sne.s32 s2, $0x0  }
0x5b: {  	s3 =	rddreg [dreg:$0x2];
	[bflag:$0x3] =	sbarrier.arrive $0xFFFF;
	s2 =	simm.s32 @!p0 $0x1C01  }
0x5c: {  	[timem:s3], [sflag:s2] =	dma.local @!p0 [hbm:s0], s1  }
0x5d: {  	s0 =	simm.s32 @!p0 $0x1  }
0x5e: {  	_ =	swait.ge @!p0 [sflag:s0], s1  }
0x5f: {  	s1 =	ssub.s32 @!p0 $0x0, s1;
	[sflag:s0] =	ssyncset.done @!p0 $0x0  }
0x60: {  	[sflag:s0] =	ssyncadd.s32 @!p0 s1  }
0x61: {  	[bflag:$0x3] =	sbarrier.arrive $0xFFFF  }
0x62: {  	_ =	shalt  }

</sc_bundles>
